<compile_context>
chip_gen: v7x
topology: tpu7x:2x2x1
jax: 0.10.2.dev20260603
libtpu: 0.0.44.dev20260713+nightly
codegen_flags: <defaults>
</compile_context>

<pallas_src>
import functools

import jax
import jax.numpy as jnp
from jax import lax
from jax.experimental import pallas as pl
from jax.experimental.pallas import tpu as pltpu
from jax.experimental.pallas import tpu_sc as plsc

NPOINT = 2048
K = 16
IN_DIM = 64
OUT_DIM = 128
B = 4
N = 8192

_BIG = 3.4e38
_NEG = -3.4e38



def _fps_body(start_ref, xyz_ref, idx_ref, d0, d1, d2, d3):
    dref = (d0, d1, d2, d3)
    pidx = (lax.broadcasted_iota(jnp.int32, (8, 1024), 0) * 1024
            + lax.broadcasted_iota(jnp.int32, (8, 1024), 1))
    slotidx = (lax.broadcasted_iota(jnp.int32, (8, 256), 1) * 8
               + lax.broadcasted_iota(jnp.int32, (8, 256), 0))
    for b in range(B):
        dref[b][...] = jnp.full((8, 1024), 1e10, jnp.float32)
    acc0 = [jnp.zeros((8, 256), jnp.int32) for _ in range(B)]
    far0 = [jnp.full((1, 1), start_ref[b], jnp.int32) for b in range(B)]

    def step(i, carry):
        far, acc = carry
        nfar, nacc = [], []
        for b in range(B):
            fb = far[b]
            x = xyz_ref[b, 0]
            y = xyz_ref[b, 1]
            z = xyz_ref[b, 2]
            mask = pidx == fb
            red = lambda a: jnp.max(jnp.max(a, axis=0, keepdims=True),
                                    axis=1, keepdims=True)
            cx = red(jnp.where(mask, x, _NEG))
            cy = red(jnp.where(mask, y, _NEG))
            cz = red(jnp.where(mask, z, _NEG))
            nacc.append(jnp.where(slotidx == i, fb, acc[b]))
            dx = x - cx
            dy = y - cy
            dz = z - cz
            dd = dx * dx + dy * dy + dz * dz
            dnew = jnp.minimum(dref[b][...], dd)
            dref[b][...] = dnew
            m = red(dnew)
            sel = jnp.where(dnew == m, pidx, jnp.int32(2**30))
            nfar.append(jnp.min(jnp.min(sel, axis=0, keepdims=True),
                                axis=1, keepdims=True))
        return tuple(nfar), tuple(nacc)

    _, acc = lax.fori_loop(0, NPOINT, step, (tuple(far0), tuple(acc0)))
    for b in range(B):
        idx_ref[b] = acc[b] + b * N


def _fps(xyz_p, start):
    return pl.pallas_call(
        _fps_body,
        in_specs=[
            pl.BlockSpec(memory_space=pltpu.SMEM),
            pl.BlockSpec(memory_space=pltpu.VMEM),
        ],
        out_specs=pl.BlockSpec(memory_space=pltpu.VMEM),
        out_shape=jax.ShapeDtypeStruct((B, 8, 256), jnp.int32),
        scratch_shapes=[pltpu.VMEM((8, 1024), jnp.float32) for _ in range(B)],
    )(start, xyz_p)



def _xyzgather_body(tab_hbm, idx_hbm, out_hbm, idx_v, rows_v, sem):
    wid = lax.axis_index("s") * _NC + lax.axis_index("c")
    base = wid * (NPOINT * B // _NW)
    for c in range(NPOINT * B // _NW // 128):
        pltpu.sync_copy(idx_hbm.at[pl.ds(base + c * 128, 128)], idx_v)
        pltpu.async_copy(tab_hbm.at[idx_v], rows_v, sem).wait()
        pltpu.sync_copy(rows_v, out_hbm.at[pl.ds(base + c * 128, 128)])


def _gather_xyz(xyz_pad, idx_flat):
    mesh = plsc.VectorSubcoreMesh(core_axis_name="c", subcore_axis_name="s",
                                  num_cores=_NC)
    f = functools.partial(
        pl.kernel,
        out_type=jax.ShapeDtypeStruct((B * NPOINT, 128), jnp.float32),
        mesh=mesh,
        scratch_types=[
            pltpu.VMEM((128,), jnp.int32),
            pltpu.VMEM((128, 128), jnp.float32),
            pltpu.SemaphoreType.DMA,
        ],
    )(_xyzgather_body)
    return f(xyz_pad, idx_flat)



def _knn_body(nxq_ref, xyzt_ref, out_ref, d_ref):
    b = pl.program_id(0)
    q = nxq_ref[0]
    p = xyzt_ref[0]
    qx, qy, qz = q[:, 0:1], q[:, 1:2], q[:, 2:3]
    px, py, pz = p[0:1, :], p[1:2, :], p[2:3, :]
    aa = qx * qx + qy * qy + qz * qz
    bb = px * px + py * py + pz * pz
    ab = jnp.dot(q.astype(jnp.bfloat16), p.astype(jnp.bfloat16),
                 preferred_element_type=jnp.float32)
    d_ref[...] = aa + bb - 2.0 * ab
    iota_col = lax.broadcasted_iota(jnp.int32, (256, N), 1)
    cols = []
    for _ in range(K):
        dk = d_ref[...]
        m = jnp.min(dk, axis=1, keepdims=True)
        sel = jnp.where(dk == m, iota_col, jnp.int32(2**30))
        idx = jnp.min(sel, axis=1, keepdims=True)
        d_ref[...] = jnp.where(iota_col == idx, _BIG, dk)
        cols.append(idx)
    out_ref[0, 0] = jnp.concatenate(cols, axis=1) + b * N


def _knn(new_xyz, xyz_t):
    return pl.pallas_call(
        _knn_body,
        grid=(B, 8),
        in_specs=[
            pl.BlockSpec((1, 256, 3), lambda b, t: (b, t, 0)),
            pl.BlockSpec((1, 3, N), lambda b, t: (b, 0, 0)),
        ],
        out_specs=pl.BlockSpec((1, 1, 256, K), lambda b, t: (b, t, 0, 0)),
        out_shape=jax.ShapeDtypeStruct((B, 8, 256, K), jnp.int32),
        scratch_shapes=[pltpu.VMEM((256, N), jnp.float32)],
    )(new_xyz, xyz_t)



def _mlp_body(x_ref, wt_ref, b_ref, g_ref, bt_ref, mu_ref, var_ref, o_ref):
    h = jnp.dot(x_ref[...], wt_ref[...], preferred_element_type=jnp.float32)
    h = h + b_ref[...]
    h = (h - mu_ref[...]) / jnp.sqrt(var_ref[...] + 1e-5) * g_ref[...] + bt_ref[...]
    o_ref[...] = jax.nn.relu(h)


def _mlp(features, W, b, gamma, beta, mean, var):
    x = features.reshape(B * N, IN_DIM)
    wt = W.T
    vec = lambda v: v.reshape(1, OUT_DIM)
    grid = 16
    rows = (B * N) // grid
    vspec = pl.BlockSpec((1, OUT_DIM), lambda i: (0, 0))
    return pl.pallas_call(
        _mlp_body,
        grid=(grid,),
        in_specs=[
            pl.BlockSpec((rows, IN_DIM), lambda i: (i, 0)),
            pl.BlockSpec((IN_DIM, OUT_DIM), lambda i: (0, 0)),
            vspec, vspec, vspec, vspec, vspec,
        ],
        out_specs=pl.BlockSpec((rows, OUT_DIM), lambda i: (i, 0)),
        out_shape=jax.ShapeDtypeStruct((B * N, OUT_DIM), jnp.float32),
    )(x, wt, vec(b), vec(gamma), vec(beta), vec(mean), vec(var))



_NC, _NS = 2, 16
_NW = _NC * _NS
_QTOT = B * NPOINT
_QW = _QTOT // _NW
_QC = 8
_NCHUNK = _QW // _QC


def _group_body(h_hbm, idx_hbm, out_hbm, idx_v, rows_v, out_v, sem):
    wid = lax.axis_index("s") * _NC + lax.axis_index("c")
    qbase = wid * _QW

    def chunk(c, _):
        pltpu.sync_copy(idx_hbm.at[pl.ds(qbase * K + c * (_QC * K), _QC * K)],
                        idx_v)
        pltpu.async_copy(h_hbm.at[idx_v], rows_v, sem).wait()

        def per_q(qi, _):
            base = qi * K
            for j in range(OUT_DIM // 16):
                acc = rows_v[base, pl.ds(j * 16, 16)]
                for r in range(1, K):
                    acc = jnp.maximum(acc, rows_v[base + r, pl.ds(j * 16, 16)])
                out_v[qi, pl.ds(j * 16, 16)] = acc
            return 0

        lax.fori_loop(0, _QC, per_q, 0)
        pltpu.sync_copy(out_v, out_hbm.at[pl.ds(qbase + c * _QC, _QC)])
        return 0

    lax.fori_loop(0, _NCHUNK, chunk, 0)


def _group_max(h_flat, idx_flat):
    mesh = plsc.VectorSubcoreMesh(core_axis_name="c", subcore_axis_name="s",
                                  num_cores=_NC)
    f = functools.partial(
        pl.kernel,
        out_type=jax.ShapeDtypeStruct((_QTOT, OUT_DIM), jnp.float32),
        mesh=mesh,
        scratch_types=[
            pltpu.VMEM((_QC * K,), jnp.int32),
            pltpu.VMEM((_QC * K, OUT_DIM), jnp.float32),
            pltpu.VMEM((_QC, OUT_DIM), jnp.float32),
            pltpu.SemaphoreType.DMA,
        ],
    )(_group_body)
    return f(h_flat, idx_flat)



def kernel(xyz, features, W, b, gamma, beta, running_mean, running_var):
    start = jax.random.randint(jax.random.key(1), (B,), 0, N).astype(jnp.int32)
    xyz_t = jnp.transpose(xyz, (0, 2, 1))
    xyz_p = xyz_t.reshape(B, 3, 8, 1024)

    idx_cr = _fps(xyz_p, start)
    fps_flat = jnp.transpose(idx_cr, (0, 2, 1)).reshape(B * NPOINT)
    xyz_pad = jnp.pad(xyz.reshape(B * N, 3), ((0, 0), (0, 125)))
    nx_rows = _gather_xyz(xyz_pad, fps_flat)
    new_xyz = nx_rows[:, :3].reshape(B, NPOINT, 3)

    idx = _knn(new_xyz, xyz_t)
    idx_flat = idx.reshape(_QTOT * K)

    h_flat = _mlp(features, W, b, gamma, beta, running_mean, running_var)

    new_features = _group_max(h_flat, idx_flat).reshape(B, NPOINT, OUT_DIM)
    return (new_xyz, new_features)

# --- scband reference (transcript-rebuilt; emitter-appended) ---
"""Pipeline reference for scband-transition-down-layer-6588479832435 (READ-ONLY COPY).

The authoritative reference and input builder live on the scoring server;
editing this copy changes nothing except your own understanding.
"""

import jax, jax.numpy as jnp
import numpy as np

NPOINT = 2048
K = 16
IN_DIM = 64
OUT_DIM = 128


def farthest_point_sample(xyz, npoint):
    B, N, _ = xyz.shape
    farthest = jax.random.randint(jax.random.key(1), (B,), 0, N).astype(jnp.int32)
    distance = jnp.full((B, N), 1e10, dtype=jnp.float32)
    centroids = jnp.zeros((B, npoint), dtype=jnp.int32)

    def body(i, carry):
        centroids, distance, farthest = carry
        centroids = centroids.at[:, i].set(farthest)
        centroid = jnp.take_along_axis(xyz, farthest[:, None, None], axis=1)  # (B,1,3)
        dist = jnp.sum((xyz - centroid) ** 2, axis=-1)  # (B,N)
        distance = jnp.minimum(distance, dist)
        farthest = jnp.argmax(distance, axis=-1).astype(jnp.int32)
        return (centroids, distance, farthest)

    centroids, _, _ = jax.lax.fori_loop(0, npoint, body, (centroids, distance, farthest))
    return centroids


def points_from_idx(points, idx):
    raw = idx.shape
    idx2 = idx.reshape(raw[0], -1)
    res = jnp.take_along_axis(points, idx2[:, :, None], axis=1)  # (B, M, C)
    return res.reshape(*raw, points.shape[-1])


def pairwise_sqdist(a, b):
    # ||a-b||^2 = ||a||^2 + ||b||^2 - 2 a.b  (memory-efficient, same math)
    aa = jnp.sum(a * a, axis=-1)[:, :, None]
    bb = jnp.sum(b * b, axis=-1)[:, None, :]
    ab = jnp.einsum('bmd,bnd->bmn', a, b)
    return aa + bb - 2.0 * ab


def setup_inputs(seed: int = 0) -> dict:
    key = jax.random.key(seed)
    k1, k2, k3 = jax.random.split(key, 3)
    xyz = jax.random.normal(k1, (4, 8192, 3), dtype=jnp.float32)
    features = jax.random.normal(k2, (4, 8192, IN_DIM), dtype=jnp.float32)
    W = jax.random.normal(k3, (OUT_DIM, IN_DIM), dtype=jnp.float32) * (1.0 / np.sqrt(IN_DIM))
    b = jnp.zeros((OUT_DIM,), dtype=jnp.float32)
    gamma = jnp.ones((OUT_DIM,), dtype=jnp.float32)
    beta = jnp.zeros((OUT_DIM,), dtype=jnp.float32)
    running_mean = jnp.zeros((OUT_DIM,), dtype=jnp.float32)
    running_var = jnp.ones((OUT_DIM,), dtype=jnp.float32)
    return {"xyz": xyz, "features": features, "W": W, "b": b,
            "gamma": gamma, "beta": beta,
            "running_mean": running_mean, "running_var": running_var}


def reference(xyz, features, W, b, gamma, beta, running_mean, running_var):
    # 1) farthest point sampling -> indices of NPOINT well-spread points
    fps_idx = farthest_point_sample(xyz, NPOINT)  # (B, NPOINT) int32
    new_xyz = points_from_idx(xyz, fps_idx)       # (B, NPOINT, 3)
    # 2) kNN: k smallest squared distances from each new point to all points
    dists = pairwise_sqdist(new_xyz, xyz)         # (B, NPOINT, N)
    _, idx = jax.lax.top_k(-dists, K)             # (B, NPOINT, K)
    # 3) pointwise MLP (Conv1d k=1 + BatchNorm1d eval + ReLU) on all N points
    h = features @ W.T + b                        # (B, N, OUT_DIM)
    h = (h - running_mean) / jnp.sqrt(running_var + 1e-5) * gamma + beta
    h = jax.nn.relu(h)
    # 4) gather neighbor features and max-pool over neighborhood
    grouped = points_from_idx(h, idx)             # (B, NPOINT, K, OUT_DIM)
    new_features = jnp.max(grouped, axis=2)       # (B, NPOINT, OUT_DIM)
    return (new_xyz, new_features)

if __name__ == "__main__":
    import jax
    _d = setup_inputs()
    print(jax.jit(kernel)(*tuple(_d.values())))

</pallas_src>

<mosaic_0001>
#map = affine_map<(d0, d1) -> (0, 0)>
#map1 = affine_map<(d0, d1) -> (0)>
module attributes {stable_mosaic.version = 14 : i64} {
  func.func @_xyzgather_body(%arg0: i32, %arg1: i32, %arg2: memref<32768x128xf32, #tpu.memory_space<hbm>>, %arg3: memref<8192xi32, #tpu.memory_space<hbm>>, %arg4: memref<8192x128xf32, #tpu.memory_space<hbm>>, %arg5: memref<128xi32, #tpu.memory_space<vmem>>, %arg6: memref<128x128xf32, #tpu.memory_space<vmem>>, %arg7: memref<!tpu.dma_semaphore, #tpu.memory_space<semaphore_mem>>) attributes {dimension_semantics = [#tpu.dimension_semantics<core_parallel>, #tpu.dimension_semantics<subcore_parallel>], iteration_bounds = array<i64: 2, 16>, scalar_prefetch = 0 : i64, scratch_operands = 3 : i64, tpu.core_type = #tpu.core_type<sc_vector_subcore>, window_params = [{transform_indices = #map}, {transform_indices = #map1}, {transform_indices = #map}]} {
    %mul3A = arith.constant 2 : i32
    %mul3A_0 = arith.muli %arg1, %mul3A : i32
    %add3A = arith.addi %mul3A_0, %arg0 : i32
    %mul3A_1 = arith.constant 256 : i32
    %mul3A_2 = arith.muli %add3A, %mul3A_1 : i32
    %add3A_3 = arith.constant 0 : i32
    %add3A_4 = arith.addi %mul3A_2, %add3A_3 : i32
    "tpu.region"() ({
      %run_scoped3A = tpu.sem_alloc : memref<!tpu.dma_semaphore, #tpu.memory_space<semaphore_mem>>
      %dma_start3A_21 = tpu.memref_slice %arg3[%add3A_4] : memref<8192xi32, #tpu.memory_space<hbm>> -> memref<128xi32, #tpu.memory_space<hbm>>
      %dma_start3A_22 = tpu.memref_slice %arg3[%add3A_4] : memref<8192xi32, #tpu.memory_space<hbm>> -> memref<128xi32, #tpu.memory_space<hbm>>
      tpu.enqueue_dma source(%dma_start3A_22 : memref<128xi32, #tpu.memory_space<hbm>>) target(%arg5 : memref<128xi32, #tpu.memory_space<vmem>>) target_semaphore(%run_scoped3A : memref<!tpu.dma_semaphore, #tpu.memory_space<semaphore_mem>>)
      %dma_wait3A_23 = tpu.memref_slice %arg3[%add3A_4] : memref<8192xi32, #tpu.memory_space<hbm>> -> memref<128xi32, #tpu.memory_space<hbm>>
      %dma_wait3A_24 = tpu.memref_slice %arg3[%add3A_4] : memref<8192xi32, #tpu.memory_space<hbm>> -> memref<128xi32, #tpu.memory_space<hbm>>
      tpu.wait_dma2 semaphore(%run_scoped3A : memref<!tpu.dma_semaphore, #tpu.memory_space<semaphore_mem>>) src(%dma_wait3A_24 : memref<128xi32, #tpu.memory_space<hbm>>) dst(%arg5 : memref<128xi32, #tpu.memory_space<vmem>>)
      tpu.yield
    }) : () -> ()
    %dma_start3A = arith.constant 0 : i32
    %dma_start3A_5 = arith.constant 0 : i32
    %dma_start3A_6 = tpu.memref_slice %arg2[%dma_start3A, %dma_start3A_5] : memref<32768x128xf32, #tpu.memory_space<hbm>> -> memref<32768x128xf32, #tpu.memory_space<hbm>>
    tpu.enqueue_indirect_dma source(%dma_start3A_6 : memref<32768x128xf32, #tpu.memory_space<hbm>>) target(%arg6 : memref<128x128xf32, #tpu.memory_space<vmem>>) offsets(%arg5 : memref<128xi32, #tpu.memory_space<vmem>>) semaphore(%arg7 : memref<!tpu.dma_semaphore, #tpu.memory_space<semaphore_mem>>)
    %dma_wait3A = arith.constant 0 : i32
    %dma_wait3A_7 = arith.constant 0 : i32
    %dma_wait3A_8 = tpu.memref_slice %arg2[%dma_wait3A, %dma_wait3A_7] : memref<32768x128xf32, #tpu.memory_space<hbm>> -> memref<32768x128xf32, #tpu.memory_space<hbm>>
    tpu.wait_indirect_dma semaphore(%arg7 : memref<!tpu.dma_semaphore, #tpu.memory_space<semaphore_mem>>) src(%dma_wait3A_8 : memref<32768x128xf32, #tpu.memory_space<hbm>>) dst(%arg6 : memref<128x128xf32, #tpu.memory_space<vmem>>)
    %add3A_9 = arith.constant 0 : i32
    %add3A_10 = arith.addi %mul3A_2, %add3A_9 : i32
    "tpu.region"() ({
      %run_scoped3A = tpu.sem_alloc : memref<!tpu.dma_semaphore, #tpu.memory_space<semaphore_mem>>
      %dma_start3A_21 = arith.constant 0 : i32
      %dma_start3A_22 = tpu.memref_slice %arg4[%add3A_10, %dma_start3A_21] : memref<8192x128xf32, #tpu.memory_space<hbm>> -> memref<128x128xf32, #tpu.memory_space<hbm>>
      %dma_start3A_23 = arith.constant 0 : i32
      %dma_start3A_24 = tpu.memref_slice %arg4[%add3A_10, %dma_start3A_23] : memref<8192x128xf32, #tpu.memory_space<hbm>> -> memref<128x128xf32, #tpu.memory_space<hbm>>
      tpu.enqueue_dma source(%arg6 : memref<128x128xf32, #tpu.memory_space<vmem>>) target(%dma_start3A_24 : memref<128x128xf32, #tpu.memory_space<hbm>>) target_semaphore(%run_scoped3A : memref<!tpu.dma_semaphore, #tpu.memory_space<semaphore_mem>>)
      %dma_wait3A_25 = arith.constant 0 : i32
      %dma_wait3A_26 = tpu.memref_slice %arg4[%add3A_10, %dma_wait3A_25] : memref<8192x128xf32, #tpu.memory_space<hbm>> -> memref<128x128xf32, #tpu.memory_space<hbm>>
      %dma_wait3A_27 = arith.constant 0 : i32
      %dma_wait3A_28 = tpu.memref_slice %arg4[%add3A_10, %dma_wait3A_27] : memref<8192x128xf32, #tpu.memory_space<hbm>> -> memref<128x128xf32, #tpu.memory_space<hbm>>
      tpu.wait_dma2 semaphore(%run_scoped3A : memref<!tpu.dma_semaphore, #tpu.memory_space<semaphore_mem>>) src(%arg6 : memref<128x128xf32, #tpu.memory_space<vmem>>) dst(%dma_wait3A_28 : memref<128x128xf32, #tpu.memory_space<hbm>>)
      tpu.yield
    }) : () -> ()
    %add3A_11 = arith.constant 128 : i32
    %add3A_12 = arith.addi %mul3A_2, %add3A_11 : i32
    "tpu.region"() ({
      %run_scoped3A = tpu.sem_alloc : memref<!tpu.dma_semaphore, #tpu.memory_space<semaphore_mem>>
      %dma_start3A_21 = tpu.memref_slice %arg3[%add3A_12] : memref<8192xi32, #tpu.memory_space<hbm>> -> memref<128xi32, #tpu.memory_space<hbm>>
      %dma_start3A_22 = tpu.memref_slice %arg3[%add3A_12] : memref<8192xi32, #tpu.memory_space<hbm>> -> memref<128xi32, #tpu.memory_space<hbm>>
      tpu.enqueue_dma source(%dma_start3A_22 : memref<128xi32, #tpu.memory_space<hbm>>) target(%arg5 : memref<128xi32, #tpu.memory_space<vmem>>) target_semaphore(%run_scoped3A : memref<!tpu.dma_semaphore, #tpu.memory_space<semaphore_mem>>)
      %dma_wait3A_23 = tpu.memref_slice %arg3[%add3A_12] : memref<8192xi32, #tpu.memory_space<hbm>> -> memref<128xi32, #tpu.memory_space<hbm>>
      %dma_wait3A_24 = tpu.memref_slice %arg3[%add3A_12] : memref<8192xi32, #tpu.memory_space<hbm>> -> memref<128xi32, #tpu.memory_space<hbm>>
      tpu.wait_dma2 semaphore(%run_scoped3A : memref<!tpu.dma_semaphore, #tpu.memory_space<semaphore_mem>>) src(%dma_wait3A_24 : memref<128xi32, #tpu.memory_space<hbm>>) dst(%arg5 : memref<128xi32, #tpu.memory_space<vmem>>)
      tpu.yield
    }) : () -> ()
    %dma_start3A_13 = arith.constant 0 : i32
    %dma_start3A_14 = arith.constant 0 : i32
    %dma_start3A_15 = tpu.memref_slice %arg2[%dma_start3A_13, %dma_start3A_14] : memref<32768x128xf32, #tpu.memory_space<hbm>> -> memref<32768x128xf32, #tpu.memory_space<hbm>>
    tpu.enqueue_indirect_dma source(%dma_start3A_15 : memref<32768x128xf32, #tpu.memory_space<hbm>>) target(%arg6 : memref<128x128xf32, #tpu.memory_space<vmem>>) offsets(%arg5 : memref<128xi32, #tpu.memory_space<vmem>>) semaphore(%arg7 : memref<!tpu.dma_semaphore, #tpu.memory_space<semaphore_mem>>)
    %dma_wait3A_16 = arith.constant 0 : i32
    %dma_wait3A_17 = arith.constant 0 : i32
    %dma_wait3A_18 = tpu.memref_slice %arg2[%dma_wait3A_16, %dma_wait3A_17] : memref<32768x128xf32, #tpu.memory_space<hbm>> -> memref<32768x128xf32, #tpu.memory_space<hbm>>
    tpu.wait_indirect_dma semaphore(%arg7 : memref<!tpu.dma_semaphore, #tpu.memory_space<semaphore_mem>>) src(%dma_wait3A_18 : memref<32768x128xf32, #tpu.memory_space<hbm>>) dst(%arg6 : memref<128x128xf32, #tpu.memory_space<vmem>>)
    %add3A_19 = arith.constant 128 : i32
    %add3A_20 = arith.addi %mul3A_2, %add3A_19 : i32
    "tpu.region"() ({
      %run_scoped3A = tpu.sem_alloc : memref<!tpu.dma_semaphore, #tpu.memory_space<semaphore_mem>>
      %dma_start3A_21 = arith.constant 0 : i32
      %dma_start3A_22 = tpu.memref_slice %arg4[%add3A_20, %dma_start3A_21] : memref<8192x128xf32, #tpu.memory_space<hbm>> -> memref<128x128xf32, #tpu.memory_space<hbm>>
      %dma_start3A_23 = arith.constant 0 : i32
      %dma_start3A_24 = tpu.memref_slice %arg4[%add3A_20, %dma_start3A_23] : memref<8192x128xf32, #tpu.memory_space<hbm>> -> memref<128x128xf32, #tpu.memory_space<hbm>>
      tpu.enqueue_dma source(%arg6 : memref<128x128xf32, #tpu.memory_space<vmem>>) target(%dma_start3A_24 : memref<128x128xf32, #tpu.memory_space<hbm>>) target_semaphore(%run_scoped3A : memref<!tpu.dma_semaphore, #tpu.memory_space<semaphore_mem>>)
      %dma_wait3A_25 = arith.constant 0 : i32
      %dma_wait3A_26 = tpu.memref_slice %arg4[%add3A_20, %dma_wait3A_25] : memref<8192x128xf32, #tpu.memory_space<hbm>> -> memref<128x128xf32, #tpu.memory_space<hbm>>
      %dma_wait3A_27 = arith.constant 0 : i32
      %dma_wait3A_28 = tpu.memref_slice %arg4[%add3A_20, %dma_wait3A_27] : memref<8192x128xf32, #tpu.memory_space<hbm>> -> memref<128x128xf32, #tpu.memory_space<hbm>>
      tpu.wait_dma2 semaphore(%run_scoped3A : memref<!tpu.dma_semaphore, #tpu.memory_space<semaphore_mem>>) src(%arg6 : memref<128x128xf32, #tpu.memory_space<vmem>>) dst(%dma_wait3A_28 : memref<128x128xf32, #tpu.memory_space<hbm>>)
      tpu.yield
    }) : () -> ()
    return
  }
}

#map = affine_map<(d0, d1) -> (0, 0)>
#map1 = affine_map<(d0, d1) -> (0)>
module attributes {stable_mosaic.version = 14 : i64} {
  func.func @_group_body(%arg0: i32, %arg1: i32, %arg2: memref<32768x128xf32, #tpu.memory_space<hbm>>, %arg3: memref<131072xi32, #tpu.memory_space<hbm>>, %arg4: memref<8192x128xf32, #tpu.memory_space<hbm>>, %arg5: memref<128xi32, #tpu.memory_space<vmem>>, %arg6: memref<128x128xf32, #tpu.memory_space<vmem>>, %arg7: memref<8x128xf32, #tpu.memory_space<vmem>>, %arg8: memref<!tpu.dma_semaphore, #tpu.memory_space<semaphore_mem>>) attributes {dimension_semantics = [#tpu.dimension_semantics<core_parallel>, #tpu.dimension_semantics<subcore_parallel>], iteration_bounds = array<i64: 2, 16>, scalar_prefetch = 0 : i64, scratch_operands = 4 : i64, tpu.core_type = #tpu.core_type<sc_vector_subcore>, window_params = [{transform_indices = #map}, {transform_indices = #map1}, {transform_indices = #map}]} {
    %mul3A = arith.constant 2 : i32
    %mul3A_0 = arith.muli %arg1, %mul3A : i32
    %add3A = arith.addi %mul3A_0, %arg0 : i32
    %mul3A_1 = arith.constant 256 : i32
    %mul3A_2 = arith.muli %add3A, %mul3A_1 : i32
    %scan3A = arith.constant 0 : i32
    %scan3A_3 = arith.constant 0 : i32
    %scan3A_4 = arith.constant 32 : i32
    %scan3A_5 = arith.addi %scan3A_3, %scan3A_4 : i32
    %scan3A_6 = arith.constant 1 : i32
    %scan3A_7 = scf.for %scan3A_9 = %scan3A_3 to %scan3A_5 step %scan3A_6 iter_args(%scan3A_10 = %scan3A) -> (i32)  : i32 {
      %mul3A_11 = arith.constant 16 : i32
      %mul3A_12 = arith.muli %mul3A_2, %mul3A_11 : i32
      %mul3A_13 = arith.constant 128 : i32
      %mul3A_14 = arith.muli %scan3A_9, %mul3A_13 : i32
      %add3A_15 = arith.addi %mul3A_12, %mul3A_14 : i32
      "tpu.region"() ({
        %run_scoped3A = tpu.sem_alloc : memref<!tpu.dma_semaphore, #tpu.memory_space<semaphore_mem>>
        %dma_start3A_31 = tpu.memref_slice %arg3[%add3A_15] : memref<131072xi32, #tpu.memory_space<hbm>> -> memref<128xi32, #tpu.memory_space<hbm>>
        %dma_start3A_32 = tpu.memref_slice %arg3[%add3A_15] : memref<131072xi32, #tpu.memory_space<hbm>> -> memref<128xi32, #tpu.memory_space<hbm>>
        tpu.enqueue_dma source(%dma_start3A_32 : memref<128xi32, #tpu.memory_space<hbm>>) target(%arg5 : memref<128xi32, #tpu.memory_space<vmem>>) target_semaphore(%run_scoped3A : memref<!tpu.dma_semaphore, #tpu.memory_space<semaphore_mem>>)
        %dma_wait3A_33 = tpu.memref_slice %arg3[%add3A_15] : memref<131072xi32, #tpu.memory_space<hbm>> -> memref<128xi32, #tpu.memory_space<hbm>>
        %dma_wait3A_34 = tpu.memref_slice %arg3[%add3A_15] : memref<131072xi32, #tpu.memory_space<hbm>> -> memref<128xi32, #tpu.memory_space<hbm>>
        tpu.wait_dma2 semaphore(%run_scoped3A : memref<!tpu.dma_semaphore, #tpu.memory_space<semaphore_mem>>) src(%dma_wait3A_34 : memref<128xi32, #tpu.memory_space<hbm>>) dst(%arg5 : memref<128xi32, #tpu.memory_space<vmem>>)
        tpu.yield
      }) : () -> ()
      %dma_start3A = arith.constant 0 : i32
      %dma_start3A_16 = arith.constant 0 : i32
      %dma_start3A_17 = tpu.memref_slice %arg2[%dma_start3A, %dma_start3A_16] : memref<32768x128xf32, #tpu.memory_space<hbm>> -> memref<32768x128xf32, #tpu.memory_space<hbm>>
      tpu.enqueue_indirect_dma source(%dma_start3A_17 : memref<32768x128xf32, #tpu.memory_space<hbm>>) target(%arg6 : memref<128x128xf32, #tpu.memory_space<vmem>>) offsets(%arg5 : memref<128xi32, #tpu.memory_space<vmem>>) semaphore(%arg8 : memref<!tpu.dma_semaphore, #tpu.memory_space<semaphore_mem>>)
      %dma_wait3A = arith.constant 0 : i32
      %dma_wait3A_18 = arith.constant 0 : i32
      %dma_wait3A_19 = tpu.memref_slice %arg2[%dma_wait3A, %dma_wait3A_18] : memref<32768x128xf32, #tpu.memory_space<hbm>> -> memref<32768x128xf32, #tpu.memory_space<hbm>>
      tpu.wait_indirect_dma semaphore(%arg8 : memref<!tpu.dma_semaphore, #tpu.memory_space<semaphore_mem>>) src(%dma_wait3A_19 : memref<32768x128xf32, #tpu.memory_space<hbm>>) dst(%arg6 : memref<128x128xf32, #tpu.memory_space<vmem>>)
      %scan3A_20 = arith.constant 0 : i32
      %scan3A_21 = arith.constant 0 : i32
      %scan3A_22 = arith.constant 8 : i32
      %scan3A_23 = arith.addi %scan3A_21, %scan3A_22 : i32
      %scan3A_24 = arith.constant 1 : i32
      %scan3A_25 = scf.for %scan3A_31 = %scan3A_21 to %scan3A_23 step %scan3A_24 iter_args(%scan3A_32 = %scan3A_20) -> (i32)  : i32 {
        %mul3A_33 = arith.constant 16 : i32
        %mul3A_34 = arith.muli %scan3A_31, %mul3A_33 : i32
        %get3A = arith.index_cast %mul3A_34 : i32 to index
        %get3A_35 = arith.constant 0 : index
        %get3A_36 = tpu.vector_load %arg6[%get3A, %get3A_35] {strides = array<i32>} : memref<128x128xf32, #tpu.memory_space<vmem>>, vector<1x16xf32>,
        %get3A_37 = vector.shape_cast %get3A_36 : vector<1x16xf32> to vector<16xf32>
        %add3A_38 = arith.constant 1 : i32
        %add3A_39 = arith.addi %mul3A_34, %add3A_38 : i32
        %get3A_40 = arith.index_cast %add3A_39 : i32 to index
        %get3A_41 = arith.constant 0 : index
        %get3A_42 = tpu.vector_load %arg6[%get3A_40, %get3A_41] {strides = array<i32>} : memref<128x128xf32, #tpu.memory_space<vmem>>, vector<1x16xf32>,
        %get3A_43 = vector.shape_cast %get3A_42 : vector<1x16xf32> to vector<16xf32>
        %max3A = arith.maximumf %get3A_37, %get3A_43 : vector<16xf32>
        %add3A_44 = arith.constant 2 : i32
        %add3A_45 = arith.addi %mul3A_34, %add3A_44 : i32
        %get3A_46 = arith.index_cast %add3A_45 : i32 to index
        %get3A_47 = arith.constant 0 : index
        %get3A_48 = tpu.vector_load %arg6[%get3A_46, %get3A_47] {strides = array<i32>} : memref<128x128xf32, #tpu.memory_space<vmem>>, vector<1x16xf32>,
        %get3A_49 = vector.shape_cast %get3A_48 : vector<1x16xf32> to vector<16xf32>
        %max3A_50 = arith.maximumf %max3A, %get3A_49 : vector<16xf32>
        %add3A_51 = arith.constant 3 : i32
        %add3A_52 = arith.addi %mul3A_34, %add3A_51 : i32
        %get3A_53 = arith.index_cast %add3A_52 : i32 to index
        %get3A_54 = arith.constant 0 : index
        %get3A_55 = tpu.vector_load %arg6[%get3A_53, %get3A_54] {strides = array<i32>} : memref<128x128xf32, #tpu.memory_space<vmem>>, vector<1x16xf32>,
        %get3A_56 = vector.shape_cast %get3A_55 : vector<1x16xf32> to vector<16xf32>
        %max3A_57 = arith.maximumf %max3A_50, %get3A_56 : vector<16xf32>
        %add3A_58 = arith.constant 4 : i32
        %add3A_59 = arith.addi %mul3A_34, %add3A_58 : i32
        %get3A_60 = arith.index_cast %add3A_59 : i32 to index
        %get3A_61 = arith.constant 0 : index
        %get3A_62 = tpu.vector_load %arg6[%get3A_60, %get3A_61] {strides = array<i32>} : memref<128x128xf32, #tpu.memory_space<vmem>>, vector<1x16xf32>,
        %get3A_63 = vector.shape_cast %get3A_62 : vector<1x16xf32> to vector<16xf32>
        %max3A_64 = arith.maximumf %max3A_57, %get3A_63 : vector<16xf32>
        %add3A_65 = arith.constant 5 : i32
        %add3A_66 = arith.addi %mul3A_34, %add3A_65 : i32
        %get3A_67 = arith.index_cast %add3A_66 : i32 to index
        %get3A_68 = arith.constant 0 : index
        %get3A_69 = tpu.vector_load %arg6[%get3A_67, %get3A_68] {strides = array<i32>} : memref<128x128xf32, #tpu.memory_space<vmem>>, vector<1x16xf32>,
        %get3A_70 = vector.shape_cast %get3A_69 : vector<1x16xf32> to vector<16xf32>
        %max3A_71 = arith.maximumf %max3A_64, %get3A_70 : vector<16xf32>
        %add3A_72 = arith.constant 6 : i32
        %add3A_73 = arith.addi %mul3A_34, %add3A_72 : i32
        %get3A_74 = arith.index_cast %add3A_73 : i32 to index
        %get3A_75 = arith.constant 0 : index
        %get3A_76 = tpu.vector_load %arg6[%get3A_74, %get3A_75] {strides = array<i32>} : memref<128x128xf32, #tpu.memory_space<vmem>>, vector<1x16xf32>,
        %get3A_77 = vector.shape_cast %get3A_76 : vector<1x16xf32> to vector<16xf32>
        %max3A_78 = arith.maximumf %max3A_71, %get3A_77 : vector<16xf32>
        %add3A_79 = arith.constant 7 : i32
        %add3A_80 = arith.addi %mul3A_34, %add3A_79 : i32
        %get3A_81 = arith.index_cast %add3A_80 : i32 to index
        %get3A_82 = arith.constant 0 : index
        %get3A_83 = tpu.vector_load %arg6[%get3A_81, %get3A_82] {strides = array<i32>} : memref<128x128xf32, #tpu.memory_space<vmem>>, vector<1x16xf32>,
        %get3A_84 = vector.shape_cast %get3A_83 : vector<1x16xf32> to vector<16xf32>
        %max3A_85 = arith.maximumf %max3A_78, %get3A_84 : vector<16xf32>
        %add3A_86 = arith.constant 8 : i32
        %add3A_87 = arith.addi %mul3A_34, %add3A_86 : i32
        %get3A_88 = arith.index_cast %add3A_87 : i32 to index
        %get3A_89 = arith.constant 0 : index
        %get3A_90 = tpu.vector_load %arg6[%get3A_88, %get3A_89] {strides = array<i32>} : memref<128x128xf32, #tpu.memory_space<vmem>>, vector<1x16xf32>,
        %get3A_91 = vector.shape_cast %get3A_90 : vector<1x16xf32> to vector<16xf32>
        %max3A_92 = arith.maximumf %max3A_85, %get3A_91 : vector<16xf32>
        %add3A_93 = arith.constant 9 : i32
        %add3A_94 = arith.addi %mul3A_34, %add3A_93 : i32
        %get3A_95 = arith.index_cast %add3A_94 : i32 to index
        %get3A_96 = arith.constant 0 : index
        %get3A_97 = tpu.vector_load %arg6[%get3A_95, %get3A_96] {strides = array<i32>} : memref<128x128xf32, #tpu.memory_space<vmem>>, vector<1x16xf32>,
        %get3A_98 = vector.shape_cast %get3A_97 : vector<1x16xf32> to vector<16xf32>
        %max3A_99 = arith.maximumf %max3A_92, %get3A_98 : vector<16xf32>
        %add3A_100 = arith.constant 10 : i32
        %add3A_101 = arith.addi %mul3A_34, %add3A_100 : i32
        %get3A_102 = arith.index_cast %add3A_101 : i32 to index
        %get3A_103 = arith.constant 0 : index
        %get3A_104 = tpu.vector_load %arg6[%get3A_102, %get3A_103] {strides = array<i32>} : memref<128x128xf32, #tpu.memory_space<vmem>>, vector<1x16xf32>,
        %get3A_105 = vector.shape_cast %get3A_104 : vector<1x16xf32> to vector<16xf32>
        %max3A_106 = arith.maximumf %max3A_99, %get3A_105 : vector<16xf32>
        %add3A_107 = arith.constant 11 : i32
        %add3A_108 = arith.addi %mul3A_34, %add3A_107 : i32
        %get3A_109 = arith.index_cast %add3A_108 : i32 to index
        %get3A_110 = arith.constant 0 : index
        %get3A_111 = tpu.vector_load %arg6[%get3A_109, %get3A_110] {strides = array<i32>} : memref<128x128xf32, #tpu.memory_space<vmem>>, vector<1x16xf32>,
        %get3A_112 = vector.shape_cast %get3A_111 : vector<1x16xf32> to vector<16xf32>
        %max3A_113 = arith.maximumf %max3A_106, %get3A_112 : vector<16xf32>
        %add3A_114 = arith.constant 12 : i32
        %add3A_115 = arith.addi %mul3A_34, %add3A_114 : i32
        %get3A_116 = arith.index_cast %add3A_115 : i32 to index
        %get3A_117 = arith.constant 0 : index
        %get3A_118 = tpu.vector_load %arg6[%get3A_116, %get3A_117] {strides = array<i32>} : memref<128x128xf32, #tpu.memory_space<vmem>>, vector<1x16xf32>,
        %get3A_119 = vector.shape_cast %get3A_118 : vector<1x16xf32> to vector<16xf32>
        %max3A_120 = arith.maximumf %max3A_113, %get3A_119 : vector<16xf32>
        %add3A_121 = arith.constant 13 : i32
        %add3A_122 = arith.addi %mul3A_34, %add3A_121 : i32
        %get3A_123 = arith.index_cast %add3A_122 : i32 to index
        %get3A_124 = arith.constant 0 : index
        %get3A_125 = tpu.vector_load %arg6[%get3A_123, %get3A_124] {strides = array<i32>} : memref<128x128xf32, #tpu.memory_space<vmem>>, vector<1x16xf32>,
        %get3A_126 = vector.shape_cast %get3A_125 : vector<1x16xf32> to vector<16xf32>
        %max3A_127 = arith.maximumf %max3A_120, %get3A_126 : vector<16xf32>
        %add3A_128 = arith.constant 14 : i32
        %add3A_129 = arith.addi %mul3A_34, %add3A_128 : i32
        %get3A_130 = arith.index_cast %add3A_129 : i32 to index
        %get3A_131 = arith.constant 0 : index
        %get3A_132 = tpu.vector_load %arg6[%get3A_130, %get3A_131] {strides = array<i32>} : memref<128x128xf32, #tpu.memory_space<vmem>>, vector<1x16xf32>,
        %get3A_133 = vector.shape_cast %get3A_132 : vector<1x16xf32> to vector<16xf32>
        %max3A_134 = arith.maximumf %max3A_127, %get3A_133 : vector<16xf32>
        %add3A_135 = arith.constant 15 : i32
        %add3A_136 = arith.addi %mul3A_34, %add3A_135 : i32
        %get3A_137 = arith.index_cast %add3A_136 : i32 to index
        %get3A_138 = arith.constant 0 : index
        %get3A_139 = tpu.vector_load %arg6[%get3A_137, %get3A_138] {strides = array<i32>} : memref<128x128xf32, #tpu.memory_space<vmem>>, vector<1x16xf32>,
        %get3A_140 = vector.shape_cast %get3A_139 : vector<1x16xf32> to vector<16xf32>
        %max3A_141 = arith.maximumf %max3A_134, %get3A_140 : vector<16xf32>
        %swap3A = arith.index_cast %scan3A_31 : i32 to index
        %swap3A_142 = arith.constant 0 : index
        %swap3A_143 = tpu.vector_load %arg7[%swap3A, %swap3A_142] {strides = array<i32>} : memref<8x128xf32, #tpu.memory_space<vmem>>, vector<1x16xf32>,
        %swap3A_144 = vector.shape_cast %swap3A_143 : vector<1x16xf32> to vector<16xf32>
        %swap3A_145 = vector.shape_cast %max3A_141 : vector<16xf32> to vector<1x16xf32>
        tpu.vector_store %arg7[%swap3A, %swap3A_142], %swap3A_145 {strides = array<i32>} : memref<8x128xf32, #tpu.memory_space<vmem>>, vector<1x16xf32>,
        %get3A_146 = arith.index_cast %mul3A_34 : i32 to index
        %get3A_147 = arith.constant 16 : index
        %get3A_148 = tpu.vector_load %arg6[%get3A_146, %get3A_147] {strides = array<i32>} : memref<128x128xf32, #tpu.memory_space<vmem>>, vector<1x16xf32>,
        %get3A_149 = vector.shape_cast %get3A_148 : vector<1x16xf32> to vector<16xf32>
        %add3A_150 = arith.constant 1 : i32
        %add3A_151 = arith.addi %mul3A_34, %add3A_150 : i32
        %get3A_152 = arith.index_cast %add3A_151 : i32 to index
        %get3A_153 = arith.constant 16 : index
        %get3A_154 = tpu.vector_load %arg6[%get3A_152, %get3A_153] {strides = array<i32>} : memref<128x128xf32, #tpu.memory_space<vmem>>, vector<1x16xf32>,
        %get3A_155 = vector.shape_cast %get3A_154 : vector<1x16xf32> to vector<16xf32>
        %max3A_156 = arith.maximumf %get3A_149, %get3A_155 : vector<16xf32>
        %add3A_157 = arith.constant 2 : i32
        %add3A_158 = arith.addi %mul3A_34, %add3A_157 : i32
        %get3A_159 = arith.index_cast %add3A_158 : i32 to index
        %get3A_160 = arith.constant 16 : index
        %get3A_161 = tpu.vector_load %arg6[%get3A_159, %get3A_160] {strides = array<i32>} : memref<128x128xf32, #tpu.memory_space<vmem>>, vector<1x16xf32>,
        %get3A_162 = vector.shape_cast %get3A_161 : vector<1x16xf32> to vector<16xf32>
        %max3A_163 = arith.maximumf %max3A_156, %get3A_162 : vector<16xf32>
        %add3A_164 = arith.constant 3 : i32
        %add3A_165 = arith.addi %mul3A_34, %add3A_164 : i32
        %get3A_166 = arith.index_cast %add3A_165 : i32 to index
        %get3A_167 = arith.constant 16 : index
        %get3A_168 = tpu.vector_load %arg6[%get3A_166, %get3A_167] {strides = array<i32>} : memref<128x128xf32, #tpu.memory_space<vmem>>, vector<1x16xf32>,
        %get3A_169 = vector.shape_cast %get3A_168 : vector<1x16xf32> to vector<16xf32>
        %max3A_170 = arith.maximumf %max3A_163, %get3A_169 : vector<16xf32>
        %add3A_171 = arith.constant 4 : i32
        %add3A_172 = arith.addi %mul3A_34, %add3A_171 : i32
        %get3A_173 = arith.index_cast %add3A_172 : i32 to index
        %get3A_174 = arith.constant 16 : index
        %get3A_175 = tpu.vector_load %arg6[%get3A_173, %get3A_174] {strides = array<i32>} : memref<128x128xf32, #tpu.memory_space<vmem>>, vector<1x16xf32>,
        %get3A_176 = vector.shape_cast %get3A_175 : vector<1x16xf32> to vector<16xf32>
        %max3A_177 = arith.maximumf %max3A_170, %get3A_176 : vector<16xf32>
        %add3A_178 = arith.constant 5 : i32
        %add3A_179 = arith.addi %mul3A_34, %add3A_178 : i32
        %get3A_180 = arith.index_cast %add3A_179 : i32 to index
        %get3A_181 = arith.constant 16 : index
        %get3A_182 = tpu.vector_load %arg6[%get3A_180, %get3A_181] {strides = array<i32>} : memref<128x128xf32, #tpu.memory_space<vmem>>, vector<1x16xf32>,
        %get3A_183 = vector.shape_cast %get3A_182 : vector<1x16xf32> to vector<16xf32>
        %max3A_184 = arith.maximumf %max3A_177, %get3A_183 : vector<16xf32>
        %add3A_185 = arith.constant 6 : i32
        %add3A_186 = arith.addi %mul3A_34, %add3A_185 : i32
        %get3A_187 = arith.index_cast %add3A_186 : i32 to index
        %get3A_188 = arith.constant 16 : index
        %get3A_189 = tpu.vector_load %arg6[%get3A_187, %get3A_188] {strides = array<i32>} : memref<128x128xf32, #tpu.memory_space<vmem>>, vector<1x16xf32>,
        %get3A_190 = vector.shape_cast %get3A_189 : vector<1x16xf32> to vector<16xf32>
        %max3A_191 = arith.maximumf %max3A_184, %get3A_190 : vector<16xf32>
        %add3A_192 = arith.constant 7 : i32
        %add3A_193 = arith.addi %mul3A_34, %add3A_192 : i32
        %get3A_194 = arith.index_cast %add3A_193 : i32 to index
        %get3A_195 = arith.constant 16 : index
        %get3A_196 = tpu.vector_load %arg6[%get3A_194, %get3A_195] {strides = array<i32>} : memref<128x128xf32, #tpu.memory_space<vmem>>, vector<1x16xf32>,
        %get3A_197 = vector.shape_cast %get3A_196 : vector<1x16xf32> to vector<16xf32>
        %max3A_198 = arith.maximumf %max3A_191, %get3A_197 : vector<16xf32>
        %add3A_199 = arith.constant 8 : i32
        %add3A_200 = arith.addi %mul3A_34, %add3A_199 : i32
        %get3A_201 = arith.index_cast %add3A_200 : i32 to index
        %get3A_202 = arith.constant 16 : index
        %get3A_203 = tpu.vector_load %arg6[%get3A_201, %get3A_202] {strides = array<i32>} : memref<128x128xf32, #tpu.memory_space<vmem>>, vector<1x16xf32>,
        %get3A_204 = vector.shape_cast %get3A_203 : vector<1x16xf32> to vector<16xf32>
        %max3A_205 = arith.maximumf %max3A_198, %get3A_204 : vector<16xf32>
        %add3A_206 = arith.constant 9 : i32
        %add3A_207 = arith.addi %mul3A_34, %add3A_206 : i32
        %get3A_208 = arith.index_cast %add3A_207 : i32 to index
        %get3A_209 = arith.constant 16 : index
        %get3A_210 = tpu.vector_load %arg6[%get3A_208, %get3A_209] {strides = array<i32>} : memref<128x128xf32, #tpu.memory_space<vmem>>, vector<1x16xf32>,
        %get3A_211 = vector.shape_cast %get3A_210 : vector<1x16xf32> to vector<16xf32>
        %max3A_212 = arith.maximumf %max3A_205, %get3A_211 : vector<16xf32>
        %add3A_213 = arith.constant 10 : i32
        %add3A_214 = arith.addi %mul3A_34, %add3A_213 : i32
        %get3A_215 = arith.index_cast %add3A_214 : i32 to index
        %get3A_216 = arith.constant 16 : index
        %get3A_217 = tpu.vector_load %arg6[%get3A_215, %get3A_216] {strides = array<i32>} : memref<128x128xf32, #tpu.memory_space<vmem>>, vector<1x16xf32>,
        %get3A_218 = vector.shape_cast %get3A_217 : vector<1x16xf32> to vector<16xf32>
        %max3A_219 = arith.maximumf %max3A_212, %get3A_218 : vector<16xf32>
        %add3A_220 = arith.constant 11 : i32
        %add3A_221 = arith.addi %mul3A_34, %add3A_220 : i32
        %get3A_222 = arith.index_cast %add3A_221 : i32 to index
        %get3A_223 = arith.constant 16 : index
        %get3A_224 = tpu.vector_load %arg6[%get3A_222, %get3A_223] {strides = array<i32>} : memref<128x128xf32, #tpu.memory_space<vmem>>, vector<1x16xf32>,
        %get3A_225 = vector.shape_cast %get3A_224 : vector<1x16xf32> to vector<16xf32>
        %max3A_226 = arith.maximumf %max3A_219, %get3A_225 : vector<16xf32>
        %add3A_227 = arith.constant 12 : i32
        %add3A_228 = arith.addi %mul3A_34, %add3A_227 : i32
        %get3A_229 = arith.index_cast %add3A_228 : i32 to index
        %get3A_230 = arith.constant 16 : index
        %get3A_231 = tpu.vector_load %arg6[%get3A_229, %get3A_230] {strides = array<i32>} : memref<128x128xf32, #tpu.memory_space<vmem>>, vector<1x16xf32>,
        %get3A_232 = vector.shape_cast %get3A_231 : vector<1x16xf32> to vector<16xf32>
        %max3A_233 = arith.maximumf %max3A_226, %get3A_232 : vector<16xf32>
        %add3A_234 = arith.constant 13 : i32
        %add3A_235 = arith.addi %mul3A_34, %add3A_234 : i32
        %get3A_236 = arith.index_cast %add3A_235 : i32 to index
        %get3A_237 = arith.constant 16 : index
        %get3A_238 = tpu.vector_load %arg6[%get3A_236, %get3A_237] {strides = array<i32>} : memref<128x128xf32, #tpu.memory_space<vmem>>, vector<1x16xf32>,
        %get3A_239 = vector.shape_cast %get3A_238 : vector<1x16xf32> to vector<16xf32>
        %max3A_240 = arith.maximumf %max3A_233, %get3A_239 : vector<16xf32>
        %add3A_241 = arith.constant 14 : i32
        %add3A_242 = arith.addi %mul3A_34, %add3A_241 : i32
        %get3A_243 = arith.index_cast %add3A_242 : i32 to index
        %get3A_244 = arith.constant 16 : index
        %get3A_245 = tpu.vector_load %arg6[%get3A_243, %get3A_244] {strides = array<i32>} : memref<128x128xf32, #tpu.memory_space<vmem>>, vector<1x16xf32>,
        %get3A_246 = vector.shape_cast %get3A_245 : vector<1x16xf32> to vector<16xf32>
        %max3A_247 = arith.maximumf %max3A_240, %get3A_246 : vector<16xf32>
        %add3A_248 = arith.constant 15 : i32
        %add3A_249 = arith.addi %mul3A_34, %add3A_248 : i32
        %get3A_250 = arith.index_cast %add3A_249 : i32 to index
        %get3A_251 = arith.constant 16 : index
        %get3A_252 = tpu.vector_load %arg6[%get3A_250, %get3A_251] {strides = array<i32>} : memref<128x128xf32, #tpu.memory_space<vmem>>, vector<1x16xf32>,
        %get3A_253 = vector.shape_cast %get3A_252 : vector<1x16xf32> to vector<16xf32>
        %max3A_254 = arith.maximumf %max3A_247, %get3A_253 : vector<16xf32>
        %swap3A_255 = arith.index_cast %scan3A_31 : i32 to index
        %swap3A_256 = arith.constant 16 : index
        %swap3A_257 = tpu.vector_load %arg7[%swap3A_255, %swap3A_256] {strides = array<i32>} : memref<8x128xf32, #tpu.memory_space<vmem>>, vector<1x16xf32>,
        %swap3A_258 = vector.shape_cast %swap3A_257 : vector<1x16xf32> to vector<16xf32>
        %swap3A_259 = vector.shape_cast %max3A_254 : vector<16xf32> to vector<1x16xf32>
        tpu.vector_store %arg7[%swap3A_255, %swap3A_256], %swap3A_259 {strides = array<i32>} : memref<8x128xf32, #tpu.memory_space<vmem>>, vector<1x16xf32>,
        %get3A_260 = arith.index_cast %mul3A_34 : i32 to index
        %get3A_261 = arith.constant 32 : index
        %get3A_262 = tpu.vector_load %arg6[%get3A_260, %get3A_261] {strides = array<i32>} : memref<128x128xf32, #tpu.memory_space<vmem>>, vector<1x16xf32>,
        %get3A_263 = vector.shape_cast %get3A_262 : vector<1x16xf32> to vector<16xf32>
        %add3A_264 = arith.constant 1 : i32
        %add3A_265 = arith.addi %mul3A_34, %add3A_264 : i32
        %get3A_266 = arith.index_cast %add3A_265 : i32 to index
        %get3A_267 = arith.constant 32 : index
        %get3A_268 = tpu.vector_load %arg6[%get3A_266, %get3A_267] {strides = array<i32>} : memref<128x128xf32, #tpu.memory_space<vmem>>, vector<1x16xf32>,
        %get3A_269 = vector.shape_cast %get3A_268 : vector<1x16xf32> to vector<16xf32>
        %max3A_270 = arith.maximumf %get3A_263, %get3A_269 : vector<16xf32>
        %add3A_271 = arith.constant 2 : i32
        %add3A_272 = arith.addi %mul3A_34, %add3A_271 : i32
        %get3A_273 = arith.index_cast %add3A_272 : i32 to index
        %get3A_274 = arith.constant 32 : index
        %get3A_275 = tpu.vector_load %arg6[%get3A_273, %get3A_274] {strides = array<i32>} : memref<128x128xf32, #tpu.memory_space<vmem>>, vector<1x16xf32>,
        %get3A_276 = vector.shape_cast %get3A_275 : vector<1x16xf32> to vector<16xf32>
        %max3A_277 = arith.maximumf %max3A_270, %get3A_276 : vector<16xf32>
        %add3A_278 = arith.constant 3 : i32
        %add3A_279 = arith.addi %mul3A_34, %add3A_278 : i32
        %get3A_280 = arith.index_cast %add3A_279 : i32 to index
        %get3A_281 = arith.constant 32 : index
        %get3A_282 = tpu.vector_load %arg6[%get3A_280, %get3A_281] {strides = array<i32>} : memref<128x128xf32, #tpu.memory_space<vmem>>, vector<1x16xf32>,
        %get3A_283 = vector.shape_cast %get3A_282 : vector<1x16xf32> to vector<16xf32>
        %max3A_284 = arith.maximumf %max3A_277, %get3A_283 : vector<16xf32>
        %add3A_285 = arith.constant 4 : i32
        %add3A_286 = arith.addi %mul3A_34, %add3A_285 : i32
        %get3A_287 = arith.index_cast %add3A_286 : i32 to index
        %get3A_288 = arith.constant 32 : index
        %get3A_289 = tpu.vector_load %arg6[%get3A_287, %get3A_288] {strides = array<i32>} : memref<128x128xf32, #tpu.memory_space<vmem>>, vector<1x16xf32>,
        %get3A_290 = vector.shape_cast %get3A_289 : vector<1x16xf32> to vector<16xf32>
        %max3A_291 = arith.maximumf %max3A_284, %get3A_290 : vector<16xf32>
        %add3A_292 = arith.constant 5 : i32
        %add3A_293 = arith.addi %mul3A_34, %add3A_292 : i32
        %get3A_294 = arith.index_cast %add3A_293 : i32 to index
        %get3A_295 = arith.constant 32 : index
        %get3A_296 = tpu.vector_load %arg6[%get3A_294, %get3A_295] {strides = array<i32>} : memref<128x128xf32, #tpu.memory_space<vmem>>, vector<1x16xf32>,
        %get3A_297 = vector.shape_cast %get3A_296 : vector<1x16xf32> to vector<16xf32>
        %max3A_298 = arith.maximumf %max3A_291, %get3A_297 : vector<16xf32>
        %add3A_299 = arith.constant 6 : i32
        %add3A_300 = arith.addi %mul3A_34, %add3A_299 : i32
        %get3A_301 = arith.index_cast %add3A_300 : i32 to index
        %get3A_302 = arith.constant 32 : index
        %get3A_303 = tpu.vector_load %arg6[%get3A_301, %get3A_302] {strides = array<i32>} : memref<128x128xf32, #tpu.memory_space<vmem>>, vector<1x16xf32>,
        %get3A_304 = vector.shape_cast %get3A_303 : vector<1x16xf32> to vector<16xf32>
        %max3A_305 = arith.maximumf %max3A_298, %get3A_304 : vector<16xf32>
        %add3A_306 = arith.constant 7 : i32
        %add3A_307 = arith.addi %mul3A_34, %add3A_306 : i32
        %get3A_308 = arith.index_cast %add3A_307 : i32 to index
        %get3A_309 = arith.constant 32 : index
        %get3A_310 = tpu.vector_load %arg6[%get3A_308, %get3A_309] {strides = array<i32>} : memref<128x128xf32, #tpu.memory_space<vmem>>, vector<1x16xf32>,
        %get3A_311 = vector.shape_cast %get3A_310 : vector<1x16xf32> to vector<16xf32>
        %max3A_312 = arith.maximumf %max3A_305, %get3A_311 : vector<16xf32>
        %add3A_313 = arith.constant 8 : i32
        %add3A_314 = arith.addi %mul3A_34, %add3A_313 : i32
        %get3A_315 = arith.index_cast %add3A_314 : i32 to index
        %get3A_316 = arith.constant 32 : index
        %get3A_317 = tpu.vector_load %arg6[%get3A_315, %get3A_316] {strides = array<i32>} : memref<128x128xf32, #tpu.memory_space<vmem>>, vector<1x16xf32>,
        %get3A_318 = vector.shape_cast %get3A_317 : vector<1x16xf32> to vector<16xf32>
        %max3A_319 = arith.maximumf %max3A_312, %get3A_318 : vector<16xf32>
        %add3A_320 = arith.constant 9 : i32
        %add3A_321 = arith.addi %mul3A_34, %add3A_320 : i32
        %get3A_322 = arith.index_cast %add3A_321 : i32 to index
        %get3A_323 = arith.constant 32 : index
        %get3A_324 = tpu.vector_load %arg6[%get3A_322, %get3A_323] {strides = array<i32>} : memref<128x128xf32, #tpu.memory_space<vmem>>, vector<1x16xf32>,
        %get3A_325 = vector.shape_cast %get3A_324 : vector<1x16xf32> to vector<16xf32>
        %max3A_326 = arith.maximumf %max3A_319, %get3A_325 : vector<16xf32>
        %add3A_327 = arith.constant 10 : i32
        %add3A_328 = arith.addi %mul3A_34, %add3A_327 : i32
        %get3A_329 = arith.index_cast %add3A_328 : i32 to index
        %get3A_330 = arith.constant 32 : index
        %get3A_331 = tpu.vector_load %arg6[%get3A_329, %get3A_330] {strides = array<i32>} : memref<128x128xf32, #tpu.memory_space<vmem>>, vector<1x16xf32>,
        %get3A_332 = vector.shape_cast %get3A_331 : vector<1x16xf32> to vector<16xf32>
        %max3A_333 = arith.maximumf %max3A_326, %get3A_332 : vector<16xf32>
        %add3A_334 = arith.constant 11 : i32
        %add3A_335 = arith.addi %mul3A_34, %add3A_334 : i32
        %get3A_336 = arith.index_cast %add3A_335 : i32 to index
        %get3A_337 = arith.constant 32 : index
        %get3A_338 = tpu.vector_load %arg6[%get3A_336, %get3A_337] {strides = array<i32>} : memref<128x128xf32, #tpu.memory_space<vmem>>, vector<1x16xf32>,
        %get3A_339 = vector.shape_cast %get3A_338 : vector<1x16xf32> to vector<16xf32>
        %max3A_340 = arith.maximumf %max3A_333, %get3A_339 : vector<16xf32>
        %add3A_341 = arith.constant 12 : i32
        %add3A_342 = arith.addi %mul3A_34, %add3A_341 : i32
        %get3A_343 = arith.index_cast %add3A_342 : i32 to index
        %get3A_344 = arith.constant 32 : index
        %get3A_345 = tpu.vector_load %arg6[%get3A_343, %get3A_344] {strides = array<i32>} : memref<128x128xf32, #tpu.memory_space<vmem>>, vector<1x16xf32>,
        %get3A_346 = vector.shape_cast %get3A_345 : vector<1x16xf32> to vector<16xf32>
        %max3A_347 = arith.maximumf %max3A_340, %get3A_346 : vector<16xf32>
        %add3A_348 = arith.constant 13 : i32
        %add3A_349 = arith.addi %mul3A_34, %add3A_348 : i32
        %get3A_350 = arith.index_cast %add3A_349 : i32 to index
        %get3A_351 = arith.constant 32 : index
        %get3A_352 = tpu.vector_load %arg6[%get3A_350, %get3A_351] {strides = array<i32>} : memref<128x128xf32, #tpu.memory_space<vmem>>, vector<1x16xf32>,
        %get3A_353 = vector.shape_cast %get3A_352 : vector<1x16xf32> to vector<16xf32>
        %max3A_354 = arith.maximumf %max3A_347, %get3A_353 : vector<16xf32>
        %add3A_355 = arith.constant 14 : i32
        %add3A_356 = arith.addi %mul3A_34, %add3A_355 : i32
        %get3A_357 = arith.index_cast %add3A_356 : i32 to index
        %get3A_358 = arith.constant 32 : index
        %get3A_359 = tpu.vector_load %arg6[%get3A_357, %get3A_358] {strides = array<i32>} : memref<128x128xf32, #tpu.memory_space<vmem>>, vector<1x16xf32>,
        %get3A_360 = vector.shape_cast %get3A_359 : vector<1x16xf32> to vector<16xf32>
        %max3A_361 = arith.maximumf %max3A_354, %get3A_360 : vector<16xf32>
        %add3A_362 = arith.constant 15 : i32
        %add3A_363 = arith.addi %mul3A_34, %add3A_362 : i32
        %get3A_364 = arith.index_cast %add3A_363 : i32 to index
        %get3A_365 = arith.constant 32 : index
        %get3A_366 = tpu.vector_load %arg6[%get3A_364, %get3A_365] {strides = array<i32>} : memref<128x128xf32, #tpu.memory_space<vmem>>, vector<1x16xf32>,
        %get3A_367 = vector.shape_cast %get3A_366 : vector<1x16xf32> to vector<16xf32>
        %max3A_368 = arith.maximumf %max3A_361, %get3A_367 : vector<16xf32>
        %swap3A_369 = arith.index_cast %scan3A_31 : i32 to index
        %swap3A_370 = arith.constant 32 : index
        %swap3A_371 = tpu.vector_load %arg7[%swap3A_369, %swap3A_370] {strides = array<i32>} : memref<8x128xf32, #tpu.memory_space<vmem>>, vector<1x16xf32>,
        %swap3A_372 = vector.shape_cast %swap3A_371 : vector<1x16xf32> to vector<16xf32>
        %swap3A_373 = vector.shape_cast %max3A_368 : vector<16xf32> to vector<1x16xf32>
        tpu.vector_store %arg7[%swap3A_369, %swap3A_370], %swap3A_373 {strides = array<i32>} : memref<8x128xf32, #tpu.memory_space<vmem>>, vector<1x16xf32>,
        %get3A_374 = arith.index_cast %mul3A_34 : i32 to index
        %get3A_375 = arith.constant 48 : index
        %get3A_376 = tpu.vector_load %arg6[%get3A_374, %get3A_375] {strides = array<i32>} : memref<128x128xf32, #tpu.memory_space<vmem>>, vector<1x16xf32>,
        %get3A_377 = vector.shape_cast %get3A_376 : vector<1x16xf32> to vector<16xf32>
        %add3A_378 = arith.constant 1 : i32
        %add3A_379 = arith.addi %mul3A_34, %add3A_378 : i32
        %get3A_380 = arith.index_cast %add3A_379 : i32 to index
        %get3A_381 = arith.constant 48 : index
        %get3A_382 = tpu.vector_load %arg6[%get3A_380, %get3A_381] {strides = array<i32>} : memref<128x128xf32, #tpu.memory_space<vmem>>, vector<1x16xf32>,
        %get3A_383 = vector.shape_cast %get3A_382 : vector<1x16xf32> to vector<16xf32>
        %max3A_384 = arith.maximumf %get3A_377, %get3A_383 : vector<16xf32>
        %add3A_385 = arith.constant 2 : i32
        %add3A_386 = arith.addi %mul3A_34, %add3A_385 : i32
        %get3A_387 = arith.index_cast %add3A_386 : i32 to index
        %get3A_388 = arith.constant 48 : index
        %get3A_389 = tpu.vector_load %arg6[%get3A_387, %get3A_388] {strides = array<i32>} : memref<128x128xf32, #tpu.memory_space<vmem>>, vector<1x16xf32>,
        %get3A_390 = vector.shape_cast %get3A_389 : vector<1x16xf32> to vector<16xf32>
        %max3A_391 = arith.maximumf %max3A_384, %get3A_390 : vector<16xf32>
        %add3A_392 = arith.constant 3 : i32
        %add3A_393 = arith.addi %mul3A_34, %add3A_392 : i32
        %get3A_394 = arith.index_cast %add3A_393 : i32 to index
        %get3A_395 = arith.constant 48 : index
        %get3A_396 = tpu.vector_load %arg6[%get3A_394, %get3A_395] {strides = array<i32>} : memref<128x128xf32, #tpu.memory_space<vmem>>, vector<1x16xf32>,
        %get3A_397 = vector.shape_cast %get3A_396 : vector<1x16xf32> to vector<16xf32>
        %max3A_398 = arith.maximumf %max3A_391, %get3A_397 : vector<16xf32>
        %add3A_399 = arith.constant 4 : i32
        %add3A_400 = arith.addi %mul3A_34, %add3A_399 : i32
        %get3A_401 = arith.index_cast %add3A_400 : i32 to index
        %get3A_402 = arith.constant 48 : index
        %get3A_403 = tpu.vector_load %arg6[%get3A_401, %get3A_402] {strides = array<i32>} : memref<128x128xf32, #tpu.memory_space<vmem>>, vector<1x16xf32>,
        %get3A_404 = vector.shape_cast %get3A_403 : vector<1x16xf32> to vector<16xf32>
        %max3A_405 = arith.maximumf %max3A_398, %get3A_404 : vector<16xf32>
        %add3A_406 = arith.constant 5 : i32
        %add3A_407 = arith.addi %mul3A_34, %add3A_406 : i32
        %get3A_408 = arith.index_cast %add3A_407 : i32 to index
        %get3A_409 = arith.constant 48 : index
        %get3A_410 = tpu.vector_load %arg6[%get3A_408, %get3A_409] {strides = array<i32>} : memref<128x128xf32, #tpu.memory_space<vmem>>, vector<1x16xf32>,
        %get3A_411 = vector.shape_cast %get3A_410 : vector<1x16xf32> to vector<16xf32>
        %max3A_412 = arith.maximumf %max3A_405, %get3A_411 : vector<16xf32>
        %add3A_413 = arith.constant 6 : i32
        %add3A_414 = arith.addi %mul3A_34, %add3A_413 : i32
        %get3A_415 = arith.index_cast %add3A_414 : i32 to index
        %get3A_416 = arith.constant 48 : index
        %get3A_417 = tpu.vector_load %arg6[%get3A_415, %get3A_416] {strides = array<i32>} : memref<128x128xf32, #tpu.memory_space<vmem>>, vector<1x16xf32>,
        %get3A_418 = vector.shape_cast %get3A_417 : vector<1x16xf32> to vector<16xf32>
        %max3A_419 = arith.maximumf %max3A_412, %get3A_418 : vector<16xf32>
        %add3A_420 = arith.constant 7 : i32
        %add3A_421 = arith.addi %mul3A_34, %add3A_420 : i32
        %get3A_422 = arith.index_cast %add3A_421 : i32 to index
        %get3A_423 = arith.constant 48 : index
        %get3A_424 = tpu.vector_load %arg6[%get3A_422, %get3A_423] {strides = array<i32>} : memref<128x128xf32, #tpu.memory_space<vmem>>, vector<1x16xf32>,
        %get3A_425 = vector.shape_cast %get3A_424 : vector<1x16xf32> to vector<16xf32>
        %max3A_426 = arith.maximumf %max3A_419, %get3A_425 : vector<16xf32>
        %add3A_427 = arith.constant 8 : i32
        %add3A_428 = arith.addi %mul3A_34, %add3A_427 : i32
        %get3A_429 = arith.index_cast %add3A_428 : i32 to index
        %get3A_430 = arith.constant 48 : index
        %get3A_431 = tpu.vector_load %arg6[%get3A_429, %get3A_430] {strides = array<i32>} : memref<128x128xf32, #tpu.memory_space<vmem>>, vector<1x16xf32>,
        %get3A_432 = vector.shape_cast %get3A_431 : vector<1x16xf32> to vector<16xf32>
        %max3A_433 = arith.maximumf %max3A_426, %get3A_432 : vector<16xf32>
        %add3A_434 = arith.constant 9 : i32
        %add3A_435 = arith.addi %mul3A_34, %add3A_434 : i32
        %get3A_436 = arith.index_cast %add3A_435 : i32 to index
        %get3A_437 = arith.constant 48 : index
        %get3A_438 = tpu.vector_load %arg6[%get3A_436, %get3A_437] {strides = array<i32>} : memref<128x128xf32, #tpu.memory_space<vmem>>, vector<1x16xf32>,
        %get3A_439 = vector.shape_cast %get3A_438 : vector<1x16xf32> to vector<16xf32>
        %max3A_440 = arith.maximumf %max3A_433, %get3A_439 : vector<16xf32>
        %add3A_441 = arith.constant 10 : i32
        %add3A_442 = arith.addi %mul3A_34, %add3A_441 : i32
        %get3A_443 = arith.index_cast %add3A_442 : i32 to index
        %get3A_444 = arith.constant 48 : index
        %get3A_445 = tpu.vector_load %arg6[%get3A_443, %get3A_444] {strides = array<i32>} : memref<128x128xf32, #tpu.memory_space<vmem>>, vector<1x16xf32>,
        %get3A_446 = vector.shape_cast %get3A_445 : vector<1x16xf32> to vector<16xf32>
        %max3A_447 = arith.maximumf %max3A_440, %get3A_446 : vector<16xf32>
        %add3A_448 = arith.constant 11 : i32
        %add3A_449 = arith.addi %mul3A_34, %add3A_448 : i32
        %get3A_450 = arith.index_cast %add3A_449 : i32 to index
        %get3A_451 = arith.constant 48 : index
        %get3A_452 = tpu.vector_load %arg6[%get3A_450, %get3A_451] {strides = array<i32>} : memref<128x128xf32, #tpu.memory_space<vmem>>, vector<1x16xf32>,
        %get3A_453 = vector.shape_cast %get3A_452 : vector<1x16xf32> to vector<16xf32>
        %max3A_454 = arith.maximumf %max3A_447, %get3A_453 : vector<16xf32>
        %add3A_455 = arith.constant 12 : i32
        %add3A_456 = arith.addi %mul3A_34, %add3A_455 : i32
        %get3A_457 = arith.index_cast %add3A_456 : i32 to index
        %get3A_458 = arith.constant 48 : index
        %get3A_459 = tpu.vector_load %arg6[%get3A_457, %get3A_458] {strides = array<i32>} : memref<128x128xf32, #tpu.memory_space<vmem>>, vector<1x16xf32>,
        %get3A_460 = vector.shape_cast %get3A_459 : vector<1x16xf32> to vector<16xf32>
        %max3A_461 = arith.maximumf %max3A_454, %get3A_460 : vector<16xf32>
        %add3A_462 = arith.constant 13 : i32
        %add3A_463 = arith.addi %mul3A_34, %add3A_462 : i32
        %get3A_464 = arith.index_cast %add3A_463 : i32 to index
        %get3A_465 = arith.constant 48 : index
        %get3A_466 = tpu.vector_load %arg6[%get3A_464, %get3A_465] {strides = array<i32>} : memref<128x128xf32, #tpu.memory_space<vmem>>, vector<1x16xf32>,
        %get3A_467 = vector.shape_cast %get3A_466 : vector<1x16xf32> to vector<16xf32>
        %max3A_468 = arith.maximumf %max3A_461, %get3A_467 : vector<16xf32>
        %add3A_469 = arith.constant 14 : i32
        %add3A_470 = arith.addi %mul3A_34, %add3A_469 : i32
        %get3A_471 = arith.index_cast %add3A_470 : i32 to index
        %get3A_472 = arith.constant 48 : index
        %get3A_473 = tpu.vector_load %arg6[%get3A_471, %get3A_472] {strides = array<i32>} : memref<128x128xf32, #tpu.memory_space<vmem>>, vector<1x16xf32>,
        %get3A_474 = vector.shape_cast %get3A_473 : vector<1x16xf32> to vector<16xf32>
        %max3A_475 = arith.maximumf %max3A_468, %get3A_474 : vector<16xf32>
        %add3A_476 = arith.constant 15 : i32
        %add3A_477 = arith.addi %mul3A_34, %add3A_476 : i32
        %get3A_478 = arith.index_cast %add3A_477 : i32 to index
        %get3A_479 = arith.constant 48 : index
        %get3A_480 = tpu.vector_load %arg6[%get3A_478, %get3A_479] {strides = array<i32>} : memref<128x128xf32, #tpu.memory_space<vmem>>, vector<1x16xf32>,
        %get3A_481 = vector.shape_cast %get3A_480 : vector<1x16xf32> to vector<16xf32>
        %max3A_482 = arith.maximumf %max3A_475, %get3A_481 : vector<16xf32>
        %swap3A_483 = arith.index_cast %scan3A_31 : i32 to index
        %swap3A_484 = arith.constant 48 : index
        %swap3A_485 = tpu.vector_load %arg7[%swap3A_483, %swap3A_484] {strides = array<i32>} : memref<8x128xf32, #tpu.memory_space<vmem>>, vector<1x16xf32>,
        %swap3A_486 = vector.shape_cast %swap3A_485 : vector<1x16xf32> to vector<16xf32>
        %swap3A_487 = vector.shape_cast %max3A_482 : vector<16xf32> to vector<1x16xf32>
        tpu.vector_store %arg7[%swap3A_483, %swap3A_484], %swap3A_487 {strides = array<i32>} : memref<8x128xf32, #tpu.memory_space<vmem>>, vector<1x16xf32>,
        %get3A_488 = arith.index_cast %mul3A_34 : i32 to index
        %get3A_489 = arith.constant 64 : index
        %get3A_490 = tpu.vector_load %arg6[%get3A_488, %get3A_489] {strides = array<i32>} : memref<128x128xf32, #tpu.memory_space<vmem>>, vector<1x16xf32>,
        %get3A_491 = vector.shape_cast %get3A_490 : vector<1x16xf32> to vector<16xf32>
        %add3A_492 = arith.constant 1 : i32
        %add3A_493 = arith.addi %mul3A_34, %add3A_492 : i32
        %get3A_494 = arith.index_cast %add3A_493 : i32 to index
        %get3A_495 = arith.constant 64 : index
        %get3A_496 = tpu.vector_load %arg6[%get3A_494, %get3A_495] {strides = array<i32>} : memref<128x128xf32, #tpu.memory_space<vmem>>, vector<1x16xf32>,
        %get3A_497 = vector.shape_cast %get3A_496 : vector<1x16xf32> to vector<16xf32>
        %max3A_498 = arith.maximumf %get3A_491, %get3A_497 : vector<16xf32>
        %add3A_499 = arith.constant 2 : i32
        %add3A_500 = arith.addi %mul3A_34, %add3A_499 : i32
        %get3A_501 = arith.index_cast %add3A_500 : i32 to index
        %get3A_502 = arith.constant 64 : index
        %get3A_503 = tpu.vector_load %arg6[%get3A_501, %get3A_502] {strides = array<i32>} : memref<128x128xf32, #tpu.memory_space<vmem>>, vector<1x16xf32>,
        %get3A_504 = vector.shape_cast %get3A_503 : vector<1x16xf32> to vector<16xf32>
        %max3A_505 = arith.maximumf %max3A_498, %get3A_504 : vector<16xf32>
        %add3A_506 = arith.constant 3 : i32
        %add3A_507 = arith.addi %mul3A_34, %add3A_506 : i32
        %get3A_508 = arith.index_cast %add3A_507 : i32 to index
        %get3A_509 = arith.constant 64 : index
        %get3A_510 = tpu.vector_load %arg6[%get3A_508, %get3A_509] {strides = array<i32>} : memref<128x128xf32, #tpu.memory_space<vmem>>, vector<1x16xf32>,
        %get3A_511 = vector.shape_cast %get3A_510 : vector<1x16xf32> to vector<16xf32>
        %max3A_512 = arith.maximumf %max3A_505, %get3A_511 : vector<16xf32>
        %add3A_513 = arith.constant 4 : i32
        %add3A_514 = arith.addi %mul3A_34, %add3A_513 : i32
        %get3A_515 = arith.index_cast %add3A_514 : i32 to index
        %get3A_516 = arith.constant 64 : index
        %get3A_517 = tpu.vector_load %arg6[%get3A_515, %get3A_516] {strides = array<i32>} : memref<128x128xf32, #tpu.memory_space<vmem>>, vector<1x16xf32>,
        %get3A_518 = vector.shape_cast %get3A_517 : vector<1x16xf32> to vector<16xf32>
        %max3A_519 = arith.maximumf %max3A_512, %get3A_518 : vector<16xf32>
        %add3A_520 = arith.constant 5 : i32
        %add3A_521 = arith.addi %mul3A_34, %add3A_520 : i32
        %get3A_522 = arith.index_cast %add3A_521 : i32 to index
        %get3A_523 = arith.constant 64 : index
        %get3A_524 = tpu.vector_load %arg6[%get3A_522, %get3A_523] {strides = array<i32>} : memref<128x128xf32, #tpu.memory_space<vmem>>, vector<1x16xf32>,
        %get3A_525 = vector.shape_cast %get3A_524 : vector<1x16xf32> to vector<16xf32>
        %max3A_526 = arith.maximumf %max3A_519, %get3A_525 : vector<16xf32>
        %add3A_527 = arith.constant 6 : i32
        %add3A_528 = arith.addi %mul3A_34, %add3A_527 : i32
        %get3A_529 = arith.index_cast %add3A_528 : i32 to index
        %get3A_530 = arith.constant 64 : index
        %get3A_531 = tpu.vector_load %arg6[%get3A_529, %get3A_530] {strides = array<i32>} : memref<128x128xf32, #tpu.memory_space<vmem>>, vector<1x16xf32>,
        %get3A_532 = vector.shape_cast %get3A_531 : vector<1x16xf32> to vector<16xf32>
        %max3A_533 = arith.maximumf %max3A_526, %get3A_532 : vector<16xf32>
        %add3A_534 = arith.constant 7 : i32
        %add3A_535 = arith.addi %mul3A_34, %add3A_534 : i32
        %get3A_536 = arith.index_cast %add3A_535 : i32 to index
        %get3A_537 = arith.constant 64 : index
        %get3A_538 = tpu.vector_load %arg6[%get3A_536, %get3A_537] {strides = array<i32>} : memref<128x128xf32, #tpu.memory_space<vmem>>, vector<1x16xf32>,
        %get3A_539 = vector.shape_cast %get3A_538 : vector<1x16xf32> to vector<16xf32>
        %max3A_540 = arith.maximumf %max3A_533, %get3A_539 : vector<16xf32>
        %add3A_541 = arith.constant 8 : i32
        %add3A_542 = arith.addi %mul3A_34, %add3A_541 : i32
        %get3A_543 = arith.index_cast %add3A_542 : i32 to index
        %get3A_544 = arith.constant 64 : index
        %get3A_545 = tpu.vector_load %arg6[%get3A_543, %get3A_544] {strides = array<i32>} : memref<128x128xf32, #tpu.memory_space<vmem>>, vector<1x16xf32>,
        %get3A_546 = vector.shape_cast %get3A_545 : vector<1x16xf32> to vector<16xf32>
        %max3A_547 = arith.maximumf %max3A_540, %get3A_546 : vector<16xf32>
        %add3A_548 = arith.constant 9 : i32
        %add3A_549 = arith.addi %mul3A_34, %add3A_548 : i32
        %get3A_550 = arith.index_cast %add3A_549 : i32 to index
        %get3A_551 = arith.constant 64 : index
        %get3A_552 = tpu.vector_load %arg6[%get3A_550, %get3A_551] {strides = array<i32>} : memref<128x128xf32, #tpu.memory_space<vmem>>, vector<1x16xf32>,
        %get3A_553 = vector.shape_cast %get3A_552 : vector<1x16xf32> to vector<16xf32>
        %max3A_554 = arith.maximumf %max3A_547, %get3A_553 : vector<16xf32>
        %add3A_555 = arith.constant 10 : i32
        %add3A_556 = arith.addi %mul3A_34, %add3A_555 : i32
        %get3A_557 = arith.index_cast %add3A_556 : i32 to index
        %get3A_558 = arith.constant 64 : index
        %get3A_559 = tpu.vector_load %arg6[%get3A_557, %get3A_558] {strides = array<i32>} : memref<128x128xf32, #tpu.memory_space<vmem>>, vector<1x16xf32>,
        %get3A_560 = vector.shape_cast %get3A_559 : vector<1x16xf32> to vector<16xf32>
        %max3A_561 = arith.maximumf %max3A_554, %get3A_560 : vector<16xf32>
        %add3A_562 = arith.constant 11 : i32
        %add3A_563 = arith.addi %mul3A_34, %add3A_562 : i32
        %get3A_564 = arith.index_cast %add3A_563 : i32 to index
        %get3A_565 = arith.constant 64 : index
        %get3A_566 = tpu.vector_load %arg6[%get3A_564, %get3A_565] {strides = array<i32>} : memref<128x128xf32, #tpu.memory_space<vmem>>, vector<1x16xf32>,
        %get3A_567 = vector.shape_cast %get3A_566 : vector<1x16xf32> to vector<16xf32>
        %max3A_568 = arith.maximumf %max3A_561, %get3A_567 : vector<16xf32>
        %add3A_569 = arith.constant 12 : i32
        %add3A_570 = arith.addi %mul3A_34, %add3A_569 : i32
        %get3A_571 = arith.index_cast %add3A_570 : i32 to index
        %get3A_572 = arith.constant 64 : index
        %get3A_573 = tpu.vector_load %arg6[%get3A_571, %get3A_572] {strides = array<i32>} : memref<128x128xf32, #tpu.memory_space<vmem>>, vector<1x16xf32>,
        %get3A_574 = vector.shape_cast %get3A_573 : vector<1x16xf32> to vector<16xf32>
        %max3A_575 = arith.maximumf %max3A_568, %get3A_574 : vector<16xf32>
        %add3A_576 = arith.constant 13 : i32
        %add3A_577 = arith.addi %mul3A_34, %add3A_576 : i32
        %get3A_578 = arith.index_cast %add3A_577 : i32 to index
        %get3A_579 = arith.constant 64 : index
        %get3A_580 = tpu.vector_load %arg6[%get3A_578, %get3A_579] {strides = array<i32>} : memref<128x128xf32, #tpu.memory_space<vmem>>, vector<1x16xf32>,
        %get3A_581 = vector.shape_cast %get3A_580 : vector<1x16xf32> to vector<16xf32>
        %max3A_582 = arith.maximumf %max3A_575, %get3A_581 : vector<16xf32>
        %add3A_583 = arith.constant 14 : i32
        %add3A_584 = arith.addi %mul3A_34, %add3A_583 : i32
        %get3A_585 = arith.index_cast %add3A_584 : i32 to index
        %get3A_586 = arith.constant 64 : index
        %get3A_587 = tpu.vector_load %arg6[%get3A_585, %get3A_586] {strides = array<i32>} : memref<128x128xf32, #tpu.memory_space<vmem>>, vector<1x16xf32>,
        %get3A_588 = vector.shape_cast %get3A_587 : vector<1x16xf32> to vector<16xf32>
        %max3A_589 = arith.maximumf %max3A_582, %get3A_588 : vector<16xf32>
        %add3A_590 = arith.constant 15 : i32
        %add3A_591 = arith.addi %mul3A_34, %add3A_590 : i32
        %get3A_592 = arith.index_cast %add3A_591 : i32 to index
        %get3A_593 = arith.constant 64 : index
        %get3A_594 = tpu.vector_load %arg6[%get3A_592, %get3A_593] {strides = array<i32>} : memref<128x128xf32, #tpu.memory_space<vmem>>, vector<1x16xf32>,
        %get3A_595 = vector.shape_cast %get3A_594 : vector<1x16xf32> to vector<16xf32>
        %max3A_596 = arith.maximumf %max3A_589, %get3A_595 : vector<16xf32>
        %swap3A_597 = arith.index_cast %scan3A_31 : i32 to index
        %swap3A_598 = arith.constant 64 : index
        %swap3A_599 = tpu.vector_load %arg7[%swap3A_597, %swap3A_598] {strides = array<i32>} : memref<8x128xf32, #tpu.memory_space<vmem>>, vector<1x16xf32>,
        %swap3A_600 = vector.shape_cast %swap3A_599 : vector<1x16xf32> to vector<16xf32>
        %swap3A_601 = vector.shape_cast %max3A_596 : vector<16xf32> to vector<1x16xf32>
        tpu.vector_store %arg7[%swap3A_597, %swap3A_598], %swap3A_601 {strides = array<i32>} : memref<8x128xf32, #tpu.memory_space<vmem>>, vector<1x16xf32>,
        %get3A_602 = arith.index_cast %mul3A_34 : i32 to index
        %get3A_603 = arith.constant 80 : index
        %get3A_604 = tpu.vector_load %arg6[%get3A_602, %get3A_603] {strides = array<i32>} : memref<128x128xf32, #tpu.memory_space<vmem>>, vector<1x16xf32>,
        %get3A_605 = vector.shape_cast %get3A_604 : vector<1x16xf32> to vector<16xf32>
        %add3A_606 = arith.constant 1 : i32
        %add3A_607 = arith.addi %mul3A_34, %add3A_606 : i32
        %get3A_608 = arith.index_cast %add3A_607 : i32 to index
        %get3A_609 = arith.constant 80 : index
        %get3A_610 = tpu.vector_load %arg6[%get3A_608, %get3A_609] {strides = array<i32>} : memref<128x128xf32, #tpu.memory_space<vmem>>, vector<1x16xf32>,
        %get3A_611 = vector.shape_cast %get3A_610 : vector<1x16xf32> to vector<16xf32>
        %max3A_612 = arith.maximumf %get3A_605, %get3A_611 : vector<16xf32>
        %add3A_613 = arith.constant 2 : i32
        %add3A_614 = arith.addi %mul3A_34, %add3A_613 : i32
        %get3A_615 = arith.index_cast %add3A_614 : i32 to index
        %get3A_616 = arith.constant 80 : index
        %get3A_617 = tpu.vector_load %arg6[%get3A_615, %get3A_616] {strides = array<i32>} : memref<128x128xf32, #tpu.memory_space<vmem>>, vector<1x16xf32>,
        %get3A_618 = vector.shape_cast %get3A_617 : vector<1x16xf32> to vector<16xf32>
        %max3A_619 = arith.maximumf %max3A_612, %get3A_618 : vector<16xf32>
        %add3A_620 = arith.constant 3 : i32
        %add3A_621 = arith.addi %mul3A_34, %add3A_620 : i32
        %get3A_622 = arith.index_cast %add3A_621 : i32 to index
        %get3A_623 = arith.constant 80 : index
        %get3A_624 = tpu.vector_load %arg6[%get3A_622, %get3A_623] {strides = array<i32>} : memref<128x128xf32, #tpu.memory_space<vmem>>, vector<1x16xf32>,
        %get3A_625 = vector.shape_cast %get3A_624 : vector<1x16xf32> to vector<16xf32>
        %max3A_626 = arith.maximumf %max3A_619, %get3A_625 : vector<16xf32>
        %add3A_627 = arith.constant 4 : i32
        %add3A_628 = arith.addi %mul3A_34, %add3A_627 : i32
        %get3A_629 = arith.index_cast %add3A_628 : i32 to index
        %get3A_630 = arith.constant 80 : index
        %get3A_631 = tpu.vector_load %arg6[%get3A_629, %get3A_630] {strides = array<i32>} : memref<128x128xf32, #tpu.memory_space<vmem>>, vector<1x16xf32>,
        %get3A_632 = vector.shape_cast %get3A_631 : vector<1x16xf32> to vector<16xf32>
        %max3A_633 = arith.maximumf %max3A_626, %get3A_632 : vector<16xf32>
        %add3A_634 = arith.constant 5 : i32
        %add3A_635 = arith.addi %mul3A_34, %add3A_634 : i32
        %get3A_636 = arith.index_cast %add3A_635 : i32 to index
        %get3A_637 = arith.constant 80 : index
        %get3A_638 = tpu.vector_load %arg6[%get3A_636, %get3A_637] {strides = array<i32>} : memref<128x128xf32, #tpu.memory_space<vmem>>, vector<1x16xf32>,
        %get3A_639 = vector.shape_cast %get3A_638 : vector<1x16xf32> to vector<16xf32>
        %max3A_640 = arith.maximumf %max3A_633, %get3A_639 : vector<16xf32>
        %add3A_641 = arith.constant 6 : i32
        %add3A_642 = arith.addi %mul3A_34, %add3A_641 : i32
        %get3A_643 = arith.index_cast %add3A_642 : i32 to index
        %get3A_644 = arith.constant 80 : index
        %get3A_645 = tpu.vector_load %arg6[%get3A_643, %get3A_644] {strides = array<i32>} : memref<128x128xf32, #tpu.memory_space<vmem>>, vector<1x16xf32>,
        %get3A_646 = vector.shape_cast %get3A_645 : vector<1x16xf32> to vector<16xf32>
        %max3A_647 = arith.maximumf %max3A_640, %get3A_646 : vector<16xf32>
        %add3A_648 = arith.constant 7 : i32
        %add3A_649 = arith.addi %mul3A_34, %add3A_648 : i32
        %get3A_650 = arith.index_cast %add3A_649 : i32 to index
        %get3A_651 = arith.constant 80 : index
        %get3A_652 = tpu.vector_load %arg6[%get3A_650, %get3A_651] {strides = array<i32>} : memref<128x128xf32, #tpu.memory_space<vmem>>, vector<1x16xf32>,
        %get3A_653 = vector.shape_cast %get3A_652 : vector<1x16xf32> to vector<16xf32>
        %max3A_654 = arith.maximumf %max3A_647, %get3A_653 : vector<16xf32>
        %add3A_655 = arith.constant 8 : i32
        %add3A_656 = arith.addi %mul3A_34, %add3A_655 : i32
        %get3A_657 = arith.index_cast %add3A_656 : i32 to index
        %get3A_658 = arith.constant 80 : index
        %get3A_659 = tpu.vector_load %arg6[%get3A_657, %get3A_658] {strides = array<i32>} : memref<128x128xf32, #tpu.memory_space<vmem>>, vector<1x16xf32>,
        %get3A_660 = vector.shape_cast %get3A_659 : vector<1x16xf32> to vector<16xf32>
        %max3A_661 = arith.maximumf %max3A_654, %get3A_660 : vector<16xf32>
        %add3A_662 = arith.constant 9 : i32
        %add3A_663 = arith.addi %mul3A_34, %add3A_662 : i32
        %get3A_664 = arith.index_cast %add3A_663 : i32 to index
        %get3A_665 = arith.constant 80 : index
        %get3A_666 = tpu.vector_load %arg6[%get3A_664, %get3A_665] {strides = array<i32>} : memref<128x128xf32, #tpu.memory_space<vmem>>, vector<1x16xf32>,
        %get3A_667 = vector.shape_cast %get3A_666 : vector<1x16xf32> to vector<16xf32>
        %max3A_668 = arith.maximumf %max3A_661, %get3A_667 : vector<16xf32>
        %add3A_669 = arith.constant 10 : i32
        %add3A_670 = arith.addi %mul3A_34, %add3A_669 : i32
        %get3A_671 = arith.index_cast %add3A_670 : i32 to index
        %get3A_672 = arith.constant 80 : index
        %get3A_673 = tpu.vector_load %arg6[%get3A_671, %get3A_672] {strides = array<i32>} : memref<128x128xf32, #tpu.memory_space<vmem>>, vector<1x16xf32>,
        %get3A_674 = vector.shape_cast %get3A_673 : vector<1x16xf32> to vector<16xf32>
        %max3A_675 = arith.maximumf %max3A_668, %get3A_674 : vector<16xf32>
        %add3A_676 = arith.constant 11 : i32
        %add3A_677 = arith.addi %mul3A_34, %add3A_676 : i32
        %get3A_678 = arith.index_cast %add3A_677 : i32 to index
        %get3A_679 = arith.constant 80 : index
        %get3A_680 = tpu.vector_load %arg6[%get3A_678, %get3A_679] {strides = array<i32>} : memref<128x128xf32, #tpu.memory_space<vmem>>, vector<1x16xf32>,
        %get3A_681 = vector.shape_cast %get3A_680 : vector<1x16xf32> to vector<16xf32>
        %max3A_682 = arith.maximumf %max3A_675, %get3A_681 : vector<16xf32>
        %add3A_683 = arith.constant 12 : i32
        %add3A_684 = arith.addi %mul3A_34, %add3A_683 : i32
        %get3A_685 = arith.index_cast %add3A_684 : i32 to index
        %get3A_686 = arith.constant 80 : index
        %get3A_687 = tpu.vector_load %arg6[%get3A_685, %get3A_686] {strides = array<i32>} : memref<128x128xf32, #tpu.memory_space<vmem>>, vector<1x16xf32>,
        %get3A_688 = vector.shape_cast %get3A_687 : vector<1x16xf32> to vector<16xf32>
        %max3A_689 = arith.maximumf %max3A_682, %get3A_688 : vector<16xf32>
        %add3A_690 = arith.constant 13 : i32
        %add3A_691 = arith.addi %mul3A_34, %add3A_690 : i32
        %get3A_692 = arith.index_cast %add3A_691 : i32 to index
        %get3A_693 = arith.constant 80 : index
        %get3A_694 = tpu.vector_load %arg6[%get3A_692, %get3A_693] {strides = array<i32>} : memref<128x128xf32, #tpu.memory_space<vmem>>, vector<1x16xf32>,
        %get3A_695 = vector.shape_cast %get3A_694 : vector<1x16xf32> to vector<16xf32>
        %max3A_696 = arith.maximumf %max3A_689, %get3A_695 : vector<16xf32>
        %add3A_697 = arith.constant 14 : i32
        %add3A_698 = arith.addi %mul3A_34, %add3A_697 : i32
        %get3A_699 = arith.index_cast %add3A_698 : i32 to index
        %get3A_700 = arith.constant 80 : index
        %get3A_701 = tpu.vector_load %arg6[%get3A_699, %get3A_700] {strides = array<i32>} : memref<128x128xf32, #tpu.memory_space<vmem>>, vector<1x16xf32>,
        %get3A_702 = vector.shape_cast %get3A_701 : vector<1x16xf32> to vector<16xf32>
        %max3A_703 = arith.maximumf %max3A_696, %get3A_702 : vector<16xf32>
        %add3A_704 = arith.constant 15 : i32
        %add3A_705 = arith.addi %mul3A_34, %add3A_704 : i32
        %get3A_706 = arith.index_cast %add3A_705 : i32 to index
        %get3A_707 = arith.constant 80 : index
        %get3A_708 = tpu.vector_load %arg6[%get3A_706, %get3A_707] {strides = array<i32>} : memref<128x128xf32, #tpu.memory_space<vmem>>, vector<1x16xf32>,
        %get3A_709 = vector.shape_cast %get3A_708 : vector<1x16xf32> to vector<16xf32>
        %max3A_710 = arith.maximumf %max3A_703, %get3A_709 : vector<16xf32>
        %swap3A_711 = arith.index_cast %scan3A_31 : i32 to index
        %swap3A_712 = arith.constant 80 : index
        %swap3A_713 = tpu.vector_load %arg7[%swap3A_711, %swap3A_712] {strides = array<i32>} : memref<8x128xf32, #tpu.memory_space<vmem>>, vector<1x16xf32>,
        %swap3A_714 = vector.shape_cast %swap3A_713 : vector<1x16xf32> to vector<16xf32>
        %swap3A_715 = vector.shape_cast %max3A_710 : vector<16xf32> to vector<1x16xf32>
        tpu.vector_store %arg7[%swap3A_711, %swap3A_712], %swap3A_715 {strides = array<i32>} : memref<8x128xf32, #tpu.memory_space<vmem>>, vector<1x16xf32>,
        %get3A_716 = arith.index_cast %mul3A_34 : i32 to index
        %get3A_717 = arith.constant 96 : index
        %get3A_718 = tpu.vector_load %arg6[%get3A_716, %get3A_717] {strides = array<i32>} : memref<128x128xf32, #tpu.memory_space<vmem>>, vector<1x16xf32>,
        %get3A_719 = vector.shape_cast %get3A_718 : vector<1x16xf32> to vector<16xf32>
        %add3A_720 = arith.constant 1 : i32
        %add3A_721 = arith.addi %mul3A_34, %add3A_720 : i32
        %get3A_722 = arith.index_cast %add3A_721 : i32 to index
        %get3A_723 = arith.constant 96 : index
        %get3A_724 = tpu.vector_load %arg6[%get3A_722, %get3A_723] {strides = array<i32>} : memref<128x128xf32, #tpu.memory_space<vmem>>, vector<1x16xf32>,
        %get3A_725 = vector.shape_cast %get3A_724 : vector<1x16xf32> to vector<16xf32>
        %max3A_726 = arith.maximumf %get3A_719, %get3A_725 : vector<16xf32>
        %add3A_727 = arith.constant 2 : i32
        %add3A_728 = arith.addi %mul3A_34, %add3A_727 : i32
        %get3A_729 = arith.index_cast %add3A_728 : i32 to index
        %get3A_730 = arith.constant 96 : index
        %get3A_731 = tpu.vector_load %arg6[%get3A_729, %get3A_730] {strides = array<i32>} : memref<128x128xf32, #tpu.memory_space<vmem>>, vector<1x16xf32>,
        %get3A_732 = vector.shape_cast %get3A_731 : vector<1x16xf32> to vector<16xf32>
        %max3A_733 = arith.maximumf %max3A_726, %get3A_732 : vector<16xf32>
        %add3A_734 = arith.constant 3 : i32
        %add3A_735 = arith.addi %mul3A_34, %add3A_734 : i32
        %get3A_736 = arith.index_cast %add3A_735 : i32 to index
        %get3A_737 = arith.constant 96 : index
        %get3A_738 = tpu.vector_load %arg6[%get3A_736, %get3A_737] {strides = array<i32>} : memref<128x128xf32, #tpu.memory_space<vmem>>, vector<1x16xf32>,
        %get3A_739 = vector.shape_cast %get3A_738 : vector<1x16xf32> to vector<16xf32>
        %max3A_740 = arith.maximumf %max3A_733, %get3A_739 : vector<16xf32>
        %add3A_741 = arith.constant 4 : i32
        %add3A_742 = arith.addi %mul3A_34, %add3A_741 : i32
        %get3A_743 = arith.index_cast %add3A_742 : i32 to index
        %get3A_744 = arith.constant 96 : index
        %get3A_745 = tpu.vector_load %arg6[%get3A_743, %get3A_744] {strides = array<i32>} : memref<128x128xf32, #tpu.memory_space<vmem>>, vector<1x16xf32>,
        %get3A_746 = vector.shape_cast %get3A_745 : vector<1x16xf32> to vector<16xf32>
        %max3A_747 = arith.maximumf %max3A_740, %get3A_746 : vector<16xf32>
        %add3A_748 = arith.constant 5 : i32
        %add3A_749 = arith.addi %mul3A_34, %add3A_748 : i32
        %get3A_750 = arith.index_cast %add3A_749 : i32 to index
        %get3A_751 = arith.constant 96 : index
        %get3A_752 = tpu.vector_load %arg6[%get3A_750, %get3A_751] {strides = array<i32>} : memref<128x128xf32, #tpu.memory_space<vmem>>, vector<1x16xf32>,
        %get3A_753 = vector.shape_cast %get3A_752 : vector<1x16xf32> to vector<16xf32>
        %max3A_754 = arith.maximumf %max3A_747, %get3A_753 : vector<16xf32>
        %add3A_755 = arith.constant 6 : i32
        %add3A_756 = arith.addi %mul3A_34, %add3A_755 : i32
        %get3A_757 = arith.index_cast %add3A_756 : i32 to index
        %get3A_758 = arith.constant 96 : index
        %get3A_759 = tpu.vector_load %arg6[%get3A_757, %get3A_758] {strides = array<i32>} : memref<128x128xf32, #tpu.memory_space<vmem>>, vector<1x16xf32>,
        %get3A_760 = vector.shape_cast %get3A_759 : vector<1x16xf32> to vector<16xf32>
        %max3A_761 = arith.maximumf %max3A_754, %get3A_760 : vector<16xf32>
        %add3A_762 = arith.constant 7 : i32
        %add3A_763 = arith.addi %mul3A_34, %add3A_762 : i32
        %get3A_764 = arith.index_cast %add3A_763 : i32 to index
        %get3A_765 = arith.constant 96 : index
        %get3A_766 = tpu.vector_load %arg6[%get3A_764, %get3A_765] {strides = array<i32>} : memref<128x128xf32, #tpu.memory_space<vmem>>, vector<1x16xf32>,
        %get3A_767 = vector.shape_cast %get3A_766 : vector<1x16xf32> to vector<16xf32>
        %max3A_768 = arith.maximumf %max3A_761, %get3A_767 : vector<16xf32>
        %add3A_769 = arith.constant 8 : i32
        %add3A_770 = arith.addi %mul3A_34, %add3A_769 : i32
        %get3A_771 = arith.index_cast %add3A_770 : i32 to index
        %get3A_772 = arith.constant 96 : index
        %get3A_773 = tpu.vector_load %arg6[%get3A_771, %get3A_772] {strides = array<i32>} : memref<128x128xf32, #tpu.memory_space<vmem>>, vector<1x16xf32>,
        %get3A_774 = vector.shape_cast %get3A_773 : vector<1x16xf32> to vector<16xf32>
        %max3A_775 = arith.maximumf %max3A_768, %get3A_774 : vector<16xf32>
        %add3A_776 = arith.constant 9 : i32
        %add3A_777 = arith.addi %mul3A_34, %add3A_776 : i32
        %get3A_778 = arith.index_cast %add3A_777 : i32 to index
        %get3A_779 = arith.constant 96 : index
        %get3A_780 = tpu.vector_load %arg6[%get3A_778, %get3A_779] {strides = array<i32>} : memref<128x128xf32, #tpu.memory_space<vmem>>, vector<1x16xf32>,
        %get3A_781 = vector.shape_cast %get3A_780 : vector<1x16xf32> to vector<16xf32>
        %max3A_782 = arith.maximumf %max3A_775, %get3A_781 : vector<16xf32>
        %add3A_783 = arith.constant 10 : i32
        %add3A_784 = arith.addi %mul3A_34, %add3A_783 : i32
        %get3A_785 = arith.index_cast %add3A_784 : i32 to index
        %get3A_786 = arith.constant 96 : index
        %get3A_787 = tpu.vector_load %arg6[%get3A_785, %get3A_786] {strides = array<i32>} : memref<128x128xf32, #tpu.memory_space<vmem>>, vector<1x16xf32>,
        %get3A_788 = vector.shape_cast %get3A_787 : vector<1x16xf32> to vector<16xf32>
        %max3A_789 = arith.maximumf %max3A_782, %get3A_788 : vector<16xf32>
        %add3A_790 = arith.constant 11 : i32
        %add3A_791 = arith.addi %mul3A_34, %add3A_790 : i32
        %get3A_792 = arith.index_cast %add3A_791 : i32 to index
        %get3A_793 = arith.constant 96 : index
        %get3A_794 = tpu.vector_load %arg6[%get3A_792, %get3A_793] {strides = array<i32>} : memref<128x128xf32, #tpu.memory_space<vmem>>, vector<1x16xf32>,
        %get3A_795 = vector.shape_cast %get3A_794 : vector<1x16xf32> to vector<16xf32>
        %max3A_796 = arith.maximumf %max3A_789, %get3A_795 : vector<16xf32>
        %add3A_797 = arith.constant 12 : i32
        %add3A_798 = arith.addi %mul3A_34, %add3A_797 : i32
        %get3A_799 = arith.index_cast %add3A_798 : i32 to index
        %get3A_800 = arith.constant 96 : index
        %get3A_801 = tpu.vector_load %arg6[%get3A_799, %get3A_800] {strides = array<i32>} : memref<128x128xf32, #tpu.memory_space<vmem>>, vector<1x16xf32>,
        %get3A_802 = vector.shape_cast %get3A_801 : vector<1x16xf32> to vector<16xf32>
        %max3A_803 = arith.maximumf %max3A_796, %get3A_802 : vector<16xf32>
        %add3A_804 = arith.constant 13 : i32
        %add3A_805 = arith.addi %mul3A_34, %add3A_804 : i32
        %get3A_806 = arith.index_cast %add3A_805 : i32 to index
        %get3A_807 = arith.constant 96 : index
        %get3A_808 = tpu.vector_load %arg6[%get3A_806, %get3A_807] {strides = array<i32>} : memref<128x128xf32, #tpu.memory_space<vmem>>, vector<1x16xf32>,
        %get3A_809 = vector.shape_cast %get3A_808 : vector<1x16xf32> to vector<16xf32>
        %max3A_810 = arith.maximumf %max3A_803, %get3A_809 : vector<16xf32>
        %add3A_811 = arith.constant 14 : i32
        %add3A_812 = arith.addi %mul3A_34, %add3A_811 : i32
        %get3A_813 = arith.index_cast %add3A_812 : i32 to index
        %get3A_814 = arith.constant 96 : index
        %get3A_815 = tpu.vector_load %arg6[%get3A_813, %get3A_814] {strides = array<i32>} : memref<128x128xf32, #tpu.memory_space<vmem>>, vector<1x16xf32>,
        %get3A_816 = vector.shape_cast %get3A_815 : vector<1x16xf32> to vector<16xf32>
        %max3A_817 = arith.maximumf %max3A_810, %get3A_816 : vector<16xf32>
        %add3A_818 = arith.constant 15 : i32
        %add3A_819 = arith.addi %mul3A_34, %add3A_818 : i32
        %get3A_820 = arith.index_cast %add3A_819 : i32 to index
        %get3A_821 = arith.constant 96 : index
        %get3A_822 = tpu.vector_load %arg6[%get3A_820, %get3A_821] {strides = array<i32>} : memref<128x128xf32, #tpu.memory_space<vmem>>, vector<1x16xf32>,
        %get3A_823 = vector.shape_cast %get3A_822 : vector<1x16xf32> to vector<16xf32>
        %max3A_824 = arith.maximumf %max3A_817, %get3A_823 : vector<16xf32>
        %swap3A_825 = arith.index_cast %scan3A_31 : i32 to index
        %swap3A_826 = arith.constant 96 : index
        %swap3A_827 = tpu.vector_load %arg7[%swap3A_825, %swap3A_826] {strides = array<i32>} : memref<8x128xf32, #tpu.memory_space<vmem>>, vector<1x16xf32>,
        %swap3A_828 = vector.shape_cast %swap3A_827 : vector<1x16xf32> to vector<16xf32>
        %swap3A_829 = vector.shape_cast %max3A_824 : vector<16xf32> to vector<1x16xf32>
        tpu.vector_store %arg7[%swap3A_825, %swap3A_826], %swap3A_829 {strides = array<i32>} : memref<8x128xf32, #tpu.memory_space<vmem>>, vector<1x16xf32>,
        %get3A_830 = arith.index_cast %mul3A_34 : i32 to index
        %get3A_831 = arith.constant 112 : index
        %get3A_832 = tpu.vector_load %arg6[%get3A_830, %get3A_831] {strides = array<i32>} : memref<128x128xf32, #tpu.memory_space<vmem>>, vector<1x16xf32>,
        %get3A_833 = vector.shape_cast %get3A_832 : vector<1x16xf32> to vector<16xf32>
        %add3A_834 = arith.constant 1 : i32
        %add3A_835 = arith.addi %mul3A_34, %add3A_834 : i32
        %get3A_836 = arith.index_cast %add3A_835 : i32 to index
        %get3A_837 = arith.constant 112 : index
        %get3A_838 = tpu.vector_load %arg6[%get3A_836, %get3A_837] {strides = array<i32>} : memref<128x128xf32, #tpu.memory_space<vmem>>, vector<1x16xf32>,
        %get3A_839 = vector.shape_cast %get3A_838 : vector<1x16xf32> to vector<16xf32>
        %max3A_840 = arith.maximumf %get3A_833, %get3A_839 : vector<16xf32>
        %add3A_841 = arith.constant 2 : i32
        %add3A_842 = arith.addi %mul3A_34, %add3A_841 : i32
        %get3A_843 = arith.index_cast %add3A_842 : i32 to index
        %get3A_844 = arith.constant 112 : index
        %get3A_845 = tpu.vector_load %arg6[%get3A_843, %get3A_844] {strides = array<i32>} : memref<128x128xf32, #tpu.memory_space<vmem>>, vector<1x16xf32>,
        %get3A_846 = vector.shape_cast %get3A_845 : vector<1x16xf32> to vector<16xf32>
        %max3A_847 = arith.maximumf %max3A_840, %get3A_846 : vector<16xf32>
        %add3A_848 = arith.constant 3 : i32
        %add3A_849 = arith.addi %mul3A_34, %add3A_848 : i32
        %get3A_850 = arith.index_cast %add3A_849 : i32 to index
        %get3A_851 = arith.constant 112 : index
        %get3A_852 = tpu.vector_load %arg6[%get3A_850, %get3A_851] {strides = array<i32>} : memref<128x128xf32, #tpu.memory_space<vmem>>, vector<1x16xf32>,
        %get3A_853 = vector.shape_cast %get3A_852 : vector<1x16xf32> to vector<16xf32>
        %max3A_854 = arith.maximumf %max3A_847, %get3A_853 : vector<16xf32>
        %add3A_855 = arith.constant 4 : i32
        %add3A_856 = arith.addi %mul3A_34, %add3A_855 : i32
        %get3A_857 = arith.index_cast %add3A_856 : i32 to index
        %get3A_858 = arith.constant 112 : index
        %get3A_859 = tpu.vector_load %arg6[%get3A_857, %get3A_858] {strides = array<i32>} : memref<128x128xf32, #tpu.memory_space<vmem>>, vector<1x16xf32>,
        %get3A_860 = vector.shape_cast %get3A_859 : vector<1x16xf32> to vector<16xf32>
        %max3A_861 = arith.maximumf %max3A_854, %get3A_860 : vector<16xf32>
        %add3A_862 = arith.constant 5 : i32
        %add3A_863 = arith.addi %mul3A_34, %add3A_862 : i32
        %get3A_864 = arith.index_cast %add3A_863 : i32 to index
        %get3A_865 = arith.constant 112 : index
        %get3A_866 = tpu.vector_load %arg6[%get3A_864, %get3A_865] {strides = array<i32>} : memref<128x128xf32, #tpu.memory_space<vmem>>, vector<1x16xf32>,
        %get3A_867 = vector.shape_cast %get3A_866 : vector<1x16xf32> to vector<16xf32>
        %max3A_868 = arith.maximumf %max3A_861, %get3A_867 : vector<16xf32>
        %add3A_869 = arith.constant 6 : i32
        %add3A_870 = arith.addi %mul3A_34, %add3A_869 : i32
        %get3A_871 = arith.index_cast %add3A_870 : i32 to index
        %get3A_872 = arith.constant 112 : index
        %get3A_873 = tpu.vector_load %arg6[%get3A_871, %get3A_872] {strides = array<i32>} : memref<128x128xf32, #tpu.memory_space<vmem>>, vector<1x16xf32>,
        %get3A_874 = vector.shape_cast %get3A_873 : vector<1x16xf32> to vector<16xf32>
        %max3A_875 = arith.maximumf %max3A_868, %get3A_874 : vector<16xf32>
        %add3A_876 = arith.constant 7 : i32
        %add3A_877 = arith.addi %mul3A_34, %add3A_876 : i32
        %get3A_878 = arith.index_cast %add3A_877 : i32 to index
        %get3A_879 = arith.constant 112 : index
        %get3A_880 = tpu.vector_load %arg6[%get3A_878, %get3A_879] {strides = array<i32>} : memref<128x128xf32, #tpu.memory_space<vmem>>, vector<1x16xf32>,
        %get3A_881 = vector.shape_cast %get3A_880 : vector<1x16xf32> to vector<16xf32>
        %max3A_882 = arith.maximumf %max3A_875, %get3A_881 : vector<16xf32>
        %add3A_883 = arith.constant 8 : i32
        %add3A_884 = arith.addi %mul3A_34, %add3A_883 : i32
        %get3A_885 = arith.index_cast %add3A_884 : i32 to index
        %get3A_886 = arith.constant 112 : index
        %get3A_887 = tpu.vector_load %arg6[%get3A_885, %get3A_886] {strides = array<i32>} : memref<128x128xf32, #tpu.memory_space<vmem>>, vector<1x16xf32>,
        %get3A_888 = vector.shape_cast %get3A_887 : vector<1x16xf32> to vector<16xf32>
        %max3A_889 = arith.maximumf %max3A_882, %get3A_888 : vector<16xf32>
        %add3A_890 = arith.constant 9 : i32
        %add3A_891 = arith.addi %mul3A_34, %add3A_890 : i32
        %get3A_892 = arith.index_cast %add3A_891 : i32 to index
        %get3A_893 = arith.constant 112 : index
        %get3A_894 = tpu.vector_load %arg6[%get3A_892, %get3A_893] {strides = array<i32>} : memref<128x128xf32, #tpu.memory_space<vmem>>, vector<1x16xf32>,
        %get3A_895 = vector.shape_cast %get3A_894 : vector<1x16xf32> to vector<16xf32>
        %max3A_896 = arith.maximumf %max3A_889, %get3A_895 : vector<16xf32>
        %add3A_897 = arith.constant 10 : i32
        %add3A_898 = arith.addi %mul3A_34, %add3A_897 : i32
        %get3A_899 = arith.index_cast %add3A_898 : i32 to index
        %get3A_900 = arith.constant 112 : index
        %get3A_901 = tpu.vector_load %arg6[%get3A_899, %get3A_900] {strides = array<i32>} : memref<128x128xf32, #tpu.memory_space<vmem>>, vector<1x16xf32>,
        %get3A_902 = vector.shape_cast %get3A_901 : vector<1x16xf32> to vector<16xf32>
        %max3A_903 = arith.maximumf %max3A_896, %get3A_902 : vector<16xf32>
        %add3A_904 = arith.constant 11 : i32
        %add3A_905 = arith.addi %mul3A_34, %add3A_904 : i32
        %get3A_906 = arith.index_cast %add3A_905 : i32 to index
        %get3A_907 = arith.constant 112 : index
        %get3A_908 = tpu.vector_load %arg6[%get3A_906, %get3A_907] {strides = array<i32>} : memref<128x128xf32, #tpu.memory_space<vmem>>, vector<1x16xf32>,
        %get3A_909 = vector.shape_cast %get3A_908 : vector<1x16xf32> to vector<16xf32>
        %max3A_910 = arith.maximumf %max3A_903, %get3A_909 : vector<16xf32>
        %add3A_911 = arith.constant 12 : i32
        %add3A_912 = arith.addi %mul3A_34, %add3A_911 : i32
        %get3A_913 = arith.index_cast %add3A_912 : i32 to index
        %get3A_914 = arith.constant 112 : index
        %get3A_915 = tpu.vector_load %arg6[%get3A_913, %get3A_914] {strides = array<i32>} : memref<128x128xf32, #tpu.memory_space<vmem>>, vector<1x16xf32>,
        %get3A_916 = vector.shape_cast %get3A_915 : vector<1x16xf32> to vector<16xf32>
        %max3A_917 = arith.maximumf %max3A_910, %get3A_916 : vector<16xf32>
        %add3A_918 = arith.constant 13 : i32
        %add3A_919 = arith.addi %mul3A_34, %add3A_918 : i32
        %get3A_920 = arith.index_cast %add3A_919 : i32 to index
        %get3A_921 = arith.constant 112 : index
        %get3A_922 = tpu.vector_load %arg6[%get3A_920, %get3A_921] {strides = array<i32>} : memref<128x128xf32, #tpu.memory_space<vmem>>, vector<1x16xf32>,
        %get3A_923 = vector.shape_cast %get3A_922 : vector<1x16xf32> to vector<16xf32>
        %max3A_924 = arith.maximumf %max3A_917, %get3A_923 : vector<16xf32>
        %add3A_925 = arith.constant 14 : i32
        %add3A_926 = arith.addi %mul3A_34, %add3A_925 : i32
        %get3A_927 = arith.index_cast %add3A_926 : i32 to index
        %get3A_928 = arith.constant 112 : index
        %get3A_929 = tpu.vector_load %arg6[%get3A_927, %get3A_928] {strides = array<i32>} : memref<128x128xf32, #tpu.memory_space<vmem>>, vector<1x16xf32>,
        %get3A_930 = vector.shape_cast %get3A_929 : vector<1x16xf32> to vector<16xf32>
        %max3A_931 = arith.maximumf %max3A_924, %get3A_930 : vector<16xf32>
        %add3A_932 = arith.constant 15 : i32
        %add3A_933 = arith.addi %mul3A_34, %add3A_932 : i32
        %get3A_934 = arith.index_cast %add3A_933 : i32 to index
        %get3A_935 = arith.constant 112 : index
        %get3A_936 = tpu.vector_load %arg6[%get3A_934, %get3A_935] {strides = array<i32>} : memref<128x128xf32, #tpu.memory_space<vmem>>, vector<1x16xf32>,
        %get3A_937 = vector.shape_cast %get3A_936 : vector<1x16xf32> to vector<16xf32>
        %max3A_938 = arith.maximumf %max3A_931, %get3A_937 : vector<16xf32>
        %swap3A_939 = arith.index_cast %scan3A_31 : i32 to index
        %swap3A_940 = arith.constant 112 : index
        %swap3A_941 = tpu.vector_load %arg7[%swap3A_939, %swap3A_940] {strides = array<i32>} : memref<8x128xf32, #tpu.memory_space<vmem>>, vector<1x16xf32>,
        %swap3A_942 = vector.shape_cast %swap3A_941 : vector<1x16xf32> to vector<16xf32>
        %swap3A_943 = vector.shape_cast %max3A_938 : vector<16xf32> to vector<1x16xf32>
        tpu.vector_store %arg7[%swap3A_939, %swap3A_940], %swap3A_943 {strides = array<i32>} : memref<8x128xf32, #tpu.memory_space<vmem>>, vector<1x16xf32>,
        %scan3A_944 = arith.constant 0 : i32
        scf.yield %scan3A_944 : i32
      }
      %scan3A_26 = arith.constant 8 : i32
      %mul3A_27 = arith.constant 8 : i32
      %mul3A_28 = arith.muli %scan3A_9, %mul3A_27 : i32
      %add3A_29 = arith.addi %mul3A_2, %mul3A_28 : i32
      "tpu.region"() ({
        %run_scoped3A = tpu.sem_alloc : memref<!tpu.dma_semaphore, #tpu.memory_space<semaphore_mem>>
        %dma_start3A_31 = arith.constant 0 : i32
        %dma_start3A_32 = tpu.memref_slice %arg4[%add3A_29, %dma_start3A_31] : memref<8192x128xf32, #tpu.memory_space<hbm>> -> memref<8x128xf32, #tpu.memory_space<hbm>>
        %dma_start3A_33 = arith.constant 0 : i32
        %dma_start3A_34 = tpu.memref_slice %arg4[%add3A_29, %dma_start3A_33] : memref<8192x128xf32, #tpu.memory_space<hbm>> -> memref<8x128xf32, #tpu.memory_space<hbm>>
        tpu.enqueue_dma source(%arg7 : memref<8x128xf32, #tpu.memory_space<vmem>>) target(%dma_start3A_34 : memref<8x128xf32, #tpu.memory_space<hbm>>) target_semaphore(%run_scoped3A : memref<!tpu.dma_semaphore, #tpu.memory_space<semaphore_mem>>)
        %dma_wait3A_35 = arith.constant 0 : i32
        %dma_wait3A_36 = tpu.memref_slice %arg4[%add3A_29, %dma_wait3A_35] : memref<8192x128xf32, #tpu.memory_space<hbm>> -> memref<8x128xf32, #tpu.memory_space<hbm>>
        %dma_wait3A_37 = arith.constant 0 : i32
        %dma_wait3A_38 = tpu.memref_slice %arg4[%add3A_29, %dma_wait3A_37] : memref<8192x128xf32, #tpu.memory_space<hbm>> -> memref<8x128xf32, #tpu.memory_space<hbm>>
        tpu.wait_dma2 semaphore(%run_scoped3A : memref<!tpu.dma_semaphore, #tpu.memory_space<semaphore_mem>>) src(%arg7 : memref<8x128xf32, #tpu.memory_space<vmem>>) dst(%dma_wait3A_38 : memref<8x128xf32, #tpu.memory_space<hbm>>)
        tpu.yield
      }) : () -> ()
      %scan3A_30 = arith.constant 0 : i32
      scf.yield %scan3A_30 : i32
    }
    %scan3A_8 = arith.constant 32 : i32
    return
  }
}

module attributes {stable_mosaic.version = 14 : i64} {
  func.func @_fps_body(%arg0: memref<4xi32, #tpu.memory_space<smem>>, %arg1: memref<4x3x8x1024xf32, #tpu.memory_space<vmem>>, %arg2: memref<4x8x256xi32, #tpu.memory_space<vmem>>, %arg3: memref<8x1024xf32, #tpu.memory_space<vmem>>, %arg4: memref<8x1024xf32, #tpu.memory_space<vmem>>, %arg5: memref<8x1024xf32, #tpu.memory_space<vmem>>, %arg6: memref<8x1024xf32, #tpu.memory_space<vmem>>) attributes {dimension_semantics = [], scalar_prefetch = 0 : i64, scratch_operands = 4 : i64, tpu.core_type = #tpu.core_type<tc>} {
    %iota3A = tpu.iota {dimensions = array<i32: 0>} : vector<8x1024xi32>
    %mul3A = arith.constant 1024 : i32
    %mul3A_0 = vector.broadcast %mul3A : i32 to vector<8x1024xi32>
    %mul3A_1 = arith.muli %iota3A, %mul3A_0 : vector<8x1024xi32>
    %iota3A_2 = tpu.iota {dimensions = array<i32: 1>} : vector<8x1024xi32>
    %add3A = arith.addi %mul3A_1, %iota3A_2 : vector<8x1024xi32>
    %iota3A_3 = tpu.iota {dimensions = array<i32: 1>} : vector<8x256xi32>
    %mul3A_4 = arith.constant 8 : i32
    %mul3A_5 = vector.broadcast %mul3A_4 : i32 to vector<8x256xi32>
    %mul3A_6 = arith.muli %iota3A_3, %mul3A_5 : vector<8x256xi32>
    %iota3A_7 = tpu.iota {dimensions = array<i32: 0>} : vector<8x256xi32>
    %add3A_8 = arith.addi %mul3A_6, %iota3A_7 : vector<8x256xi32>
    %broadcast_in_dim3A = arith.constant 1.000000e+10 : f32
    %broadcast_in_dim3A_9 = vector.broadcast %broadcast_in_dim3A : f32 to vector<8x1024xf32>
    %swap3A = arith.constant 0 : index
    %swap3A_10 = arith.constant 0 : index
    %swap3A_11 = vector.load %arg3[%swap3A, %swap3A_10] : memref<8x1024xf32, #tpu.memory_space<vmem>>, vector<8x1024xf32>
    tpu.vector_store %arg3[%swap3A, %swap3A_10], %broadcast_in_dim3A_9 {strides = array<i32>} : memref<8x1024xf32, #tpu.memory_space<vmem>>, vector<8x1024xf32>,
    %broadcast_in_dim3A_12 = arith.constant 1.000000e+10 : f32
    %broadcast_in_dim3A_13 = vector.broadcast %broadcast_in_dim3A_12 : f32 to vector<8x1024xf32>
    %swap3A_14 = arith.constant 0 : index
    %swap3A_15 = arith.constant 0 : index
    %swap3A_16 = vector.load %arg4[%swap3A_14, %swap3A_15] : memref<8x1024xf32, #tpu.memory_space<vmem>>, vector<8x1024xf32>
    tpu.vector_store %arg4[%swap3A_14, %swap3A_15], %broadcast_in_dim3A_13 {strides = array<i32>} : memref<8x1024xf32, #tpu.memory_space<vmem>>, vector<8x1024xf32>,
    %broadcast_in_dim3A_17 = arith.constant 1.000000e+10 : f32
    %broadcast_in_dim3A_18 = vector.broadcast %broadcast_in_dim3A_17 : f32 to vector<8x1024xf32>
    %swap3A_19 = arith.constant 0 : index
    %swap3A_20 = arith.constant 0 : index
    %swap3A_21 = vector.load %arg5[%swap3A_19, %swap3A_20] : memref<8x1024xf32, #tpu.memory_space<vmem>>, vector<8x1024xf32>
    tpu.vector_store %arg5[%swap3A_19, %swap3A_20], %broadcast_in_dim3A_18 {strides = array<i32>} : memref<8x1024xf32, #tpu.memory_space<vmem>>, vector<8x1024xf32>,
    %broadcast_in_dim3A_22 = arith.constant 1.000000e+10 : f32
    %broadcast_in_dim3A_23 = vector.broadcast %broadcast_in_dim3A_22 : f32 to vector<8x1024xf32>
    %swap3A_24 = arith.constant 0 : index
    %swap3A_25 = arith.constant 0 : index
    %swap3A_26 = vector.load %arg6[%swap3A_24, %swap3A_25] : memref<8x1024xf32, #tpu.memory_space<vmem>>, vector<8x1024xf32>
    tpu.vector_store %arg6[%swap3A_24, %swap3A_25], %broadcast_in_dim3A_23 {strides = array<i32>} : memref<8x1024xf32, #tpu.memory_space<vmem>>, vector<8x1024xf32>,
    %broadcast_in_dim3A_27 = arith.constant 0 : i32
    %broadcast_in_dim3A_28 = vector.broadcast %broadcast_in_dim3A_27 : i32 to vector<8x256xi32>
    %broadcast_in_dim3A_29 = arith.constant 0 : i32
    %broadcast_in_dim3A_30 = vector.broadcast %broadcast_in_dim3A_29 : i32 to vector<8x256xi32>
    %broadcast_in_dim3A_31 = arith.constant 0 : i32
    %broadcast_in_dim3A_32 = vector.broadcast %broadcast_in_dim3A_31 : i32 to vector<8x256xi32>
    %broadcast_in_dim3A_33 = arith.constant 0 : i32
    %broadcast_in_dim3A_34 = vector.broadcast %broadcast_in_dim3A_33 : i32 to vector<8x256xi32>
    %get3A = arith.constant 0 : index
    %get3A_35 = memref.load %arg0[%get3A] : memref<4xi32, #tpu.memory_space<smem>>
    %broadcast_in_dim3A_36 = vector.broadcast %get3A_35 : i32 to vector<1x1xi32>
    %get3A_37 = arith.constant 1 : index
    %get3A_38 = memref.load %arg0[%get3A_37] : memref<4xi32, #tpu.memory_space<smem>>
    %broadcast_in_dim3A_39 = vector.broadcast %get3A_38 : i32 to vector<1x1xi32>
    %get3A_40 = arith.constant 2 : index
    %get3A_41 = memref.load %arg0[%get3A_40] : memref<4xi32, #tpu.memory_space<smem>>
    %broadcast_in_dim3A_42 = vector.broadcast %get3A_41 : i32 to vector<1x1xi32>
    %get3A_43 = arith.constant 3 : index
    %get3A_44 = memref.load %arg0[%get3A_43] : memref<4xi32, #tpu.memory_space<smem>>
    %broadcast_in_dim3A_45 = vector.broadcast %get3A_44 : i32 to vector<1x1xi32>
    %scan3A = arith.constant 0 : i32
    %scan3A_46 = arith.constant 2048 : i32
    %scan3A_47 = arith.addi %scan3A, %scan3A_46 : i32
    %scan3A_48 = arith.constant 1 : i32
    %scan3A_49:8 = scf.for %scan3A_87 = %scan3A to %scan3A_47 step %scan3A_48 iter_args(%scan3A_88 = %broadcast_in_dim3A_36, %scan3A_89 = %broadcast_in_dim3A_39, %scan3A_90 = %broadcast_in_dim3A_42, %scan3A_91 = %broadcast_in_dim3A_45, %scan3A_92 = %broadcast_in_dim3A_28, %scan3A_93 = %broadcast_in_dim3A_30, %scan3A_94 = %broadcast_in_dim3A_32, %scan3A_95 = %broadcast_in_dim3A_34) -> (vector<1x1xi32>, vector<1x1xi32>, vector<1x1xi32>, vector<1x1xi32>, vector<8x256xi32>, vector<8x256xi32>, vector<8x256xi32>, vector<8x256xi32>)  : i32 {
      %get3A_96 = arith.constant 0 : index
      %get3A_97 = arith.constant 0 : index
      %get3A_98 = arith.constant 0 : index
      %get3A_99 = arith.constant 0 : index
      %get3A_100 = vector.load %arg1[%get3A_96, %get3A_97, %get3A_98, %get3A_99] : memref<4x3x8x1024xf32, #tpu.memory_space<vmem>>, vector<1x1x8x1024xf32>
      %get3A_101 = vector.shape_cast %get3A_100 : vector<1x1x8x1024xf32> to vector<8x1024xf32>
      %get3A_102 = arith.constant 0 : index
      %get3A_103 = arith.constant 1 : index
      %get3A_104 = arith.constant 0 : index
      %get3A_105 = arith.constant 0 : index
      %get3A_106 = vector.load %arg1[%get3A_102, %get3A_103, %get3A_104, %get3A_105] : memref<4x3x8x1024xf32, #tpu.memory_space<vmem>>, vector<1x1x8x1024xf32>
      %get3A_107 = vector.shape_cast %get3A_106 : vector<1x1x8x1024xf32> to vector<8x1024xf32>
      %get3A_108 = arith.constant 0 : index
      %get3A_109 = arith.constant 2 : index
      %get3A_110 = arith.constant 0 : index
      %get3A_111 = arith.constant 0 : index
      %get3A_112 = vector.load %arg1[%get3A_108, %get3A_109, %get3A_110, %get3A_111] : memref<4x3x8x1024xf32, #tpu.memory_space<vmem>>, vector<1x1x8x1024xf32>
      %get3A_113 = vector.shape_cast %get3A_112 : vector<1x1x8x1024xf32> to vector<8x1024xf32>
      %eq3A = vector.broadcast %scan3A_88 : vector<1x1xi32> to vector<8x1024xi32>
      %eq3A_114 = arith.cmpi eq, %add3A, %eq3A : vector<8x1024xi32>
      %jit3A = arith.constant -3.400000e+38 : f32
      %broadcast_in_dim3A_115 = vector.broadcast %jit3A : f32 to vector<8x1024xf32>
      %select_n3A = arith.select %eq3A_114, %get3A_101, %broadcast_in_dim3A_115 : vector<8x1024xi1>, vector<8x1024xf32>
      %reduce_max3A = arith.constant dense<0xFF800000> : vector<1024xf32>
      %reduce_max3A_116 = vector.multi_reduction <maximumf>, %select_n3A, %reduce_max3A [0] : vector<8x1024xf32> to vector<1024xf32>
      %broadcast_in_dim3A_117 = vector.shape_cast %reduce_max3A_116 : vector<1024xf32> to vector<1x1024xf32>
      %reduce_max3A_118 = arith.constant dense<0xFF800000> : vector<1xf32>
      %reduce_max3A_119 = vector.multi_reduction <maximumf>, %broadcast_in_dim3A_117, %reduce_max3A_118 [1] : vector<1x1024xf32> to vector<1xf32>
      %broadcast_in_dim3A_120 = vector.shape_cast %reduce_max3A_119 : vector<1xf32> to vector<1x1xf32>
      %jit3A_121 = arith.constant -3.400000e+38 : f32
      %broadcast_in_dim3A_122 = vector.broadcast %jit3A_121 : f32 to vector<8x1024xf32>
      %select_n3A_123 = arith.select %eq3A_114, %get3A_107, %broadcast_in_dim3A_122 : vector<8x1024xi1>, vector<8x1024xf32>
      %reduce_max3A_124 = arith.constant dense<0xFF800000> : vector<1024xf32>
      %reduce_max3A_125 = vector.multi_reduction <maximumf>, %select_n3A_123, %reduce_max3A_124 [0] : vector<8x1024xf32> to vector<1024xf32>
      %broadcast_in_dim3A_126 = vector.shape_cast %reduce_max3A_125 : vector<1024xf32> to vector<1x1024xf32>
      %reduce_max3A_127 = arith.constant dense<0xFF800000> : vector<1xf32>
      %reduce_max3A_128 = vector.multi_reduction <maximumf>, %broadcast_in_dim3A_126, %reduce_max3A_127 [1] : vector<1x1024xf32> to vector<1xf32>
      %broadcast_in_dim3A_129 = vector.shape_cast %reduce_max3A_128 : vector<1xf32> to vector<1x1xf32>
      %jit3A_130 = arith.constant -3.400000e+38 : f32
      %broadcast_in_dim3A_131 = vector.broadcast %jit3A_130 : f32 to vector<8x1024xf32>
      %select_n3A_132 = arith.select %eq3A_114, %get3A_113, %broadcast_in_dim3A_131 : vector<8x1024xi1>, vector<8x1024xf32>
      %reduce_max3A_133 = arith.constant dense<0xFF800000> : vector<1024xf32>
      %reduce_max3A_134 = vector.multi_reduction <maximumf>, %select_n3A_132, %reduce_max3A_133 [0] : vector<8x1024xf32> to vector<1024xf32>
      %broadcast_in_dim3A_135 = vector.shape_cast %reduce_max3A_134 : vector<1024xf32> to vector<1x1024xf32>
      %reduce_max3A_136 = arith.constant dense<0xFF800000> : vector<1xf32>
      %reduce_max3A_137 = vector.multi_reduction <maximumf>, %broadcast_in_dim3A_135, %reduce_max3A_136 [1] : vector<1x1024xf32> to vector<1xf32>
      %broadcast_in_dim3A_138 = vector.shape_cast %reduce_max3A_137 : vector<1xf32> to vector<1x1xf32>
      %eq3A_139 = vector.broadcast %scan3A_87 : i32 to vector<8x256xi32>
      %eq3A_140 = arith.cmpi eq, %add3A_8, %eq3A_139 : vector<8x256xi32>
      %broadcast_in_dim3A_141 = vector.shape_cast %scan3A_88 : vector<1x1xi32> to vector<1x1xi32>
      %broadcast_in_dim3A_142 = vector.broadcast %broadcast_in_dim3A_141 : vector<1x1xi32> to vector<8x256xi32>
      %select_n3A_143 = arith.select %eq3A_140, %broadcast_in_dim3A_142, %scan3A_92 : vector<8x256xi1>, vector<8x256xi32>
      %sub3A = vector.broadcast %broadcast_in_dim3A_120 : vector<1x1xf32> to vector<8x1024xf32>
      %sub3A_144 = arith.subf %get3A_101, %sub3A : vector<8x1024xf32>
      %sub3A_145 = vector.broadcast %broadcast_in_dim3A_129 : vector<1x1xf32> to vector<8x1024xf32>
      %sub3A_146 = arith.subf %get3A_107, %sub3A_145 : vector<8x1024xf32>
      %sub3A_147 = vector.broadcast %broadcast_in_dim3A_138 : vector<1x1xf32> to vector<8x1024xf32>
      %sub3A_148 = arith.subf %get3A_113, %sub3A_147 : vector<8x1024xf32>
      %mul3A_149 = arith.mulf %sub3A_144, %sub3A_144 : vector<8x1024xf32>
      %mul3A_150 = arith.mulf %sub3A_146, %sub3A_146 : vector<8x1024xf32>
      %add3A_151 = arith.addf %mul3A_149, %mul3A_150 : vector<8x1024xf32>
      %mul3A_152 = arith.mulf %sub3A_148, %sub3A_148 : vector<8x1024xf32>
      %add3A_153 = arith.addf %add3A_151, %mul3A_152 : vector<8x1024xf32>
      %get3A_154 = arith.constant 0 : index
      %get3A_155 = arith.constant 0 : index
      %get3A_156 = vector.load %arg3[%get3A_154, %get3A_155] : memref<8x1024xf32, #tpu.memory_space<vmem>>, vector<8x1024xf32>
      %min3A = arith.minimumf %get3A_156, %add3A_153 : vector<8x1024xf32>
      %swap3A_157 = arith.constant 0 : index
      %swap3A_158 = arith.constant 0 : index
      %swap3A_159 = vector.load %arg3[%swap3A_157, %swap3A_158] : memref<8x1024xf32, #tpu.memory_space<vmem>>, vector<8x1024xf32>
      tpu.vector_store %arg3[%swap3A_157, %swap3A_158], %min3A {strides = array<i32>} : memref<8x1024xf32, #tpu.memory_space<vmem>>, vector<8x1024xf32>,
      %reduce_max3A_160 = arith.constant dense<0xFF800000> : vector<1024xf32>
      %reduce_max3A_161 = vector.multi_reduction <maximumf>, %min3A, %reduce_max3A_160 [0] : vector<8x1024xf32> to vector<1024xf32>
      %broadcast_in_dim3A_162 = vector.shape_cast %reduce_max3A_161 : vector<1024xf32> to vector<1x1024xf32>
      %reduce_max3A_163 = arith.constant dense<0xFF800000> : vector<1xf32>
      %reduce_max3A_164 = vector.multi_reduction <maximumf>, %broadcast_in_dim3A_162, %reduce_max3A_163 [1] : vector<1x1024xf32> to vector<1xf32>
      %broadcast_in_dim3A_165 = vector.shape_cast %reduce_max3A_164 : vector<1xf32> to vector<1x1xf32>
      %eq3A_166 = vector.broadcast %broadcast_in_dim3A_165 : vector<1x1xf32> to vector<8x1024xf32>
      %eq3A_167 = arith.cmpf oeq, %min3A, %eq3A_166 : vector<8x1024xf32>
      %jit3A_168 = arith.constant 1073741824 : i32
      %broadcast_in_dim3A_169 = vector.broadcast %jit3A_168 : i32 to vector<8x1024xi32>
      %select_n3A_170 = arith.select %eq3A_167, %add3A, %broadcast_in_dim3A_169 : vector<8x1024xi1>, vector<8x1024xi32>
      %reduce_min3A = arith.constant dense<2147483647> : vector<1024xi32>
      %reduce_min3A_171 = vector.multi_reduction <minsi>, %select_n3A_170, %reduce_min3A [0] : vector<8x1024xi32> to vector<1024xi32>
      %broadcast_in_dim3A_172 = vector.shape_cast %reduce_min3A_171 : vector<1024xi32> to vector<1x1024xi32>
      %reduce_min3A_173 = arith.constant dense<2147483647> : vector<1xi32>
      %reduce_min3A_174 = vector.multi_reduction <minsi>, %broadcast_in_dim3A_172, %reduce_min3A_173 [1] : vector<1x1024xi32> to vector<1xi32>
      %broadcast_in_dim3A_175 = vector.shape_cast %reduce_min3A_174 : vector<1xi32> to vector<1x1xi32>
      %get3A_176 = arith.constant 1 : index
      %get3A_177 = arith.constant 0 : index
      %get3A_178 = arith.constant 0 : index
      %get3A_179 = arith.constant 0 : index
      %get3A_180 = vector.load %arg1[%get3A_176, %get3A_177, %get3A_178, %get3A_179] : memref<4x3x8x1024xf32, #tpu.memory_space<vmem>>, vector<1x1x8x1024xf32>
      %get3A_181 = vector.shape_cast %get3A_180 : vector<1x1x8x1024xf32> to vector<8x1024xf32>
      %get3A_182 = arith.constant 1 : index
      %get3A_183 = arith.constant 1 : index
      %get3A_184 = arith.constant 0 : index
      %get3A_185 = arith.constant 0 : index
      %get3A_186 = vector.load %arg1[%get3A_182, %get3A_183, %get3A_184, %get3A_185] : memref<4x3x8x1024xf32, #tpu.memory_space<vmem>>, vector<1x1x8x1024xf32>
      %get3A_187 = vector.shape_cast %get3A_186 : vector<1x1x8x1024xf32> to vector<8x1024xf32>
      %get3A_188 = arith.constant 1 : index
      %get3A_189 = arith.constant 2 : index
      %get3A_190 = arith.constant 0 : index
      %get3A_191 = arith.constant 0 : index
      %get3A_192 = vector.load %arg1[%get3A_188, %get3A_189, %get3A_190, %get3A_191] : memref<4x3x8x1024xf32, #tpu.memory_space<vmem>>, vector<1x1x8x1024xf32>
      %get3A_193 = vector.shape_cast %get3A_192 : vector<1x1x8x1024xf32> to vector<8x1024xf32>
      %eq3A_194 = vector.broadcast %scan3A_89 : vector<1x1xi32> to vector<8x1024xi32>
      %eq3A_195 = arith.cmpi eq, %add3A, %eq3A_194 : vector<8x1024xi32>
      %jit3A_196 = arith.constant -3.400000e+38 : f32
      %broadcast_in_dim3A_197 = vector.broadcast %jit3A_196 : f32 to vector<8x1024xf32>
      %select_n3A_198 = arith.select %eq3A_195, %get3A_181, %broadcast_in_dim3A_197 : vector<8x1024xi1>, vector<8x1024xf32>
      %reduce_max3A_199 = arith.constant dense<0xFF800000> : vector<1024xf32>
      %reduce_max3A_200 = vector.multi_reduction <maximumf>, %select_n3A_198, %reduce_max3A_199 [0] : vector<8x1024xf32> to vector<1024xf32>
      %broadcast_in_dim3A_201 = vector.shape_cast %reduce_max3A_200 : vector<1024xf32> to vector<1x1024xf32>
      %reduce_max3A_202 = arith.constant dense<0xFF800000> : vector<1xf32>
      %reduce_max3A_203 = vector.multi_reduction <maximumf>, %broadcast_in_dim3A_201, %reduce_max3A_202 [1] : vector<1x1024xf32> to vector<1xf32>
      %broadcast_in_dim3A_204 = vector.shape_cast %reduce_max3A_203 : vector<1xf32> to vector<1x1xf32>
      %jit3A_205 = arith.constant -3.400000e+38 : f32
      %broadcast_in_dim3A_206 = vector.broadcast %jit3A_205 : f32 to vector<8x1024xf32>
      %select_n3A_207 = arith.select %eq3A_195, %get3A_187, %broadcast_in_dim3A_206 : vector<8x1024xi1>, vector<8x1024xf32>
      %reduce_max3A_208 = arith.constant dense<0xFF800000> : vector<1024xf32>
      %reduce_max3A_209 = vector.multi_reduction <maximumf>, %select_n3A_207, %reduce_max3A_208 [0] : vector<8x1024xf32> to vector<1024xf32>
      %broadcast_in_dim3A_210 = vector.shape_cast %reduce_max3A_209 : vector<1024xf32> to vector<1x1024xf32>
      %reduce_max3A_211 = arith.constant dense<0xFF800000> : vector<1xf32>
      %reduce_max3A_212 = vector.multi_reduction <maximumf>, %broadcast_in_dim3A_210, %reduce_max3A_211 [1] : vector<1x1024xf32> to vector<1xf32>
      %broadcast_in_dim3A_213 = vector.shape_cast %reduce_max3A_212 : vector<1xf32> to vector<1x1xf32>
      %jit3A_214 = arith.constant -3.400000e+38 : f32
      %broadcast_in_dim3A_215 = vector.broadcast %jit3A_214 : f32 to vector<8x1024xf32>
      %select_n3A_216 = arith.select %eq3A_195, %get3A_193, %broadcast_in_dim3A_215 : vector<8x1024xi1>, vector<8x1024xf32>
      %reduce_max3A_217 = arith.constant dense<0xFF800000> : vector<1024xf32>
      %reduce_max3A_218 = vector.multi_reduction <maximumf>, %select_n3A_216, %reduce_max3A_217 [0] : vector<8x1024xf32> to vector<1024xf32>
      %broadcast_in_dim3A_219 = vector.shape_cast %reduce_max3A_218 : vector<1024xf32> to vector<1x1024xf32>
      %reduce_max3A_220 = arith.constant dense<0xFF800000> : vector<1xf32>
      %reduce_max3A_221 = vector.multi_reduction <maximumf>, %broadcast_in_dim3A_219, %reduce_max3A_220 [1] : vector<1x1024xf32> to vector<1xf32>
      %broadcast_in_dim3A_222 = vector.shape_cast %reduce_max3A_221 : vector<1xf32> to vector<1x1xf32>
      %eq3A_223 = vector.broadcast %scan3A_87 : i32 to vector<8x256xi32>
      %eq3A_224 = arith.cmpi eq, %add3A_8, %eq3A_223 : vector<8x256xi32>
      %broadcast_in_dim3A_225 = vector.shape_cast %scan3A_89 : vector<1x1xi32> to vector<1x1xi32>
      %broadcast_in_dim3A_226 = vector.broadcast %broadcast_in_dim3A_225 : vector<1x1xi32> to vector<8x256xi32>
      %select_n3A_227 = arith.select %eq3A_224, %broadcast_in_dim3A_226, %scan3A_93 : vector<8x256xi1>, vector<8x256xi32>
      %sub3A_228 = vector.broadcast %broadcast_in_dim3A_204 : vector<1x1xf32> to vector<8x1024xf32>
      %sub3A_229 = arith.subf %get3A_181, %sub3A_228 : vector<8x1024xf32>
      %sub3A_230 = vector.broadcast %broadcast_in_dim3A_213 : vector<1x1xf32> to vector<8x1024xf32>
      %sub3A_231 = arith.subf %get3A_187, %sub3A_230 : vector<8x1024xf32>
      %sub3A_232 = vector.broadcast %broadcast_in_dim3A_222 : vector<1x1xf32> to vector<8x1024xf32>
      %sub3A_233 = arith.subf %get3A_193, %sub3A_232 : vector<8x1024xf32>
      %mul3A_234 = arith.mulf %sub3A_229, %sub3A_229 : vector<8x1024xf32>
      %mul3A_235 = arith.mulf %sub3A_231, %sub3A_231 : vector<8x1024xf32>
      %add3A_236 = arith.addf %mul3A_234, %mul3A_235 : vector<8x1024xf32>
      %mul3A_237 = arith.mulf %sub3A_233, %sub3A_233 : vector<8x1024xf32>
      %add3A_238 = arith.addf %add3A_236, %mul3A_237 : vector<8x1024xf32>
      %get3A_239 = arith.constant 0 : index
      %get3A_240 = arith.constant 0 : index
      %get3A_241 = vector.load %arg4[%get3A_239, %get3A_240] : memref<8x1024xf32, #tpu.memory_space<vmem>>, vector<8x1024xf32>
      %min3A_242 = arith.minimumf %get3A_241, %add3A_238 : vector<8x1024xf32>
      %swap3A_243 = arith.constant 0 : index
      %swap3A_244 = arith.constant 0 : index
      %swap3A_245 = vector.load %arg4[%swap3A_243, %swap3A_244] : memref<8x1024xf32, #tpu.memory_space<vmem>>, vector<8x1024xf32>
      tpu.vector_store %arg4[%swap3A_243, %swap3A_244], %min3A_242 {strides = array<i32>} : memref<8x1024xf32, #tpu.memory_space<vmem>>, vector<8x1024xf32>,
      %reduce_max3A_246 = arith.constant dense<0xFF800000> : vector<1024xf32>
      %reduce_max3A_247 = vector.multi_reduction <maximumf>, %min3A_242, %reduce_max3A_246 [0] : vector<8x1024xf32> to vector<1024xf32>
      %broadcast_in_dim3A_248 = vector.shape_cast %reduce_max3A_247 : vector<1024xf32> to vector<1x1024xf32>
      %reduce_max3A_249 = arith.constant dense<0xFF800000> : vector<1xf32>
      %reduce_max3A_250 = vector.multi_reduction <maximumf>, %broadcast_in_dim3A_248, %reduce_max3A_249 [1] : vector<1x1024xf32> to vector<1xf32>
      %broadcast_in_dim3A_251 = vector.shape_cast %reduce_max3A_250 : vector<1xf32> to vector<1x1xf32>
      %eq3A_252 = vector.broadcast %broadcast_in_dim3A_251 : vector<1x1xf32> to vector<8x1024xf32>
      %eq3A_253 = arith.cmpf oeq, %min3A_242, %eq3A_252 : vector<8x1024xf32>
      %jit3A_254 = arith.constant 1073741824 : i32
      %broadcast_in_dim3A_255 = vector.broadcast %jit3A_254 : i32 to vector<8x1024xi32>
      %select_n3A_256 = arith.select %eq3A_253, %add3A, %broadcast_in_dim3A_255 : vector<8x1024xi1>, vector<8x1024xi32>
      %reduce_min3A_257 = arith.constant dense<2147483647> : vector<1024xi32>
      %reduce_min3A_258 = vector.multi_reduction <minsi>, %select_n3A_256, %reduce_min3A_257 [0] : vector<8x1024xi32> to vector<1024xi32>
      %broadcast_in_dim3A_259 = vector.shape_cast %reduce_min3A_258 : vector<1024xi32> to vector<1x1024xi32>
      %reduce_min3A_260 = arith.constant dense<2147483647> : vector<1xi32>
      %reduce_min3A_261 = vector.multi_reduction <minsi>, %broadcast_in_dim3A_259, %reduce_min3A_260 [1] : vector<1x1024xi32> to vector<1xi32>
      %broadcast_in_dim3A_262 = vector.shape_cast %reduce_min3A_261 : vector<1xi32> to vector<1x1xi32>
      %get3A_263 = arith.constant 2 : index
      %get3A_264 = arith.constant 0 : index
      %get3A_265 = arith.constant 0 : index
      %get3A_266 = arith.constant 0 : index
      %get3A_267 = vector.load %arg1[%get3A_263, %get3A_264, %get3A_265, %get3A_266] : memref<4x3x8x1024xf32, #tpu.memory_space<vmem>>, vector<1x1x8x1024xf32>
      %get3A_268 = vector.shape_cast %get3A_267 : vector<1x1x8x1024xf32> to vector<8x1024xf32>
      %get3A_269 = arith.constant 2 : index
      %get3A_270 = arith.constant 1 : index
      %get3A_271 = arith.constant 0 : index
      %get3A_272 = arith.constant 0 : index
      %get3A_273 = vector.load %arg1[%get3A_269, %get3A_270, %get3A_271, %get3A_272] : memref<4x3x8x1024xf32, #tpu.memory_space<vmem>>, vector<1x1x8x1024xf32>
      %get3A_274 = vector.shape_cast %get3A_273 : vector<1x1x8x1024xf32> to vector<8x1024xf32>
      %get3A_275 = arith.constant 2 : index
      %get3A_276 = arith.constant 2 : index
      %get3A_277 = arith.constant 0 : index
      %get3A_278 = arith.constant 0 : index
      %get3A_279 = vector.load %arg1[%get3A_275, %get3A_276, %get3A_277, %get3A_278] : memref<4x3x8x1024xf32, #tpu.memory_space<vmem>>, vector<1x1x8x1024xf32>
      %get3A_280 = vector.shape_cast %get3A_279 : vector<1x1x8x1024xf32> to vector<8x1024xf32>
      %eq3A_281 = vector.broadcast %scan3A_90 : vector<1x1xi32> to vector<8x1024xi32>
      %eq3A_282 = arith.cmpi eq, %add3A, %eq3A_281 : vector<8x1024xi32>
      %jit3A_283 = arith.constant -3.400000e+38 : f32
      %broadcast_in_dim3A_284 = vector.broadcast %jit3A_283 : f32 to vector<8x1024xf32>
      %select_n3A_285 = arith.select %eq3A_282, %get3A_268, %broadcast_in_dim3A_284 : vector<8x1024xi1>, vector<8x1024xf32>
      %reduce_max3A_286 = arith.constant dense<0xFF800000> : vector<1024xf32>
      %reduce_max3A_287 = vector.multi_reduction <maximumf>, %select_n3A_285, %reduce_max3A_286 [0] : vector<8x1024xf32> to vector<1024xf32>
      %broadcast_in_dim3A_288 = vector.shape_cast %reduce_max3A_287 : vector<1024xf32> to vector<1x1024xf32>
      %reduce_max3A_289 = arith.constant dense<0xFF800000> : vector<1xf32>
      %reduce_max3A_290 = vector.multi_reduction <maximumf>, %broadcast_in_dim3A_288, %reduce_max3A_289 [1] : vector<1x1024xf32> to vector<1xf32>
      %broadcast_in_dim3A_291 = vector.shape_cast %reduce_max3A_290 : vector<1xf32> to vector<1x1xf32>
      %jit3A_292 = arith.constant -3.400000e+38 : f32
      %broadcast_in_dim3A_293 = vector.broadcast %jit3A_292 : f32 to vector<8x1024xf32>
      %select_n3A_294 = arith.select %eq3A_282, %get3A_274, %broadcast_in_dim3A_293 : vector<8x1024xi1>, vector<8x1024xf32>
      %reduce_max3A_295 = arith.constant dense<0xFF800000> : vector<1024xf32>
      %reduce_max3A_296 = vector.multi_reduction <maximumf>, %select_n3A_294, %reduce_max3A_295 [0] : vector<8x1024xf32> to vector<1024xf32>
      %broadcast_in_dim3A_297 = vector.shape_cast %reduce_max3A_296 : vector<1024xf32> to vector<1x1024xf32>
      %reduce_max3A_298 = arith.constant dense<0xFF800000> : vector<1xf32>
      %reduce_max3A_299 = vector.multi_reduction <maximumf>, %broadcast_in_dim3A_297, %reduce_max3A_298 [1] : vector<1x1024xf32> to vector<1xf32>
      %broadcast_in_dim3A_300 = vector.shape_cast %reduce_max3A_299 : vector<1xf32> to vector<1x1xf32>
      %jit3A_301 = arith.constant -3.400000e+38 : f32
      %broadcast_in_dim3A_302 = vector.broadcast %jit3A_301 : f32 to vector<8x1024xf32>
      %select_n3A_303 = arith.select %eq3A_282, %get3A_280, %broadcast_in_dim3A_302 : vector<8x1024xi1>, vector<8x1024xf32>
      %reduce_max3A_304 = arith.constant dense<0xFF800000> : vector<1024xf32>
      %reduce_max3A_305 = vector.multi_reduction <maximumf>, %select_n3A_303, %reduce_max3A_304 [0] : vector<8x1024xf32> to vector<1024xf32>
      %broadcast_in_dim3A_306 = vector.shape_cast %reduce_max3A_305 : vector<1024xf32> to vector<1x1024xf32>
      %reduce_max3A_307 = arith.constant dense<0xFF800000> : vector<1xf32>
      %reduce_max3A_308 = vector.multi_reduction <maximumf>, %broadcast_in_dim3A_306, %reduce_max3A_307 [1] : vector<1x1024xf32> to vector<1xf32>
      %broadcast_in_dim3A_309 = vector.shape_cast %reduce_max3A_308 : vector<1xf32> to vector<1x1xf32>
      %eq3A_310 = vector.broadcast %scan3A_87 : i32 to vector<8x256xi32>
      %eq3A_311 = arith.cmpi eq, %add3A_8, %eq3A_310 : vector<8x256xi32>
      %broadcast_in_dim3A_312 = vector.shape_cast %scan3A_90 : vector<1x1xi32> to vector<1x1xi32>
      %broadcast_in_dim3A_313 = vector.broadcast %broadcast_in_dim3A_312 : vector<1x1xi32> to vector<8x256xi32>
      %select_n3A_314 = arith.select %eq3A_311, %broadcast_in_dim3A_313, %scan3A_94 : vector<8x256xi1>, vector<8x256xi32>
      %sub3A_315 = vector.broadcast %broadcast_in_dim3A_291 : vector<1x1xf32> to vector<8x1024xf32>
      %sub3A_316 = arith.subf %get3A_268, %sub3A_315 : vector<8x1024xf32>
      %sub3A_317 = vector.broadcast %broadcast_in_dim3A_300 : vector<1x1xf32> to vector<8x1024xf32>
      %sub3A_318 = arith.subf %get3A_274, %sub3A_317 : vector<8x1024xf32>
      %sub3A_319 = vector.broadcast %broadcast_in_dim3A_309 : vector<1x1xf32> to vector<8x1024xf32>
      %sub3A_320 = arith.subf %get3A_280, %sub3A_319 : vector<8x1024xf32>
      %mul3A_321 = arith.mulf %sub3A_316, %sub3A_316 : vector<8x1024xf32>
      %mul3A_322 = arith.mulf %sub3A_318, %sub3A_318 : vector<8x1024xf32>
      %add3A_323 = arith.addf %mul3A_321, %mul3A_322 : vector<8x1024xf32>
      %mul3A_324 = arith.mulf %sub3A_320, %sub3A_320 : vector<8x1024xf32>
      %add3A_325 = arith.addf %add3A_323, %mul3A_324 : vector<8x1024xf32>
      %get3A_326 = arith.constant 0 : index
      %get3A_327 = arith.constant 0 : index
      %get3A_328 = vector.load %arg5[%get3A_326, %get3A_327] : memref<8x1024xf32, #tpu.memory_space<vmem>>, vector<8x1024xf32>
      %min3A_329 = arith.minimumf %get3A_328, %add3A_325 : vector<8x1024xf32>
      %swap3A_330 = arith.constant 0 : index
      %swap3A_331 = arith.constant 0 : index
      %swap3A_332 = vector.load %arg5[%swap3A_330, %swap3A_331] : memref<8x1024xf32, #tpu.memory_space<vmem>>, vector<8x1024xf32>
      tpu.vector_store %arg5[%swap3A_330, %swap3A_331], %min3A_329 {strides = array<i32>} : memref<8x1024xf32, #tpu.memory_space<vmem>>, vector<8x1024xf32>,
      %reduce_max3A_333 = arith.constant dense<0xFF800000> : vector<1024xf32>
      %reduce_max3A_334 = vector.multi_reduction <maximumf>, %min3A_329, %reduce_max3A_333 [0] : vector<8x1024xf32> to vector<1024xf32>
      %broadcast_in_dim3A_335 = vector.shape_cast %reduce_max3A_334 : vector<1024xf32> to vector<1x1024xf32>
      %reduce_max3A_336 = arith.constant dense<0xFF800000> : vector<1xf32>
      %reduce_max3A_337 = vector.multi_reduction <maximumf>, %broadcast_in_dim3A_335, %reduce_max3A_336 [1] : vector<1x1024xf32> to vector<1xf32>
      %broadcast_in_dim3A_338 = vector.shape_cast %reduce_max3A_337 : vector<1xf32> to vector<1x1xf32>
      %eq3A_339 = vector.broadcast %broadcast_in_dim3A_338 : vector<1x1xf32> to vector<8x1024xf32>
      %eq3A_340 = arith.cmpf oeq, %min3A_329, %eq3A_339 : vector<8x1024xf32>
      %jit3A_341 = arith.constant 1073741824 : i32
      %broadcast_in_dim3A_342 = vector.broadcast %jit3A_341 : i32 to vector<8x1024xi32>
      %select_n3A_343 = arith.select %eq3A_340, %add3A, %broadcast_in_dim3A_342 : vector<8x1024xi1>, vector<8x1024xi32>
      %reduce_min3A_344 = arith.constant dense<2147483647> : vector<1024xi32>
      %reduce_min3A_345 = vector.multi_reduction <minsi>, %select_n3A_343, %reduce_min3A_344 [0] : vector<8x1024xi32> to vector<1024xi32>
      %broadcast_in_dim3A_346 = vector.shape_cast %reduce_min3A_345 : vector<1024xi32> to vector<1x1024xi32>
      %reduce_min3A_347 = arith.constant dense<2147483647> : vector<1xi32>
      %reduce_min3A_348 = vector.multi_reduction <minsi>, %broadcast_in_dim3A_346, %reduce_min3A_347 [1] : vector<1x1024xi32> to vector<1xi32>
      %broadcast_in_dim3A_349 = vector.shape_cast %reduce_min3A_348 : vector<1xi32> to vector<1x1xi32>
      %get3A_350 = arith.constant 3 : index
      %get3A_351 = arith.constant 0 : index
      %get3A_352 = arith.constant 0 : index
      %get3A_353 = arith.constant 0 : index
      %get3A_354 = vector.load %arg1[%get3A_350, %get3A_351, %get3A_352, %get3A_353] : memref<4x3x8x1024xf32, #tpu.memory_space<vmem>>, vector<1x1x8x1024xf32>
      %get3A_355 = vector.shape_cast %get3A_354 : vector<1x1x8x1024xf32> to vector<8x1024xf32>
      %get3A_356 = arith.constant 3 : index
      %get3A_357 = arith.constant 1 : index
      %get3A_358 = arith.constant 0 : index
      %get3A_359 = arith.constant 0 : index
      %get3A_360 = vector.load %arg1[%get3A_356, %get3A_357, %get3A_358, %get3A_359] : memref<4x3x8x1024xf32, #tpu.memory_space<vmem>>, vector<1x1x8x1024xf32>
      %get3A_361 = vector.shape_cast %get3A_360 : vector<1x1x8x1024xf32> to vector<8x1024xf32>
      %get3A_362 = arith.constant 3 : index
      %get3A_363 = arith.constant 2 : index
      %get3A_364 = arith.constant 0 : index
      %get3A_365 = arith.constant 0 : index
      %get3A_366 = vector.load %arg1[%get3A_362, %get3A_363, %get3A_364, %get3A_365] : memref<4x3x8x1024xf32, #tpu.memory_space<vmem>>, vector<1x1x8x1024xf32>
      %get3A_367 = vector.shape_cast %get3A_366 : vector<1x1x8x1024xf32> to vector<8x1024xf32>
      %eq3A_368 = vector.broadcast %scan3A_91 : vector<1x1xi32> to vector<8x1024xi32>
      %eq3A_369 = arith.cmpi eq, %add3A, %eq3A_368 : vector<8x1024xi32>
      %jit3A_370 = arith.constant -3.400000e+38 : f32
      %broadcast_in_dim3A_371 = vector.broadcast %jit3A_370 : f32 to vector<8x1024xf32>
      %select_n3A_372 = arith.select %eq3A_369, %get3A_355, %broadcast_in_dim3A_371 : vector<8x1024xi1>, vector<8x1024xf32>
      %reduce_max3A_373 = arith.constant dense<0xFF800000> : vector<1024xf32>
      %reduce_max3A_374 = vector.multi_reduction <maximumf>, %select_n3A_372, %reduce_max3A_373 [0] : vector<8x1024xf32> to vector<1024xf32>
      %broadcast_in_dim3A_375 = vector.shape_cast %reduce_max3A_374 : vector<1024xf32> to vector<1x1024xf32>
      %reduce_max3A_376 = arith.constant dense<0xFF800000> : vector<1xf32>
      %reduce_max3A_377 = vector.multi_reduction <maximumf>, %broadcast_in_dim3A_375, %reduce_max3A_376 [1] : vector<1x1024xf32> to vector<1xf32>
      %broadcast_in_dim3A_378 = vector.shape_cast %reduce_max3A_377 : vector<1xf32> to vector<1x1xf32>
      %jit3A_379 = arith.constant -3.400000e+38 : f32
      %broadcast_in_dim3A_380 = vector.broadcast %jit3A_379 : f32 to vector<8x1024xf32>
      %select_n3A_381 = arith.select %eq3A_369, %get3A_361, %broadcast_in_dim3A_380 : vector<8x1024xi1>, vector<8x1024xf32>
      %reduce_max3A_382 = arith.constant dense<0xFF800000> : vector<1024xf32>
      %reduce_max3A_383 = vector.multi_reduction <maximumf>, %select_n3A_381, %reduce_max3A_382 [0] : vector<8x1024xf32> to vector<1024xf32>
      %broadcast_in_dim3A_384 = vector.shape_cast %reduce_max3A_383 : vector<1024xf32> to vector<1x1024xf32>
      %reduce_max3A_385 = arith.constant dense<0xFF800000> : vector<1xf32>
      %reduce_max3A_386 = vector.multi_reduction <maximumf>, %broadcast_in_dim3A_384, %reduce_max3A_385 [1] : vector<1x1024xf32> to vector<1xf32>
      %broadcast_in_dim3A_387 = vector.shape_cast %reduce_max3A_386 : vector<1xf32> to vector<1x1xf32>
      %jit3A_388 = arith.constant -3.400000e+38 : f32
      %broadcast_in_dim3A_389 = vector.broadcast %jit3A_388 : f32 to vector<8x1024xf32>
      %select_n3A_390 = arith.select %eq3A_369, %get3A_367, %broadcast_in_dim3A_389 : vector<8x1024xi1>, vector<8x1024xf32>
      %reduce_max3A_391 = arith.constant dense<0xFF800000> : vector<1024xf32>
      %reduce_max3A_392 = vector.multi_reduction <maximumf>, %select_n3A_390, %reduce_max3A_391 [0] : vector<8x1024xf32> to vector<1024xf32>
      %broadcast_in_dim3A_393 = vector.shape_cast %reduce_max3A_392 : vector<1024xf32> to vector<1x1024xf32>
      %reduce_max3A_394 = arith.constant dense<0xFF800000> : vector<1xf32>
      %reduce_max3A_395 = vector.multi_reduction <maximumf>, %broadcast_in_dim3A_393, %reduce_max3A_394 [1] : vector<1x1024xf32> to vector<1xf32>
      %broadcast_in_dim3A_396 = vector.shape_cast %reduce_max3A_395 : vector<1xf32> to vector<1x1xf32>
      %eq3A_397 = vector.broadcast %scan3A_87 : i32 to vector<8x256xi32>
      %eq3A_398 = arith.cmpi eq, %add3A_8, %eq3A_397 : vector<8x256xi32>
      %broadcast_in_dim3A_399 = vector.shape_cast %scan3A_91 : vector<1x1xi32> to vector<1x1xi32>
      %broadcast_in_dim3A_400 = vector.broadcast %broadcast_in_dim3A_399 : vector<1x1xi32> to vector<8x256xi32>
      %select_n3A_401 = arith.select %eq3A_398, %broadcast_in_dim3A_400, %scan3A_95 : vector<8x256xi1>, vector<8x256xi32>
      %sub3A_402 = vector.broadcast %broadcast_in_dim3A_378 : vector<1x1xf32> to vector<8x1024xf32>
      %sub3A_403 = arith.subf %get3A_355, %sub3A_402 : vector<8x1024xf32>
      %sub3A_404 = vector.broadcast %broadcast_in_dim3A_387 : vector<1x1xf32> to vector<8x1024xf32>
      %sub3A_405 = arith.subf %get3A_361, %sub3A_404 : vector<8x1024xf32>
      %sub3A_406 = vector.broadcast %broadcast_in_dim3A_396 : vector<1x1xf32> to vector<8x1024xf32>
      %sub3A_407 = arith.subf %get3A_367, %sub3A_406 : vector<8x1024xf32>
      %mul3A_408 = arith.mulf %sub3A_403, %sub3A_403 : vector<8x1024xf32>
      %mul3A_409 = arith.mulf %sub3A_405, %sub3A_405 : vector<8x1024xf32>
      %add3A_410 = arith.addf %mul3A_408, %mul3A_409 : vector<8x1024xf32>
      %mul3A_411 = arith.mulf %sub3A_407, %sub3A_407 : vector<8x1024xf32>
      %add3A_412 = arith.addf %add3A_410, %mul3A_411 : vector<8x1024xf32>
      %get3A_413 = arith.constant 0 : index
      %get3A_414 = arith.constant 0 : index
      %get3A_415 = vector.load %arg6[%get3A_413, %get3A_414] : memref<8x1024xf32, #tpu.memory_space<vmem>>, vector<8x1024xf32>
      %min3A_416 = arith.minimumf %get3A_415, %add3A_412 : vector<8x1024xf32>
      %swap3A_417 = arith.constant 0 : index
      %swap3A_418 = arith.constant 0 : index
      %swap3A_419 = vector.load %arg6[%swap3A_417, %swap3A_418] : memref<8x1024xf32, #tpu.memory_space<vmem>>, vector<8x1024xf32>
      tpu.vector_store %arg6[%swap3A_417, %swap3A_418], %min3A_416 {strides = array<i32>} : memref<8x1024xf32, #tpu.memory_space<vmem>>, vector<8x1024xf32>,
      %reduce_max3A_420 = arith.constant dense<0xFF800000> : vector<1024xf32>
      %reduce_max3A_421 = vector.multi_reduction <maximumf>, %min3A_416, %reduce_max3A_420 [0] : vector<8x1024xf32> to vector<1024xf32>
      %broadcast_in_dim3A_422 = vector.shape_cast %reduce_max3A_421 : vector<1024xf32> to vector<1x1024xf32>
      %reduce_max3A_423 = arith.constant dense<0xFF800000> : vector<1xf32>
      %reduce_max3A_424 = vector.multi_reduction <maximumf>, %broadcast_in_dim3A_422, %reduce_max3A_423 [1] : vector<1x1024xf32> to vector<1xf32>
      %broadcast_in_dim3A_425 = vector.shape_cast %reduce_max3A_424 : vector<1xf32> to vector<1x1xf32>
      %eq3A_426 = vector.broadcast %broadcast_in_dim3A_425 : vector<1x1xf32> to vector<8x1024xf32>
      %eq3A_427 = arith.cmpf oeq, %min3A_416, %eq3A_426 : vector<8x1024xf32>
      %jit3A_428 = arith.constant 1073741824 : i32
      %broadcast_in_dim3A_429 = vector.broadcast %jit3A_428 : i32 to vector<8x1024xi32>
      %select_n3A_430 = arith.select %eq3A_427, %add3A, %broadcast_in_dim3A_429 : vector<8x1024xi1>, vector<8x1024xi32>
      %reduce_min3A_431 = arith.constant dense<2147483647> : vector<1024xi32>
      %reduce_min3A_432 = vector.multi_reduction <minsi>, %select_n3A_430, %reduce_min3A_431 [0] : vector<8x1024xi32> to vector<1024xi32>
      %broadcast_in_dim3A_433 = vector.shape_cast %reduce_min3A_432 : vector<1024xi32> to vector<1x1024xi32>
      %reduce_min3A_434 = arith.constant dense<2147483647> : vector<1xi32>
      %reduce_min3A_435 = vector.multi_reduction <minsi>, %broadcast_in_dim3A_433, %reduce_min3A_434 [1] : vector<1x1024xi32> to vector<1xi32>
      %broadcast_in_dim3A_436 = vector.shape_cast %reduce_min3A_435 : vector<1xi32> to vector<1x1xi32>
      scf.yield %broadcast_in_dim3A_175, %broadcast_in_dim3A_262, %broadcast_in_dim3A_349, %broadcast_in_dim3A_436, %select_n3A_143, %select_n3A_227, %select_n3A_314, %select_n3A_401 : vector<1x1xi32>, vector<1x1xi32>, vector<1x1xi32>, vector<1x1xi32>, vector<8x256xi32>, vector<8x256xi32>, vector<8x256xi32>, vector<8x256xi32>
    }
    %scan3A_50 = arith.constant 2048 : i32
    %add3A_51 = arith.constant 0 : i32
    %add3A_52 = vector.broadcast %add3A_51 : i32 to vector<8x256xi32>
    %add3A_53 = arith.addi %scan3A_49#4, %add3A_52 : vector<8x256xi32>
    %swap3A_54 = arith.constant 0 : index
    %swap3A_55 = arith.constant 0 : index
    %swap3A_56 = arith.constant 0 : index
    %swap3A_57 = vector.load %arg2[%swap3A_54, %swap3A_55, %swap3A_56] : memref<4x8x256xi32, #tpu.memory_space<vmem>>, vector<1x8x256xi32>
    %swap3A_58 = vector.shape_cast %swap3A_57 : vector<1x8x256xi32> to vector<8x256xi32>
    %swap3A_59 = vector.shape_cast %add3A_53 : vector<8x256xi32> to vector<1x8x256xi32>
    tpu.vector_store %arg2[%swap3A_54, %swap3A_55, %swap3A_56], %swap3A_59 {strides = array<i32>} : memref<4x8x256xi32, #tpu.memory_space<vmem>>, vector<1x8x256xi32>,
    %add3A_60 = arith.constant 8192 : i32
    %add3A_61 = vector.broadcast %add3A_60 : i32 to vector<8x256xi32>
    %add3A_62 = arith.addi %scan3A_49#5, %add3A_61 : vector<8x256xi32>
    %swap3A_63 = arith.constant 1 : index
    %swap3A_64 = arith.constant 0 : index
    %swap3A_65 = arith.constant 0 : index
    %swap3A_66 = vector.load %arg2[%swap3A_63, %swap3A_64, %swap3A_65] : memref<4x8x256xi32, #tpu.memory_space<vmem>>, vector<1x8x256xi32>
    %swap3A_67 = vector.shape_cast %swap3A_66 : vector<1x8x256xi32> to vector<8x256xi32>
    %swap3A_68 = vector.shape_cast %add3A_62 : vector<8x256xi32> to vector<1x8x256xi32>
    tpu.vector_store %arg2[%swap3A_63, %swap3A_64, %swap3A_65], %swap3A_68 {strides = array<i32>} : memref<4x8x256xi32, #tpu.memory_space<vmem>>, vector<1x8x256xi32>,
    %add3A_69 = arith.constant 16384 : i32
    %add3A_70 = vector.broadcast %add3A_69 : i32 to vector<8x256xi32>
    %add3A_71 = arith.addi %scan3A_49#6, %add3A_70 : vector<8x256xi32>
    %swap3A_72 = arith.constant 2 : index
    %swap3A_73 = arith.constant 0 : index
    %swap3A_74 = arith.constant 0 : index
    %swap3A_75 = vector.load %arg2[%swap3A_72, %swap3A_73, %swap3A_74] : memref<4x8x256xi32, #tpu.memory_space<vmem>>, vector<1x8x256xi32>
    %swap3A_76 = vector.shape_cast %swap3A_75 : vector<1x8x256xi32> to vector<8x256xi32>
    %swap3A_77 = vector.shape_cast %add3A_71 : vector<8x256xi32> to vector<1x8x256xi32>
    tpu.vector_store %arg2[%swap3A_72, %swap3A_73, %swap3A_74], %swap3A_77 {strides = array<i32>} : memref<4x8x256xi32, #tpu.memory_space<vmem>>, vector<1x8x256xi32>,
    %add3A_78 = arith.constant 24576 : i32
    %add3A_79 = vector.broadcast %add3A_78 : i32 to vector<8x256xi32>
    %add3A_80 = arith.addi %scan3A_49#7, %add3A_79 : vector<8x256xi32>
    %swap3A_81 = arith.constant 3 : index
    %swap3A_82 = arith.constant 0 : index
    %swap3A_83 = arith.constant 0 : index
    %swap3A_84 = vector.load %arg2[%swap3A_81, %swap3A_82, %swap3A_83] : memref<4x8x256xi32, #tpu.memory_space<vmem>>, vector<1x8x256xi32>
    %swap3A_85 = vector.shape_cast %swap3A_84 : vector<1x8x256xi32> to vector<8x256xi32>
    %swap3A_86 = vector.shape_cast %add3A_80 : vector<8x256xi32> to vector<1x8x256xi32>
    tpu.vector_store %arg2[%swap3A_81, %swap3A_82, %swap3A_83], %swap3A_86 {strides = array<i32>} : memref<4x8x256xi32, #tpu.memory_space<vmem>>, vector<1x8x256xi32>,
    return
  }
}

module attributes {stable_mosaic.version = 14 : i64} {
  func.func @_mlp_body(%arg0: i32, %arg1: memref<2048x64xf32, #tpu.memory_space<vmem>>, %arg2: memref<64x128xf32, #tpu.memory_space<vmem>>, %arg3: memref<1x128xf32, #tpu.memory_space<vmem>>, %arg4: memref<1x128xf32, #tpu.memory_space<vmem>>, %arg5: memref<1x128xf32, #tpu.memory_space<vmem>>, %arg6: memref<1x128xf32, #tpu.memory_space<vmem>>, %arg7: memref<1x128xf32, #tpu.memory_space<vmem>>, %arg8: memref<2048x128xf32, #tpu.memory_space<vmem>>) attributes {dimension_semantics = [#tpu.dimension_semantics<arbitrary>], iteration_bounds = array<i64: 16>, scalar_prefetch = 0 : i64, scratch_operands = 0 : i64, tpu.core_type = #tpu.core_type<tc>, window_params = [{transform_indices = @transform_0, window_bounds = array<i64: 2048, 64>}, {pipeline_mode = #tpu.pipeline_mode<synchronous>, transform_indices = @transform_1, window_bounds = array<i64: 64, 128>}, {pipeline_mode = #tpu.pipeline_mode<synchronous>, transform_indices = @transform_2, window_bounds = array<i64: 1, 128>}, {pipeline_mode = #tpu.pipeline_mode<synchronous>, transform_indices = @transform_3, window_bounds = array<i64: 1, 128>}, {pipeline_mode = #tpu.pipeline_mode<synchronous>, transform_indices = @transform_4, window_bounds = array<i64: 1, 128>}, {pipeline_mode = #tpu.pipeline_mode<synchronous>, transform_indices = @transform_5, window_bounds = array<i64: 1, 128>}, {pipeline_mode = #tpu.pipeline_mode<synchronous>, transform_indices = @transform_6, window_bounds = array<i64: 1, 128>}, {transform_indices = @transform_7, window_bounds = array<i64: 2048, 128>}]} {
    %get3A = arith.constant 0 : index
    %get3A_0 = arith.constant 0 : index
    %get3A_1 = vector.load %arg1[%get3A, %get3A_0] : memref<2048x64xf32, #tpu.memory_space<vmem>>, vector<2048x64xf32>
    %get3A_2 = arith.constant 0 : index
    %get3A_3 = arith.constant 0 : index
    %get3A_4 = vector.load %arg2[%get3A_2, %get3A_3] : memref<64x128xf32, #tpu.memory_space<vmem>>, vector<64x128xf32>
    %dot_general3A = arith.constant dense<0.000000e+00> : vector<2048x128xf32>
    %dot_general3A_5 = tpu.matmul %get3A_1, %get3A_4, %dot_general3A {dimension_numbers = #tpu.dot_dimension_numbers<[1], [0], [0], [1], [0, 0, 1, 1], [], []>, transpose_lhs_hint = false} : vector<2048x64xf32>, vector<64x128xf32>, vector<2048x128xf32> -> vector<2048x128xf32>
    %get3A_6 = arith.constant 0 : index
    %get3A_7 = arith.constant 0 : index
    %get3A_8 = vector.load %arg3[%get3A_6, %get3A_7] : memref<1x128xf32, #tpu.memory_space<vmem>>, vector<1x128xf32>
    %add3A = vector.broadcast %get3A_8 : vector<1x128xf32> to vector<2048x128xf32>
    %add3A_9 = arith.addf %dot_general3A_5, %add3A : vector<2048x128xf32>
    %get3A_10 = arith.constant 0 : index
    %get3A_11 = arith.constant 0 : index
    %get3A_12 = vector.load %arg6[%get3A_10, %get3A_11] : memref<1x128xf32, #tpu.memory_space<vmem>>, vector<1x128xf32>
    %sub3A = vector.broadcast %get3A_12 : vector<1x128xf32> to vector<2048x128xf32>
    %sub3A_13 = arith.subf %add3A_9, %sub3A : vector<2048x128xf32>
    %get3A_14 = arith.constant 0 : index
    %get3A_15 = arith.constant 0 : index
    %get3A_16 = vector.load %arg7[%get3A_14, %get3A_15] : memref<1x128xf32, #tpu.memory_space<vmem>>, vector<1x128xf32>
    %add3A_17 = arith.constant 9.99999974E-6 : f32
    %add3A_18 = vector.broadcast %add3A_17 : f32 to vector<1x128xf32>
    %add3A_19 = arith.addf %get3A_16, %add3A_18 : vector<1x128xf32>
    %sqrt3A = math.sqrt %add3A_19 : vector<1x128xf32>
    %div3A = vector.broadcast %sqrt3A : vector<1x128xf32> to vector<2048x128xf32>
    %div3A_20 = arith.divf %sub3A_13, %div3A : vector<2048x128xf32>
    %get3A_21 = arith.constant 0 : index
    %get3A_22 = arith.constant 0 : index
    %get3A_23 = vector.load %arg4[%get3A_21, %get3A_22] : memref<1x128xf32, #tpu.memory_space<vmem>>, vector<1x128xf32>
    %mul3A = vector.broadcast %get3A_23 : vector<1x128xf32> to vector<2048x128xf32>
    %mul3A_24 = arith.mulf %div3A_20, %mul3A : vector<2048x128xf32>
    %get3A_25 = arith.constant 0 : index
    %get3A_26 = arith.constant 0 : index
    %get3A_27 = vector.load %arg5[%get3A_25, %get3A_26] : memref<1x128xf32, #tpu.memory_space<vmem>>, vector<1x128xf32>
    %add3A_28 = vector.broadcast %get3A_27 : vector<1x128xf32> to vector<2048x128xf32>
    %add3A_29 = arith.addf %mul3A_24, %add3A_28 : vector<2048x128xf32>
    %max3A = arith.constant 0.000000e+00 : f32
    %max3A_30 = vector.broadcast %max3A : f32 to vector<2048x128xf32>
    %max3A_31 = arith.maximumf %add3A_29, %max3A_30 : vector<2048x128xf32>
    %swap3A = arith.constant 0 : index
    %swap3A_32 = arith.constant 0 : index
    %swap3A_33 = vector.load %arg8[%swap3A, %swap3A_32] : memref<2048x128xf32, #tpu.memory_space<vmem>>, vector<2048x128xf32>
    tpu.vector_store %arg8[%swap3A, %swap3A_32], %max3A_31 {strides = array<i32>} : memref<2048x128xf32, #tpu.memory_space<vmem>>, vector<2048x128xf32>,
    return
  }
  func.func @transform_0(%arg0: i32) -> (i32, i32) {
    %c0_i32 = arith.constant 0 : i32
    %c0_i32_0 = arith.constant 0 : i32
    return %arg0, %c0_i32 : i32, i32
  }
  func.func @transform_1(%arg0: i32) -> (i32, i32) {
    %c0_i32 = arith.constant 0 : i32
    %c0_i32_0 = arith.constant 0 : i32
    %c0_i32_1 = arith.constant 0 : i32
    return %c0_i32, %c0_i32_0 : i32, i32
  }
  func.func @transform_2(%arg0: i32) -> (i32, i32) {
    %c0_i32 = arith.constant 0 : i32
    %c0_i32_0 = arith.constant 0 : i32
    %c0_i32_1 = arith.constant 0 : i32
    return %c0_i32, %c0_i32_0 : i32, i32
  }
  func.func @transform_3(%arg0: i32) -> (i32, i32) {
    %c0_i32 = arith.constant 0 : i32
    %c0_i32_0 = arith.constant 0 : i32
    %c0_i32_1 = arith.constant 0 : i32
    return %c0_i32, %c0_i32_0 : i32, i32
  }
  func.func @transform_4(%arg0: i32) -> (i32, i32) {
    %c0_i32 = arith.constant 0 : i32
    %c0_i32_0 = arith.constant 0 : i32
    %c0_i32_1 = arith.constant 0 : i32
    return %c0_i32, %c0_i32_0 : i32, i32
  }
  func.func @transform_5(%arg0: i32) -> (i32, i32) {
    %c0_i32 = arith.constant 0 : i32
    %c0_i32_0 = arith.constant 0 : i32
    %c0_i32_1 = arith.constant 0 : i32
    return %c0_i32, %c0_i32_0 : i32, i32
  }
  func.func @transform_6(%arg0: i32) -> (i32, i32) {
    %c0_i32 = arith.constant 0 : i32
    %c0_i32_0 = arith.constant 0 : i32
    %c0_i32_1 = arith.constant 0 : i32
    return %c0_i32, %c0_i32_0 : i32, i32
  }
  func.func @transform_7(%arg0: i32) -> (i32, i32) {
    %c0_i32 = arith.constant 0 : i32
    %c0_i32_0 = arith.constant 0 : i32
    return %arg0, %c0_i32 : i32, i32
  }
}

module attributes {stable_mosaic.version = 14 : i64} {
  func.func @_knn_body(%arg0: i32, %arg1: i32, %arg2: memref<1x256x3xf32, #tpu.memory_space<vmem>>, %arg3: memref<1x3x8192xf32, #tpu.memory_space<vmem>>, %arg4: memref<1x1x256x16xi32, #tpu.memory_space<vmem>>, %arg5: memref<256x8192xf32, #tpu.memory_space<vmem>>) attributes {dimension_semantics = [#tpu.dimension_semantics<arbitrary>, #tpu.dimension_semantics<arbitrary>], iteration_bounds = array<i64: 4, 8>, scalar_prefetch = 0 : i64, scratch_operands = 1 : i64, tpu.core_type = #tpu.core_type<tc>, window_params = [{transform_indices = @transform_0, window_bounds = array<i64: 1, 256, 3>}, {transform_indices = @transform_1, window_bounds = array<i64: 1, 3, 8192>}, {transform_indices = @transform_2, window_bounds = array<i64: 1, 1, 256, 16>}]} {
    %get3A = arith.constant 0 : index
    %get3A_0 = arith.constant 0 : index
    %get3A_1 = arith.constant 0 : index
    %get3A_2 = vector.load %arg2[%get3A, %get3A_0, %get3A_1] : memref<1x256x3xf32, #tpu.memory_space<vmem>>, vector<1x256x3xf32>
    %get3A_3 = vector.shape_cast %get3A_2 : vector<1x256x3xf32> to vector<256x3xf32>
    %get3A_4 = arith.constant 0 : index
    %get3A_5 = arith.constant 0 : index
    %get3A_6 = arith.constant 0 : index
    %get3A_7 = vector.load %arg3[%get3A_4, %get3A_5, %get3A_6] : memref<1x3x8192xf32, #tpu.memory_space<vmem>>, vector<1x3x8192xf32>
    %get3A_8 = vector.shape_cast %get3A_7 : vector<1x3x8192xf32> to vector<3x8192xf32>
    %slice3A = vector.extract_strided_slice %get3A_3 {offsets = [0, 0], sizes = [256, 1], strides = [1, 1]} : vector<256x3xf32> to vector<256x1xf32>
    %slice3A_9 = vector.extract_strided_slice %get3A_3 {offsets = [0, 1], sizes = [256, 1], strides = [1, 1]} : vector<256x3xf32> to vector<256x1xf32>
    %slice3A_10 = vector.extract_strided_slice %get3A_3 {offsets = [0, 2], sizes = [256, 1], strides = [1, 1]} : vector<256x3xf32> to vector<256x1xf32>
    %slice3A_11 = vector.extract_strided_slice %get3A_8 {offsets = [0, 0], sizes = [1, 8192], strides = [1, 1]} : vector<3x8192xf32> to vector<1x8192xf32>
    %slice3A_12 = vector.extract_strided_slice %get3A_8 {offsets = [1, 0], sizes = [1, 8192], strides = [1, 1]} : vector<3x8192xf32> to vector<1x8192xf32>
    %slice3A_13 = vector.extract_strided_slice %get3A_8 {offsets = [2, 0], sizes = [1, 8192], strides = [1, 1]} : vector<3x8192xf32> to vector<1x8192xf32>
    %mul3A = arith.mulf %slice3A, %slice3A : vector<256x1xf32>
    %mul3A_14 = arith.mulf %slice3A_9, %slice3A_9 : vector<256x1xf32>
    %add3A = arith.addf %mul3A, %mul3A_14 : vector<256x1xf32>
    %mul3A_15 = arith.mulf %slice3A_10, %slice3A_10 : vector<256x1xf32>
    %add3A_16 = arith.addf %add3A, %mul3A_15 : vector<256x1xf32>
    %mul3A_17 = arith.mulf %slice3A_11, %slice3A_11 : vector<1x8192xf32>
    %mul3A_18 = arith.mulf %slice3A_12, %slice3A_12 : vector<1x8192xf32>
    %add3A_19 = arith.addf %mul3A_17, %mul3A_18 : vector<1x8192xf32>
    %mul3A_20 = arith.mulf %slice3A_13, %slice3A_13 : vector<1x8192xf32>
    %add3A_21 = arith.addf %add3A_19, %mul3A_20 : vector<1x8192xf32>
    %convert_element_type3A = arith.truncf %get3A_3 : vector<256x3xf32> to vector<256x3xbf16>
    %convert_element_type3A_22 = arith.truncf %get3A_8 : vector<3x8192xf32> to vector<3x8192xbf16>
    %dot_general3A = arith.constant dense<0.000000e+00> : vector<256x8192xf32>
    %dot_general3A_23 = tpu.matmul %convert_element_type3A, %convert_element_type3A_22, %dot_general3A {dimension_numbers = #tpu.dot_dimension_numbers<[1], [0], [0], [1], [0, 0, 1, 1], [], []>, transpose_lhs_hint = false} : vector<256x3xbf16>, vector<3x8192xbf16>, vector<256x8192xf32> -> vector<256x8192xf32>
    %add3A_24 = vector.broadcast %add3A_16 : vector<256x1xf32> to vector<256x8192xf32>
    %add3A_25 = vector.broadcast %add3A_21 : vector<1x8192xf32> to vector<256x8192xf32>
    %add3A_26 = arith.addf %add3A_24, %add3A_25 : vector<256x8192xf32>
    %mul3A_27 = arith.constant 2.000000e+00 : f32
    %mul3A_28 = vector.broadcast %mul3A_27 : f32 to vector<256x8192xf32>
    %mul3A_29 = arith.mulf %mul3A_28, %dot_general3A_23 : vector<256x8192xf32>
    %sub3A = arith.subf %add3A_26, %mul3A_29 : vector<256x8192xf32>
    %swap3A = arith.constant 0 : index
    %swap3A_30 = arith.constant 0 : index
    %swap3A_31 = vector.load %arg5[%swap3A, %swap3A_30] : memref<256x8192xf32, #tpu.memory_space<vmem>>, vector<256x8192xf32>
    tpu.vector_store %arg5[%swap3A, %swap3A_30], %sub3A {strides = array<i32>} : memref<256x8192xf32, #tpu.memory_space<vmem>>, vector<256x8192xf32>,
    %iota3A = tpu.iota {dimensions = array<i32: 1>} : vector<256x8192xi32>
    %get3A_32 = arith.constant 0 : index
    %get3A_33 = arith.constant 0 : index
    %get3A_34 = vector.load %arg5[%get3A_32, %get3A_33] : memref<256x8192xf32, #tpu.memory_space<vmem>>, vector<256x8192xf32>
    %reduce_min3A = arith.constant dense<0x7F800000> : vector<256xf32>
    %reduce_min3A_35 = vector.multi_reduction <minimumf>, %get3A_34, %reduce_min3A [1] : vector<256x8192xf32> to vector<256xf32>
    %broadcast_in_dim3A = vector.shape_cast %reduce_min3A_35 : vector<256xf32> to vector<256x1xf32>
    %eq3A = vector.broadcast %broadcast_in_dim3A : vector<256x1xf32> to vector<256x8192xf32>
    %eq3A_36 = arith.cmpf oeq, %get3A_34, %eq3A : vector<256x8192xf32>
    %jit3A = arith.constant 1073741824 : i32
    %broadcast_in_dim3A_37 = vector.broadcast %jit3A : i32 to vector<256x8192xi32>
    %select_n3A = arith.select %eq3A_36, %iota3A, %broadcast_in_dim3A_37 : vector<256x8192xi1>, vector<256x8192xi32>
    %reduce_min3A_38 = arith.constant dense<2147483647> : vector<256xi32>
    %reduce_min3A_39 = vector.multi_reduction <minsi>, %select_n3A, %reduce_min3A_38 [1] : vector<256x8192xi32> to vector<256xi32>
    %broadcast_in_dim3A_40 = vector.shape_cast %reduce_min3A_39 : vector<256xi32> to vector<256x1xi32>
    %eq3A_41 = vector.broadcast %broadcast_in_dim3A_40 : vector<256x1xi32> to vector<256x8192xi32>
    %eq3A_42 = arith.cmpi eq, %iota3A, %eq3A_41 : vector<256x8192xi32>
    %jit3A_43 = arith.constant 3.400000e+38 : f32
    %broadcast_in_dim3A_44 = vector.broadcast %jit3A_43 : f32 to vector<256x8192xf32>
    %select_n3A_45 = arith.select %eq3A_42, %broadcast_in_dim3A_44, %get3A_34 : vector<256x8192xi1>, vector<256x8192xf32>
    %swap3A_46 = arith.constant 0 : index
    %swap3A_47 = arith.constant 0 : index
    %swap3A_48 = vector.load %arg5[%swap3A_46, %swap3A_47] : memref<256x8192xf32, #tpu.memory_space<vmem>>, vector<256x8192xf32>
    tpu.vector_store %arg5[%swap3A_46, %swap3A_47], %select_n3A_45 {strides = array<i32>} : memref<256x8192xf32, #tpu.memory_space<vmem>>, vector<256x8192xf32>,
    %get3A_49 = arith.constant 0 : index
    %get3A_50 = arith.constant 0 : index
    %get3A_51 = vector.load %arg5[%get3A_49, %get3A_50] : memref<256x8192xf32, #tpu.memory_space<vmem>>, vector<256x8192xf32>
    %reduce_min3A_52 = arith.constant dense<0x7F800000> : vector<256xf32>
    %reduce_min3A_53 = vector.multi_reduction <minimumf>, %get3A_51, %reduce_min3A_52 [1] : vector<256x8192xf32> to vector<256xf32>
    %broadcast_in_dim3A_54 = vector.shape_cast %reduce_min3A_53 : vector<256xf32> to vector<256x1xf32>
    %eq3A_55 = vector.broadcast %broadcast_in_dim3A_54 : vector<256x1xf32> to vector<256x8192xf32>
    %eq3A_56 = arith.cmpf oeq, %get3A_51, %eq3A_55 : vector<256x8192xf32>
    %jit3A_57 = arith.constant 1073741824 : i32
    %broadcast_in_dim3A_58 = vector.broadcast %jit3A_57 : i32 to vector<256x8192xi32>
    %select_n3A_59 = arith.select %eq3A_56, %iota3A, %broadcast_in_dim3A_58 : vector<256x8192xi1>, vector<256x8192xi32>
    %reduce_min3A_60 = arith.constant dense<2147483647> : vector<256xi32>
    %reduce_min3A_61 = vector.multi_reduction <minsi>, %select_n3A_59, %reduce_min3A_60 [1] : vector<256x8192xi32> to vector<256xi32>
    %broadcast_in_dim3A_62 = vector.shape_cast %reduce_min3A_61 : vector<256xi32> to vector<256x1xi32>
    %eq3A_63 = vector.broadcast %broadcast_in_dim3A_62 : vector<256x1xi32> to vector<256x8192xi32>
    %eq3A_64 = arith.cmpi eq, %iota3A, %eq3A_63 : vector<256x8192xi32>
    %jit3A_65 = arith.constant 3.400000e+38 : f32
    %broadcast_in_dim3A_66 = vector.broadcast %jit3A_65 : f32 to vector<256x8192xf32>
    %select_n3A_67 = arith.select %eq3A_64, %broadcast_in_dim3A_66, %get3A_51 : vector<256x8192xi1>, vector<256x8192xf32>
    %swap3A_68 = arith.constant 0 : index
    %swap3A_69 = arith.constant 0 : index
    %swap3A_70 = vector.load %arg5[%swap3A_68, %swap3A_69] : memref<256x8192xf32, #tpu.memory_space<vmem>>, vector<256x8192xf32>
    tpu.vector_store %arg5[%swap3A_68, %swap3A_69], %select_n3A_67 {strides = array<i32>} : memref<256x8192xf32, #tpu.memory_space<vmem>>, vector<256x8192xf32>,
    %get3A_71 = arith.constant 0 : index
    %get3A_72 = arith.constant 0 : index
    %get3A_73 = vector.load %arg5[%get3A_71, %get3A_72] : memref<256x8192xf32, #tpu.memory_space<vmem>>, vector<256x8192xf32>
    %reduce_min3A_74 = arith.constant dense<0x7F800000> : vector<256xf32>
    %reduce_min3A_75 = vector.multi_reduction <minimumf>, %get3A_73, %reduce_min3A_74 [1] : vector<256x8192xf32> to vector<256xf32>
    %broadcast_in_dim3A_76 = vector.shape_cast %reduce_min3A_75 : vector<256xf32> to vector<256x1xf32>
    %eq3A_77 = vector.broadcast %broadcast_in_dim3A_76 : vector<256x1xf32> to vector<256x8192xf32>
    %eq3A_78 = arith.cmpf oeq, %get3A_73, %eq3A_77 : vector<256x8192xf32>
    %jit3A_79 = arith.constant 1073741824 : i32
    %broadcast_in_dim3A_80 = vector.broadcast %jit3A_79 : i32 to vector<256x8192xi32>
    %select_n3A_81 = arith.select %eq3A_78, %iota3A, %broadcast_in_dim3A_80 : vector<256x8192xi1>, vector<256x8192xi32>
    %reduce_min3A_82 = arith.constant dense<2147483647> : vector<256xi32>
    %reduce_min3A_83 = vector.multi_reduction <minsi>, %select_n3A_81, %reduce_min3A_82 [1] : vector<256x8192xi32> to vector<256xi32>
    %broadcast_in_dim3A_84 = vector.shape_cast %reduce_min3A_83 : vector<256xi32> to vector<256x1xi32>
    %eq3A_85 = vector.broadcast %broadcast_in_dim3A_84 : vector<256x1xi32> to vector<256x8192xi32>
    %eq3A_86 = arith.cmpi eq, %iota3A, %eq3A_85 : vector<256x8192xi32>
    %jit3A_87 = arith.constant 3.400000e+38 : f32
    %broadcast_in_dim3A_88 = vector.broadcast %jit3A_87 : f32 to vector<256x8192xf32>
    %select_n3A_89 = arith.select %eq3A_86, %broadcast_in_dim3A_88, %get3A_73 : vector<256x8192xi1>, vector<256x8192xf32>
    %swap3A_90 = arith.constant 0 : index
    %swap3A_91 = arith.constant 0 : index
    %swap3A_92 = vector.load %arg5[%swap3A_90, %swap3A_91] : memref<256x8192xf32, #tpu.memory_space<vmem>>, vector<256x8192xf32>
    tpu.vector_store %arg5[%swap3A_90, %swap3A_91], %select_n3A_89 {strides = array<i32>} : memref<256x8192xf32, #tpu.memory_space<vmem>>, vector<256x8192xf32>,
    %get3A_93 = arith.constant 0 : index
    %get3A_94 = arith.constant 0 : index
    %get3A_95 = vector.load %arg5[%get3A_93, %get3A_94] : memref<256x8192xf32, #tpu.memory_space<vmem>>, vector<256x8192xf32>
    %reduce_min3A_96 = arith.constant dense<0x7F800000> : vector<256xf32>
    %reduce_min3A_97 = vector.multi_reduction <minimumf>, %get3A_95, %reduce_min3A_96 [1] : vector<256x8192xf32> to vector<256xf32>
    %broadcast_in_dim3A_98 = vector.shape_cast %reduce_min3A_97 : vector<256xf32> to vector<256x1xf32>
    %eq3A_99 = vector.broadcast %broadcast_in_dim3A_98 : vector<256x1xf32> to vector<256x8192xf32>
    %eq3A_100 = arith.cmpf oeq, %get3A_95, %eq3A_99 : vector<256x8192xf32>
    %jit3A_101 = arith.constant 1073741824 : i32
    %broadcast_in_dim3A_102 = vector.broadcast %jit3A_101 : i32 to vector<256x8192xi32>
    %select_n3A_103 = arith.select %eq3A_100, %iota3A, %broadcast_in_dim3A_102 : vector<256x8192xi1>, vector<256x8192xi32>
    %reduce_min3A_104 = arith.constant dense<2147483647> : vector<256xi32>
    %reduce_min3A_105 = vector.multi_reduction <minsi>, %select_n3A_103, %reduce_min3A_104 [1] : vector<256x8192xi32> to vector<256xi32>
    %broadcast_in_dim3A_106 = vector.shape_cast %reduce_min3A_105 : vector<256xi32> to vector<256x1xi32>
    %eq3A_107 = vector.broadcast %broadcast_in_dim3A_106 : vector<256x1xi32> to vector<256x8192xi32>
    %eq3A_108 = arith.cmpi eq, %iota3A, %eq3A_107 : vector<256x8192xi32>
    %jit3A_109 = arith.constant 3.400000e+38 : f32
    %broadcast_in_dim3A_110 = vector.broadcast %jit3A_109 : f32 to vector<256x8192xf32>
    %select_n3A_111 = arith.select %eq3A_108, %broadcast_in_dim3A_110, %get3A_95 : vector<256x8192xi1>, vector<256x8192xf32>
    %swap3A_112 = arith.constant 0 : index
    %swap3A_113 = arith.constant 0 : index
    %swap3A_114 = vector.load %arg5[%swap3A_112, %swap3A_113] : memref<256x8192xf32, #tpu.memory_space<vmem>>, vector<256x8192xf32>
    tpu.vector_store %arg5[%swap3A_112, %swap3A_113], %select_n3A_111 {strides = array<i32>} : memref<256x8192xf32, #tpu.memory_space<vmem>>, vector<256x8192xf32>,
    %get3A_115 = arith.constant 0 : index
    %get3A_116 = arith.constant 0 : index
    %get3A_117 = vector.load %arg5[%get3A_115, %get3A_116] : memref<256x8192xf32, #tpu.memory_space<vmem>>, vector<256x8192xf32>
    %reduce_min3A_118 = arith.constant dense<0x7F800000> : vector<256xf32>
    %reduce_min3A_119 = vector.multi_reduction <minimumf>, %get3A_117, %reduce_min3A_118 [1] : vector<256x8192xf32> to vector<256xf32>
    %broadcast_in_dim3A_120 = vector.shape_cast %reduce_min3A_119 : vector<256xf32> to vector<256x1xf32>
    %eq3A_121 = vector.broadcast %broadcast_in_dim3A_120 : vector<256x1xf32> to vector<256x8192xf32>
    %eq3A_122 = arith.cmpf oeq, %get3A_117, %eq3A_121 : vector<256x8192xf32>
    %jit3A_123 = arith.constant 1073741824 : i32
    %broadcast_in_dim3A_124 = vector.broadcast %jit3A_123 : i32 to vector<256x8192xi32>
    %select_n3A_125 = arith.select %eq3A_122, %iota3A, %broadcast_in_dim3A_124 : vector<256x8192xi1>, vector<256x8192xi32>
    %reduce_min3A_126 = arith.constant dense<2147483647> : vector<256xi32>
    %reduce_min3A_127 = vector.multi_reduction <minsi>, %select_n3A_125, %reduce_min3A_126 [1] : vector<256x8192xi32> to vector<256xi32>
    %broadcast_in_dim3A_128 = vector.shape_cast %reduce_min3A_127 : vector<256xi32> to vector<256x1xi32>
    %eq3A_129 = vector.broadcast %broadcast_in_dim3A_128 : vector<256x1xi32> to vector<256x8192xi32>
    %eq3A_130 = arith.cmpi eq, %iota3A, %eq3A_129 : vector<256x8192xi32>
    %jit3A_131 = arith.constant 3.400000e+38 : f32
    %broadcast_in_dim3A_132 = vector.broadcast %jit3A_131 : f32 to vector<256x8192xf32>
    %select_n3A_133 = arith.select %eq3A_130, %broadcast_in_dim3A_132, %get3A_117 : vector<256x8192xi1>, vector<256x8192xf32>
    %swap3A_134 = arith.constant 0 : index
    %swap3A_135 = arith.constant 0 : index
    %swap3A_136 = vector.load %arg5[%swap3A_134, %swap3A_135] : memref<256x8192xf32, #tpu.memory_space<vmem>>, vector<256x8192xf32>
    tpu.vector_store %arg5[%swap3A_134, %swap3A_135], %select_n3A_133 {strides = array<i32>} : memref<256x8192xf32, #tpu.memory_space<vmem>>, vector<256x8192xf32>,
    %get3A_137 = arith.constant 0 : index
    %get3A_138 = arith.constant 0 : index
    %get3A_139 = vector.load %arg5[%get3A_137, %get3A_138] : memref<256x8192xf32, #tpu.memory_space<vmem>>, vector<256x8192xf32>
    %reduce_min3A_140 = arith.constant dense<0x7F800000> : vector<256xf32>
    %reduce_min3A_141 = vector.multi_reduction <minimumf>, %get3A_139, %reduce_min3A_140 [1] : vector<256x8192xf32> to vector<256xf32>
    %broadcast_in_dim3A_142 = vector.shape_cast %reduce_min3A_141 : vector<256xf32> to vector<256x1xf32>
    %eq3A_143 = vector.broadcast %broadcast_in_dim3A_142 : vector<256x1xf32> to vector<256x8192xf32>
    %eq3A_144 = arith.cmpf oeq, %get3A_139, %eq3A_143 : vector<256x8192xf32>
    %jit3A_145 = arith.constant 1073741824 : i32
    %broadcast_in_dim3A_146 = vector.broadcast %jit3A_145 : i32 to vector<256x8192xi32>
    %select_n3A_147 = arith.select %eq3A_144, %iota3A, %broadcast_in_dim3A_146 : vector<256x8192xi1>, vector<256x8192xi32>
    %reduce_min3A_148 = arith.constant dense<2147483647> : vector<256xi32>
    %reduce_min3A_149 = vector.multi_reduction <minsi>, %select_n3A_147, %reduce_min3A_148 [1] : vector<256x8192xi32> to vector<256xi32>
    %broadcast_in_dim3A_150 = vector.shape_cast %reduce_min3A_149 : vector<256xi32> to vector<256x1xi32>
    %eq3A_151 = vector.broadcast %broadcast_in_dim3A_150 : vector<256x1xi32> to vector<256x8192xi32>
    %eq3A_152 = arith.cmpi eq, %iota3A, %eq3A_151 : vector<256x8192xi32>
    %jit3A_153 = arith.constant 3.400000e+38 : f32
    %broadcast_in_dim3A_154 = vector.broadcast %jit3A_153 : f32 to vector<256x8192xf32>
    %select_n3A_155 = arith.select %eq3A_152, %broadcast_in_dim3A_154, %get3A_139 : vector<256x8192xi1>, vector<256x8192xf32>
    %swap3A_156 = arith.constant 0 : index
    %swap3A_157 = arith.constant 0 : index
    %swap3A_158 = vector.load %arg5[%swap3A_156, %swap3A_157] : memref<256x8192xf32, #tpu.memory_space<vmem>>, vector<256x8192xf32>
    tpu.vector_store %arg5[%swap3A_156, %swap3A_157], %select_n3A_155 {strides = array<i32>} : memref<256x8192xf32, #tpu.memory_space<vmem>>, vector<256x8192xf32>,
    %get3A_159 = arith.constant 0 : index
    %get3A_160 = arith.constant 0 : index
    %get3A_161 = vector.load %arg5[%get3A_159, %get3A_160] : memref<256x8192xf32, #tpu.memory_space<vmem>>, vector<256x8192xf32>
    %reduce_min3A_162 = arith.constant dense<0x7F800000> : vector<256xf32>
    %reduce_min3A_163 = vector.multi_reduction <minimumf>, %get3A_161, %reduce_min3A_162 [1] : vector<256x8192xf32> to vector<256xf32>
    %broadcast_in_dim3A_164 = vector.shape_cast %reduce_min3A_163 : vector<256xf32> to vector<256x1xf32>
    %eq3A_165 = vector.broadcast %broadcast_in_dim3A_164 : vector<256x1xf32> to vector<256x8192xf32>
    %eq3A_166 = arith.cmpf oeq, %get3A_161, %eq3A_165 : vector<256x8192xf32>
    %jit3A_167 = arith.constant 1073741824 : i32
    %broadcast_in_dim3A_168 = vector.broadcast %jit3A_167 : i32 to vector<256x8192xi32>
    %select_n3A_169 = arith.select %eq3A_166, %iota3A, %broadcast_in_dim3A_168 : vector<256x8192xi1>, vector<256x8192xi32>
    %reduce_min3A_170 = arith.constant dense<2147483647> : vector<256xi32>
    %reduce_min3A_171 = vector.multi_reduction <minsi>, %select_n3A_169, %reduce_min3A_170 [1] : vector<256x8192xi32> to vector<256xi32>
    %broadcast_in_dim3A_172 = vector.shape_cast %reduce_min3A_171 : vector<256xi32> to vector<256x1xi32>
    %eq3A_173 = vector.broadcast %broadcast_in_dim3A_172 : vector<256x1xi32> to vector<256x8192xi32>
    %eq3A_174 = arith.cmpi eq, %iota3A, %eq3A_173 : vector<256x8192xi32>
    %jit3A_175 = arith.constant 3.400000e+38 : f32
    %broadcast_in_dim3A_176 = vector.broadcast %jit3A_175 : f32 to vector<256x8192xf32>
    %select_n3A_177 = arith.select %eq3A_174, %broadcast_in_dim3A_176, %get3A_161 : vector<256x8192xi1>, vector<256x8192xf32>
    %swap3A_178 = arith.constant 0 : index
    %swap3A_179 = arith.constant 0 : index
    %swap3A_180 = vector.load %arg5[%swap3A_178, %swap3A_179] : memref<256x8192xf32, #tpu.memory_space<vmem>>, vector<256x8192xf32>
    tpu.vector_store %arg5[%swap3A_178, %swap3A_179], %select_n3A_177 {strides = array<i32>} : memref<256x8192xf32, #tpu.memory_space<vmem>>, vector<256x8192xf32>,
    %get3A_181 = arith.constant 0 : index
    %get3A_182 = arith.constant 0 : index
    %get3A_183 = vector.load %arg5[%get3A_181, %get3A_182] : memref<256x8192xf32, #tpu.memory_space<vmem>>, vector<256x8192xf32>
    %reduce_min3A_184 = arith.constant dense<0x7F800000> : vector<256xf32>
    %reduce_min3A_185 = vector.multi_reduction <minimumf>, %get3A_183, %reduce_min3A_184 [1] : vector<256x8192xf32> to vector<256xf32>
    %broadcast_in_dim3A_186 = vector.shape_cast %reduce_min3A_185 : vector<256xf32> to vector<256x1xf32>
    %eq3A_187 = vector.broadcast %broadcast_in_dim3A_186 : vector<256x1xf32> to vector<256x8192xf32>
    %eq3A_188 = arith.cmpf oeq, %get3A_183, %eq3A_187 : vector<256x8192xf32>
    %jit3A_189 = arith.constant 1073741824 : i32
    %broadcast_in_dim3A_190 = vector.broadcast %jit3A_189 : i32 to vector<256x8192xi32>
    %select_n3A_191 = arith.select %eq3A_188, %iota3A, %broadcast_in_dim3A_190 : vector<256x8192xi1>, vector<256x8192xi32>
    %reduce_min3A_192 = arith.constant dense<2147483647> : vector<256xi32>
    %reduce_min3A_193 = vector.multi_reduction <minsi>, %select_n3A_191, %reduce_min3A_192 [1] : vector<256x8192xi32> to vector<256xi32>
    %broadcast_in_dim3A_194 = vector.shape_cast %reduce_min3A_193 : vector<256xi32> to vector<256x1xi32>
    %eq3A_195 = vector.broadcast %broadcast_in_dim3A_194 : vector<256x1xi32> to vector<256x8192xi32>
    %eq3A_196 = arith.cmpi eq, %iota3A, %eq3A_195 : vector<256x8192xi32>
    %jit3A_197 = arith.constant 3.400000e+38 : f32
    %broadcast_in_dim3A_198 = vector.broadcast %jit3A_197 : f32 to vector<256x8192xf32>
    %select_n3A_199 = arith.select %eq3A_196, %broadcast_in_dim3A_198, %get3A_183 : vector<256x8192xi1>, vector<256x8192xf32>
    %swap3A_200 = arith.constant 0 : index
    %swap3A_201 = arith.constant 0 : index
    %swap3A_202 = vector.load %arg5[%swap3A_200, %swap3A_201] : memref<256x8192xf32, #tpu.memory_space<vmem>>, vector<256x8192xf32>
    tpu.vector_store %arg5[%swap3A_200, %swap3A_201], %select_n3A_199 {strides = array<i32>} : memref<256x8192xf32, #tpu.memory_space<vmem>>, vector<256x8192xf32>,
    %get3A_203 = arith.constant 0 : index
    %get3A_204 = arith.constant 0 : index
    %get3A_205 = vector.load %arg5[%get3A_203, %get3A_204] : memref<256x8192xf32, #tpu.memory_space<vmem>>, vector<256x8192xf32>
    %reduce_min3A_206 = arith.constant dense<0x7F800000> : vector<256xf32>
    %reduce_min3A_207 = vector.multi_reduction <minimumf>, %get3A_205, %reduce_min3A_206 [1] : vector<256x8192xf32> to vector<256xf32>
    %broadcast_in_dim3A_208 = vector.shape_cast %reduce_min3A_207 : vector<256xf32> to vector<256x1xf32>
    %eq3A_209 = vector.broadcast %broadcast_in_dim3A_208 : vector<256x1xf32> to vector<256x8192xf32>
    %eq3A_210 = arith.cmpf oeq, %get3A_205, %eq3A_209 : vector<256x8192xf32>
    %jit3A_211 = arith.constant 1073741824 : i32
    %broadcast_in_dim3A_212 = vector.broadcast %jit3A_211 : i32 to vector<256x8192xi32>
    %select_n3A_213 = arith.select %eq3A_210, %iota3A, %broadcast_in_dim3A_212 : vector<256x8192xi1>, vector<256x8192xi32>
    %reduce_min3A_214 = arith.constant dense<2147483647> : vector<256xi32>
    %reduce_min3A_215 = vector.multi_reduction <minsi>, %select_n3A_213, %reduce_min3A_214 [1] : vector<256x8192xi32> to vector<256xi32>
    %broadcast_in_dim3A_216 = vector.shape_cast %reduce_min3A_215 : vector<256xi32> to vector<256x1xi32>
    %eq3A_217 = vector.broadcast %broadcast_in_dim3A_216 : vector<256x1xi32> to vector<256x8192xi32>
    %eq3A_218 = arith.cmpi eq, %iota3A, %eq3A_217 : vector<256x8192xi32>
    %jit3A_219 = arith.constant 3.400000e+38 : f32
    %broadcast_in_dim3A_220 = vector.broadcast %jit3A_219 : f32 to vector<256x8192xf32>
    %select_n3A_221 = arith.select %eq3A_218, %broadcast_in_dim3A_220, %get3A_205 : vector<256x8192xi1>, vector<256x8192xf32>
    %swap3A_222 = arith.constant 0 : index
    %swap3A_223 = arith.constant 0 : index
    %swap3A_224 = vector.load %arg5[%swap3A_222, %swap3A_223] : memref<256x8192xf32, #tpu.memory_space<vmem>>, vector<256x8192xf32>
    tpu.vector_store %arg5[%swap3A_222, %swap3A_223], %select_n3A_221 {strides = array<i32>} : memref<256x8192xf32, #tpu.memory_space<vmem>>, vector<256x8192xf32>,
    %get3A_225 = arith.constant 0 : index
    %get3A_226 = arith.constant 0 : index
    %get3A_227 = vector.load %arg5[%get3A_225, %get3A_226] : memref<256x8192xf32, #tpu.memory_space<vmem>>, vector<256x8192xf32>
    %reduce_min3A_228 = arith.constant dense<0x7F800000> : vector<256xf32>
    %reduce_min3A_229 = vector.multi_reduction <minimumf>, %get3A_227, %reduce_min3A_228 [1] : vector<256x8192xf32> to vector<256xf32>
    %broadcast_in_dim3A_230 = vector.shape_cast %reduce_min3A_229 : vector<256xf32> to vector<256x1xf32>
    %eq3A_231 = vector.broadcast %broadcast_in_dim3A_230 : vector<256x1xf32> to vector<256x8192xf32>
    %eq3A_232 = arith.cmpf oeq, %get3A_227, %eq3A_231 : vector<256x8192xf32>
    %jit3A_233 = arith.constant 1073741824 : i32
    %broadcast_in_dim3A_234 = vector.broadcast %jit3A_233 : i32 to vector<256x8192xi32>
    %select_n3A_235 = arith.select %eq3A_232, %iota3A, %broadcast_in_dim3A_234 : vector<256x8192xi1>, vector<256x8192xi32>
    %reduce_min3A_236 = arith.constant dense<2147483647> : vector<256xi32>
    %reduce_min3A_237 = vector.multi_reduction <minsi>, %select_n3A_235, %reduce_min3A_236 [1] : vector<256x8192xi32> to vector<256xi32>
    %broadcast_in_dim3A_238 = vector.shape_cast %reduce_min3A_237 : vector<256xi32> to vector<256x1xi32>
    %eq3A_239 = vector.broadcast %broadcast_in_dim3A_238 : vector<256x1xi32> to vector<256x8192xi32>
    %eq3A_240 = arith.cmpi eq, %iota3A, %eq3A_239 : vector<256x8192xi32>
    %jit3A_241 = arith.constant 3.400000e+38 : f32
    %broadcast_in_dim3A_242 = vector.broadcast %jit3A_241 : f32 to vector<256x8192xf32>
    %select_n3A_243 = arith.select %eq3A_240, %broadcast_in_dim3A_242, %get3A_227 : vector<256x8192xi1>, vector<256x8192xf32>
    %swap3A_244 = arith.constant 0 : index
    %swap3A_245 = arith.constant 0 : index
    %swap3A_246 = vector.load %arg5[%swap3A_244, %swap3A_245] : memref<256x8192xf32, #tpu.memory_space<vmem>>, vector<256x8192xf32>
    tpu.vector_store %arg5[%swap3A_244, %swap3A_245], %select_n3A_243 {strides = array<i32>} : memref<256x8192xf32, #tpu.memory_space<vmem>>, vector<256x8192xf32>,
    %get3A_247 = arith.constant 0 : index
    %get3A_248 = arith.constant 0 : index
    %get3A_249 = vector.load %arg5[%get3A_247, %get3A_248] : memref<256x8192xf32, #tpu.memory_space<vmem>>, vector<256x8192xf32>
    %reduce_min3A_250 = arith.constant dense<0x7F800000> : vector<256xf32>
    %reduce_min3A_251 = vector.multi_reduction <minimumf>, %get3A_249, %reduce_min3A_250 [1] : vector<256x8192xf32> to vector<256xf32>
    %broadcast_in_dim3A_252 = vector.shape_cast %reduce_min3A_251 : vector<256xf32> to vector<256x1xf32>
    %eq3A_253 = vector.broadcast %broadcast_in_dim3A_252 : vector<256x1xf32> to vector<256x8192xf32>
    %eq3A_254 = arith.cmpf oeq, %get3A_249, %eq3A_253 : vector<256x8192xf32>
    %jit3A_255 = arith.constant 1073741824 : i32
    %broadcast_in_dim3A_256 = vector.broadcast %jit3A_255 : i32 to vector<256x8192xi32>
    %select_n3A_257 = arith.select %eq3A_254, %iota3A, %broadcast_in_dim3A_256 : vector<256x8192xi1>, vector<256x8192xi32>
    %reduce_min3A_258 = arith.constant dense<2147483647> : vector<256xi32>
    %reduce_min3A_259 = vector.multi_reduction <minsi>, %select_n3A_257, %reduce_min3A_258 [1] : vector<256x8192xi32> to vector<256xi32>
    %broadcast_in_dim3A_260 = vector.shape_cast %reduce_min3A_259 : vector<256xi32> to vector<256x1xi32>
    %eq3A_261 = vector.broadcast %broadcast_in_dim3A_260 : vector<256x1xi32> to vector<256x8192xi32>
    %eq3A_262 = arith.cmpi eq, %iota3A, %eq3A_261 : vector<256x8192xi32>
    %jit3A_263 = arith.constant 3.400000e+38 : f32
    %broadcast_in_dim3A_264 = vector.broadcast %jit3A_263 : f32 to vector<256x8192xf32>
    %select_n3A_265 = arith.select %eq3A_262, %broadcast_in_dim3A_264, %get3A_249 : vector<256x8192xi1>, vector<256x8192xf32>
    %swap3A_266 = arith.constant 0 : index
    %swap3A_267 = arith.constant 0 : index
    %swap3A_268 = vector.load %arg5[%swap3A_266, %swap3A_267] : memref<256x8192xf32, #tpu.memory_space<vmem>>, vector<256x8192xf32>
    tpu.vector_store %arg5[%swap3A_266, %swap3A_267], %select_n3A_265 {strides = array<i32>} : memref<256x8192xf32, #tpu.memory_space<vmem>>, vector<256x8192xf32>,
    %get3A_269 = arith.constant 0 : index
    %get3A_270 = arith.constant 0 : index
    %get3A_271 = vector.load %arg5[%get3A_269, %get3A_270] : memref<256x8192xf32, #tpu.memory_space<vmem>>, vector<256x8192xf32>
    %reduce_min3A_272 = arith.constant dense<0x7F800000> : vector<256xf32>
    %reduce_min3A_273 = vector.multi_reduction <minimumf>, %get3A_271, %reduce_min3A_272 [1] : vector<256x8192xf32> to vector<256xf32>
    %broadcast_in_dim3A_274 = vector.shape_cast %reduce_min3A_273 : vector<256xf32> to vector<256x1xf32>
    %eq3A_275 = vector.broadcast %broadcast_in_dim3A_274 : vector<256x1xf32> to vector<256x8192xf32>
    %eq3A_276 = arith.cmpf oeq, %get3A_271, %eq3A_275 : vector<256x8192xf32>
    %jit3A_277 = arith.constant 1073741824 : i32
    %broadcast_in_dim3A_278 = vector.broadcast %jit3A_277 : i32 to vector<256x8192xi32>
    %select_n3A_279 = arith.select %eq3A_276, %iota3A, %broadcast_in_dim3A_278 : vector<256x8192xi1>, vector<256x8192xi32>
    %reduce_min3A_280 = arith.constant dense<2147483647> : vector<256xi32>
    %reduce_min3A_281 = vector.multi_reduction <minsi>, %select_n3A_279, %reduce_min3A_280 [1] : vector<256x8192xi32> to vector<256xi32>
    %broadcast_in_dim3A_282 = vector.shape_cast %reduce_min3A_281 : vector<256xi32> to vector<256x1xi32>
    %eq3A_283 = vector.broadcast %broadcast_in_dim3A_282 : vector<256x1xi32> to vector<256x8192xi32>
    %eq3A_284 = arith.cmpi eq, %iota3A, %eq3A_283 : vector<256x8192xi32>
    %jit3A_285 = arith.constant 3.400000e+38 : f32
    %broadcast_in_dim3A_286 = vector.broadcast %jit3A_285 : f32 to vector<256x8192xf32>
    %select_n3A_287 = arith.select %eq3A_284, %broadcast_in_dim3A_286, %get3A_271 : vector<256x8192xi1>, vector<256x8192xf32>
    %swap3A_288 = arith.constant 0 : index
    %swap3A_289 = arith.constant 0 : index
    %swap3A_290 = vector.load %arg5[%swap3A_288, %swap3A_289] : memref<256x8192xf32, #tpu.memory_space<vmem>>, vector<256x8192xf32>
    tpu.vector_store %arg5[%swap3A_288, %swap3A_289], %select_n3A_287 {strides = array<i32>} : memref<256x8192xf32, #tpu.memory_space<vmem>>, vector<256x8192xf32>,
    %get3A_291 = arith.constant 0 : index
    %get3A_292 = arith.constant 0 : index
    %get3A_293 = vector.load %arg5[%get3A_291, %get3A_292] : memref<256x8192xf32, #tpu.memory_space<vmem>>, vector<256x8192xf32>
    %reduce_min3A_294 = arith.constant dense<0x7F800000> : vector<256xf32>
    %reduce_min3A_295 = vector.multi_reduction <minimumf>, %get3A_293, %reduce_min3A_294 [1] : vector<256x8192xf32> to vector<256xf32>
    %broadcast_in_dim3A_296 = vector.shape_cast %reduce_min3A_295 : vector<256xf32> to vector<256x1xf32>
    %eq3A_297 = vector.broadcast %broadcast_in_dim3A_296 : vector<256x1xf32> to vector<256x8192xf32>
    %eq3A_298 = arith.cmpf oeq, %get3A_293, %eq3A_297 : vector<256x8192xf32>
    %jit3A_299 = arith.constant 1073741824 : i32
    %broadcast_in_dim3A_300 = vector.broadcast %jit3A_299 : i32 to vector<256x8192xi32>
    %select_n3A_301 = arith.select %eq3A_298, %iota3A, %broadcast_in_dim3A_300 : vector<256x8192xi1>, vector<256x8192xi32>
    %reduce_min3A_302 = arith.constant dense<2147483647> : vector<256xi32>
    %reduce_min3A_303 = vector.multi_reduction <minsi>, %select_n3A_301, %reduce_min3A_302 [1] : vector<256x8192xi32> to vector<256xi32>
    %broadcast_in_dim3A_304 = vector.shape_cast %reduce_min3A_303 : vector<256xi32> to vector<256x1xi32>
    %eq3A_305 = vector.broadcast %broadcast_in_dim3A_304 : vector<256x1xi32> to vector<256x8192xi32>
    %eq3A_306 = arith.cmpi eq, %iota3A, %eq3A_305 : vector<256x8192xi32>
    %jit3A_307 = arith.constant 3.400000e+38 : f32
    %broadcast_in_dim3A_308 = vector.broadcast %jit3A_307 : f32 to vector<256x8192xf32>
    %select_n3A_309 = arith.select %eq3A_306, %broadcast_in_dim3A_308, %get3A_293 : vector<256x8192xi1>, vector<256x8192xf32>
    %swap3A_310 = arith.constant 0 : index
    %swap3A_311 = arith.constant 0 : index
    %swap3A_312 = vector.load %arg5[%swap3A_310, %swap3A_311] : memref<256x8192xf32, #tpu.memory_space<vmem>>, vector<256x8192xf32>
    tpu.vector_store %arg5[%swap3A_310, %swap3A_311], %select_n3A_309 {strides = array<i32>} : memref<256x8192xf32, #tpu.memory_space<vmem>>, vector<256x8192xf32>,
    %get3A_313 = arith.constant 0 : index
    %get3A_314 = arith.constant 0 : index
    %get3A_315 = vector.load %arg5[%get3A_313, %get3A_314] : memref<256x8192xf32, #tpu.memory_space<vmem>>, vector<256x8192xf32>
    %reduce_min3A_316 = arith.constant dense<0x7F800000> : vector<256xf32>
    %reduce_min3A_317 = vector.multi_reduction <minimumf>, %get3A_315, %reduce_min3A_316 [1] : vector<256x8192xf32> to vector<256xf32>
    %broadcast_in_dim3A_318 = vector.shape_cast %reduce_min3A_317 : vector<256xf32> to vector<256x1xf32>
    %eq3A_319 = vector.broadcast %broadcast_in_dim3A_318 : vector<256x1xf32> to vector<256x8192xf32>
    %eq3A_320 = arith.cmpf oeq, %get3A_315, %eq3A_319 : vector<256x8192xf32>
    %jit3A_321 = arith.constant 1073741824 : i32
    %broadcast_in_dim3A_322 = vector.broadcast %jit3A_321 : i32 to vector<256x8192xi32>
    %select_n3A_323 = arith.select %eq3A_320, %iota3A, %broadcast_in_dim3A_322 : vector<256x8192xi1>, vector<256x8192xi32>
    %reduce_min3A_324 = arith.constant dense<2147483647> : vector<256xi32>
    %reduce_min3A_325 = vector.multi_reduction <minsi>, %select_n3A_323, %reduce_min3A_324 [1] : vector<256x8192xi32> to vector<256xi32>
    %broadcast_in_dim3A_326 = vector.shape_cast %reduce_min3A_325 : vector<256xi32> to vector<256x1xi32>
    %eq3A_327 = vector.broadcast %broadcast_in_dim3A_326 : vector<256x1xi32> to vector<256x8192xi32>
    %eq3A_328 = arith.cmpi eq, %iota3A, %eq3A_327 : vector<256x8192xi32>
    %jit3A_329 = arith.constant 3.400000e+38 : f32
    %broadcast_in_dim3A_330 = vector.broadcast %jit3A_329 : f32 to vector<256x8192xf32>
    %select_n3A_331 = arith.select %eq3A_328, %broadcast_in_dim3A_330, %get3A_315 : vector<256x8192xi1>, vector<256x8192xf32>
    %swap3A_332 = arith.constant 0 : index
    %swap3A_333 = arith.constant 0 : index
    %swap3A_334 = vector.load %arg5[%swap3A_332, %swap3A_333] : memref<256x8192xf32, #tpu.memory_space<vmem>>, vector<256x8192xf32>
    tpu.vector_store %arg5[%swap3A_332, %swap3A_333], %select_n3A_331 {strides = array<i32>} : memref<256x8192xf32, #tpu.memory_space<vmem>>, vector<256x8192xf32>,
    %get3A_335 = arith.constant 0 : index
    %get3A_336 = arith.constant 0 : index
    %get3A_337 = vector.load %arg5[%get3A_335, %get3A_336] : memref<256x8192xf32, #tpu.memory_space<vmem>>, vector<256x8192xf32>
    %reduce_min3A_338 = arith.constant dense<0x7F800000> : vector<256xf32>
    %reduce_min3A_339 = vector.multi_reduction <minimumf>, %get3A_337, %reduce_min3A_338 [1] : vector<256x8192xf32> to vector<256xf32>
    %broadcast_in_dim3A_340 = vector.shape_cast %reduce_min3A_339 : vector<256xf32> to vector<256x1xf32>
    %eq3A_341 = vector.broadcast %broadcast_in_dim3A_340 : vector<256x1xf32> to vector<256x8192xf32>
    %eq3A_342 = arith.cmpf oeq, %get3A_337, %eq3A_341 : vector<256x8192xf32>
    %jit3A_343 = arith.constant 1073741824 : i32
    %broadcast_in_dim3A_344 = vector.broadcast %jit3A_343 : i32 to vector<256x8192xi32>
    %select_n3A_345 = arith.select %eq3A_342, %iota3A, %broadcast_in_dim3A_344 : vector<256x8192xi1>, vector<256x8192xi32>
    %reduce_min3A_346 = arith.constant dense<2147483647> : vector<256xi32>
    %reduce_min3A_347 = vector.multi_reduction <minsi>, %select_n3A_345, %reduce_min3A_346 [1] : vector<256x8192xi32> to vector<256xi32>
    %broadcast_in_dim3A_348 = vector.shape_cast %reduce_min3A_347 : vector<256xi32> to vector<256x1xi32>
    %eq3A_349 = vector.broadcast %broadcast_in_dim3A_348 : vector<256x1xi32> to vector<256x8192xi32>
    %eq3A_350 = arith.cmpi eq, %iota3A, %eq3A_349 : vector<256x8192xi32>
    %jit3A_351 = arith.constant 3.400000e+38 : f32
    %broadcast_in_dim3A_352 = vector.broadcast %jit3A_351 : f32 to vector<256x8192xf32>
    %select_n3A_353 = arith.select %eq3A_350, %broadcast_in_dim3A_352, %get3A_337 : vector<256x8192xi1>, vector<256x8192xf32>
    %swap3A_354 = arith.constant 0 : index
    %swap3A_355 = arith.constant 0 : index
    %swap3A_356 = vector.load %arg5[%swap3A_354, %swap3A_355] : memref<256x8192xf32, #tpu.memory_space<vmem>>, vector<256x8192xf32>
    tpu.vector_store %arg5[%swap3A_354, %swap3A_355], %select_n3A_353 {strides = array<i32>} : memref<256x8192xf32, #tpu.memory_space<vmem>>, vector<256x8192xf32>,
    %get3A_357 = arith.constant 0 : index
    %get3A_358 = arith.constant 0 : index
    %get3A_359 = vector.load %arg5[%get3A_357, %get3A_358] : memref<256x8192xf32, #tpu.memory_space<vmem>>, vector<256x8192xf32>
    %reduce_min3A_360 = arith.constant dense<0x7F800000> : vector<256xf32>
    %reduce_min3A_361 = vector.multi_reduction <minimumf>, %get3A_359, %reduce_min3A_360 [1] : vector<256x8192xf32> to vector<256xf32>
    %broadcast_in_dim3A_362 = vector.shape_cast %reduce_min3A_361 : vector<256xf32> to vector<256x1xf32>
    %eq3A_363 = vector.broadcast %broadcast_in_dim3A_362 : vector<256x1xf32> to vector<256x8192xf32>
    %eq3A_364 = arith.cmpf oeq, %get3A_359, %eq3A_363 : vector<256x8192xf32>
    %jit3A_365 = arith.constant 1073741824 : i32
    %broadcast_in_dim3A_366 = vector.broadcast %jit3A_365 : i32 to vector<256x8192xi32>
    %select_n3A_367 = arith.select %eq3A_364, %iota3A, %broadcast_in_dim3A_366 : vector<256x8192xi1>, vector<256x8192xi32>
    %reduce_min3A_368 = arith.constant dense<2147483647> : vector<256xi32>
    %reduce_min3A_369 = vector.multi_reduction <minsi>, %select_n3A_367, %reduce_min3A_368 [1] : vector<256x8192xi32> to vector<256xi32>
    %broadcast_in_dim3A_370 = vector.shape_cast %reduce_min3A_369 : vector<256xi32> to vector<256x1xi32>
    %eq3A_371 = vector.broadcast %broadcast_in_dim3A_370 : vector<256x1xi32> to vector<256x8192xi32>
    %eq3A_372 = arith.cmpi eq, %iota3A, %eq3A_371 : vector<256x8192xi32>
    %jit3A_373 = arith.constant 3.400000e+38 : f32
    %broadcast_in_dim3A_374 = vector.broadcast %jit3A_373 : f32 to vector<256x8192xf32>
    %select_n3A_375 = arith.select %eq3A_372, %broadcast_in_dim3A_374, %get3A_359 : vector<256x8192xi1>, vector<256x8192xf32>
    %swap3A_376 = arith.constant 0 : index
    %swap3A_377 = arith.constant 0 : index
    %swap3A_378 = vector.load %arg5[%swap3A_376, %swap3A_377] : memref<256x8192xf32, #tpu.memory_space<vmem>>, vector<256x8192xf32>
    tpu.vector_store %arg5[%swap3A_376, %swap3A_377], %select_n3A_375 {strides = array<i32>} : memref<256x8192xf32, #tpu.memory_space<vmem>>, vector<256x8192xf32>,
    %concatenate3A = tpu.concatenate %broadcast_in_dim3A_40, %broadcast_in_dim3A_62, %broadcast_in_dim3A_84, %broadcast_in_dim3A_106, %broadcast_in_dim3A_128, %broadcast_in_dim3A_150, %broadcast_in_dim3A_172, %broadcast_in_dim3A_194, %broadcast_in_dim3A_216, %broadcast_in_dim3A_238, %broadcast_in_dim3A_260, %broadcast_in_dim3A_282, %broadcast_in_dim3A_304, %broadcast_in_dim3A_326, %broadcast_in_dim3A_348, %broadcast_in_dim3A_370 in 1 : vector<256x1xi32>, vector<256x1xi32>, vector<256x1xi32>, vector<256x1xi32>, vector<256x1xi32>, vector<256x1xi32>, vector<256x1xi32>, vector<256x1xi32>, vector<256x1xi32>, vector<256x1xi32>, vector<256x1xi32>, vector<256x1xi32>, vector<256x1xi32>, vector<256x1xi32>, vector<256x1xi32>, vector<256x1xi32> -> vector<256x16xi32>
    %mul3A_379 = arith.constant 8192 : i32
    %mul3A_380 = arith.muli %arg0, %mul3A_379 : i32
    %add3A_381 = vector.broadcast %mul3A_380 : i32 to vector<256x16xi32>
    %add3A_382 = arith.addi %concatenate3A, %add3A_381 : vector<256x16xi32>
    %swap3A_383 = arith.constant 0 : index
    %swap3A_384 = arith.constant 0 : index
    %swap3A_385 = arith.constant 0 : index
    %swap3A_386 = arith.constant 0 : index
    %swap3A_387 = vector.load %arg4[%swap3A_383, %swap3A_384, %swap3A_385, %swap3A_386] : memref<1x1x256x16xi32, #tpu.memory_space<vmem>>, vector<1x1x256x16xi32>
    %swap3A_388 = vector.shape_cast %swap3A_387 : vector<1x1x256x16xi32> to vector<256x16xi32>
    %swap3A_389 = vector.shape_cast %add3A_382 : vector<256x16xi32> to vector<1x1x256x16xi32>
    tpu.vector_store %arg4[%swap3A_383, %swap3A_384, %swap3A_385, %swap3A_386], %swap3A_389 {strides = array<i32>} : memref<1x1x256x16xi32, #tpu.memory_space<vmem>>, vector<1x1x256x16xi32>,
    return
  }
  func.func @transform_0(%arg0: i32, %arg1: i32) -> (i32, i32, i32) {
    %c0_i32 = arith.constant 0 : i32
    %c0_i32_0 = arith.constant 0 : i32
    return %arg0, %arg1, %c0_i32 : i32, i32, i32
  }
  func.func @transform_1(%arg0: i32, %arg1: i32) -> (i32, i32, i32) {
    %c0_i32 = arith.constant 0 : i32
    %c0_i32_0 = arith.constant 0 : i32
    %c0_i32_1 = arith.constant 0 : i32
    return %arg0, %c0_i32, %c0_i32_0 : i32, i32, i32
  }
  func.func @transform_2(%arg0: i32, %arg1: i32) -> (i32, i32, i32, i32) {
    %c0_i32 = arith.constant 0 : i32
    %c0_i32_0 = arith.constant 0 : i32
    %c0_i32_1 = arith.constant 0 : i32
    return %arg0, %arg1, %c0_i32, %c0_i32_0 : i32, i32, i32, i32
  }
}

</mosaic_0001>

<sc_bundles>
// kernel: kernel.10.cloned.1.call-start
scs
__scs_entry_jumppad:
0x0: {  	(pc) =	sbr.rel $0x88, $3  }
0x1: {  	(tag) =	ssettag $0x0;
	lr =	simm.s32 $0x1  }
0x2: {  	[smem:$0x3F99] =	sst lr;
	_ =	strace $0xD0000000  }
0x3: {  	_ = 	snop  }
0x4: {  	_ = 	snop  }
0x5: {  	_ = 	snop  }
0x6: {  	_ = 	snop  }
0x7: {  	_ = 	snop  }
__scs_overlays_trampoline_lowered:
0x8: {  	[smem:$0x3FA8] =	sst s0  }
0x9: {  	[smem:$0x3FA9] =	sst s1  }
0xa: {  	[smem:$0x3FAA] =	sst s2  }
0xb: {  	[smem:$0x3FAB] =	sst s3  }
0xc: {  	[smem:$0x3FAC] =	sst s4  }
0xd: {  	[smem:$0x3FAD] =	sst s5  }
0xe: {  	[smem:$0x3FAE] =	sst s6  }
0xf: {  	[smem:$0x3FAF] =	sst s7  }
0x10: {  	[smem:$0x3FB0] =	sst s8  }
0x11: {  	[smem:$0x3FB1] =	sst s9;
	s0 =	simm.s32 @!p0 $0x0  }
0x12: {  	s1 =	sld [smem:$0x3F97];
	s0 =	simm.s32 @p0 $0x1  }
0x13: {  	[smem:$0x3FB2] =	sst s0;
	s0 =	simm.s32 @!p1 $0x0  }
0x14: {  	s2 =	sld [smem:$0x3F96];
	s0 =	simm.s32 @p1 $0x1  }
0x15: {  	[smem:$0x3FB3] =	sst s0;
	s0 =	simm.s32 @!p2 $0x0  }
0x16: {  	s3 =	sld [smem:$0x3FDB];
	s0 =	simm.s32 @p2 $0x1  }
0x17: {  	s4 =	simm.s32 $0x1BF5;
	[smem:$0x3FB5] =	sst s0  }
0x18: {  	s0 =	sld [smem:$0x3F98];
	_ =	swait.ge [sflag:s4], $0x0  }
0x19: {  	s7 =	sld [smem:$0x3F99]  }
0x1a: {  	s8 =	sadd.s32 $0xFFFFE003, lr  }
0x1b: {  	s9 =	sadd.s32 $0xFFFFFEF7, lr;
	s5 =	simm.s32 $0xFFFFFFFF;
	p2 =	slt.u32 s8, $0xFFFFF086  }
0x1c: {  	p1 =	slt.u32 s9, $0xF7A;
	s5 =	simm.s32 @!p2 $0x0  }
0x1d: {  	s5 =	simm.s32 @p1 $0x1;
	p0 =	seq.s32 s7, s2  }
0x1e: {  	s7 =	smul.u32 @!p0 $0xF7A, s2;
	p2 =	seq.s32 @!p0 s5, $0x0  }
0x1f: {  	s9 =	smul.u32 $0xF7A, s1;
	s8 =	simm.s32 @!p0 $0x1BF5;
	p2 =	por !p2, p0  }
0x20: {  	[sflag:s8] =	ssyncset.s32 @!p0 $0xFFFFF086;
	s6 =	sadd.s32 @!p0 s3, s7;
	s7 =	simm.s32 @!p0 $0x108  }
0x21: {  	s3 =	sadd.s32 s3, s9;
	s6 =	sadd.s32 @!p0 $0x88, s6;
	s7 =	simm.s32 @p2 $0x1082  }
0x22: {  	[simem:s7], [sflag:s8] =	dma.local @!p0 [hbm:s6], $0xF7A  }
0x23: {  	s9 =	sor.u32 $0xD0000000, s2;
	s6 =	simm.s32 $0x108;
	_ =	swait.ge @!p0 [sflag:s8], $0x0  }
0x24: {  	s3 =	sadd.s32 $0x88, s3;
	s6 =	simm.s32 @!p1 $0x1082;
	[sflag:s4] =	ssyncset.s32 $0xFFFFF086  }
0x25: {  	[simem:s6], [sflag:s4] =	dma.local [hbm:s3], $0xF7A  }
0x26: {  	[smem:$0x3F99] =	sst s1;
	(tag) =	ssettag s2;
	_ =	strace s9  }
0x27: {  	s1 =	sld [smem:$0x3FA9]  }
0x28: {  	s2 =	sld [smem:$0x3FAA]  }
0x29: {  	s4 =	sld [smem:$0x3FAC]  }
0x2a: {  	p0 =	seq.s32 s5, $0x0;
	s5 =	sld [smem:$0x3FAD]  }
0x2b: {  	s6 =	sld [smem:$0x3FAE]  }
0x2c: {  	s7 =	sld [smem:$0x3FAF]  }
0x2d: {  	s3 =	simm.s32 $0x108;
	s8 =	sld [smem:$0x3FB0]  }
0x2e: {  	s3 =	simm.s32 @!p0 $0x1082;
	s9 =	sld [smem:$0x3FB1]  }
0x2f: {  	lr =	sadd.s32 s0, s3;
	s0 =	sld [smem:$0x3FA8]  }
0x30: {  	s3 =	sld [smem:$0x3FAB]  }
0x31: {  	[smem:$0x3FB4] =	sst s10  }
0x32: {  	s10 =	sld [smem:$0x3FB2];
	_ =	sdelay $0x3  }
0x33: {  	p0 =	seq.s32 s10, $0x1;
	s10 =	sld [smem:$0x3FB4];
	_ =	sdelay $0x3  }
0x34: {  	[smem:$0x3FB4] =	sst s10  }
0x35: {  	s10 =	sld [smem:$0x3FB3];
	_ =	sdelay $0x3  }
0x36: {  	p1 =	seq.s32 s10, $0x1;
	s10 =	sld [smem:$0x3FB4];
	_ =	sdelay $0x3  }
0x37: {  	[smem:$0x3FB4] =	sst s10  }
0x38: {  	s10 =	sld [smem:$0x3FB5]  }
0x39: {  	_ = 	snop;
	(pc) =	sbr.ind lr, $3  }
0x3a: {  	_ = 	snop  }
0x3b: {  	_ = 	snop  }
0x3c: {  	p2 =	seq.s32 s10, $0x1;
	s10 =	sld [smem:$0x3FB4]  }
0x3d: {  	_ =	shalt  }
0x3e: {  	_ =	shalt  }
0x3f: {  	_ =	shalt  }
0x40: {  	_ =	shalt  }
0x41: {  	_ =	shalt  }
0x42: {  	_ =	shalt  }
0x43: {  	_ =	shalt  }
0x44: {  	_ =	shalt  }
0x45: {  	_ =	shalt  }
0x46: {  	_ =	shalt  }
0x47: {  	_ =	shalt  }
0x48: {  	_ =	shalt  }
0x49: {  	_ =	shalt  }
0x4a: {  	_ =	shalt  }
0x4b: {  	_ =	shalt  }
0x4c: {  	_ =	shalt  }
0x4d: {  	_ =	shalt  }
0x4e: {  	_ =	shalt  }
0x4f: {  	_ =	shalt  }
0x50: {  	_ =	shalt  }
0x51: {  	_ =	shalt  }
0x52: {  	_ =	shalt  }
0x53: {  	_ =	shalt  }
0x54: {  	_ =	shalt  }
0x55: {  	_ =	shalt  }
0x56: {  	_ =	shalt  }
0x57: {  	_ =	shalt  }
0x58: {  	_ =	shalt  }
0x59: {  	_ =	shalt  }
0x5a: {  	_ =	shalt  }
0x5b: {  	_ =	shalt  }
0x5c: {  	_ =	shalt  }
0x5d: {  	_ =	shalt  }
0x5e: {  	_ =	shalt  }
0x5f: {  	_ =	shalt  }
0x60: {  	_ =	shalt  }
0x61: {  	_ =	shalt  }
0x62: {  	_ =	shalt  }
0x63: {  	_ =	shalt  }
0x64: {  	_ =	shalt  }
0x65: {  	_ =	shalt  }
0x66: {  	_ =	shalt  }
0x67: {  	_ =	shalt  }
0x68: {  	_ =	shalt  }
0x69: {  	_ =	shalt  }
0x6a: {  	_ =	shalt  }
0x6b: {  	_ =	shalt  }
0x6c: {  	_ =	shalt  }
0x6d: {  	_ =	shalt  }
0x6e: {  	_ =	shalt  }
0x6f: {  	_ =	shalt  }
0x70: {  	_ =	shalt  }
0x71: {  	_ =	shalt  }
0x72: {  	_ =	shalt  }
0x73: {  	_ =	shalt  }
0x74: {  	_ =	shalt  }
0x75: {  	_ =	shalt  }
0x76: {  	_ =	shalt  }
0x77: {  	_ =	shalt  }
0x78: {  	_ =	shalt  }
0x79: {  	_ =	shalt  }
0x7a: {  	_ =	shalt  }
0x7b: {  	_ =	shalt  }
0x7c: {  	_ =	shalt  }
0x7d: {  	_ =	shalt  }
0x7e: {  	_ =	shalt  }
0x7f: {  	_ =	shalt  }
0x80: {  	_ =	shalt  }
0x81: {  	_ =	shalt  }
0x82: {  	_ =	shalt  }
0x83: {  	_ =	shalt  }
0x84: {  	_ =	shalt  }
0x85: {  	_ =	shalt  }
0x86: {  	_ =	shalt  }
0x87: {  	_ =	shalt  }
.Lfunc_end0:
.L_simem_size_0:
called_computation.1_lowered:
.L_overlay_start_0:
0x88: {  	s2 =	sld [smem:$0x3FD9]  }
0x89: {  	s3 =	sld [smem:$0x3FFE];
	_ =	sdelay $0x1  }
0x8a: {  	s1 =	srdreg.scid  }
0x8b: {  	s0 =	sand.u32 $0x1, s1  }
0x8c: {  	s14 =	sshll.u32 s0, $0xA;
	s2 =	sadd.s32 s3, s2  }
0x8d: {  	s2 =	sadd.s32 s2, s14  }
0x8e: {  	[smem:$0x3FC0] =	sst s2  }
0x8f: {  	_ = 	snop  }
0x90: {  	s2 =	sld [smem:$0x3FD0];
	_ =	sdelay $0x2  }
0x91: {  	s15 =	simm.s32 $0xA;
	s4 =	simm.s32 $0x10  }
0x92: {  	[smem:s4], [sflag:s15] =	dma.local [hbm:s2], $0x1  }
0x93: {  	_ =	swait.eq [sflag:s15], $0x1  }
0x94: {  	[sflag:s15] =	ssyncset.done $0x0  }
0x95: {  	[sflag:s15] =	ssyncadd.s32 $0xFFFFFFFF  }
0x96: {  	s16 =	sld [smem:$0x11];
	(tm) =	ssettm $0x1  }
0x97: {  	s17 =	sld [smem:$0x3FFB];
	_ =	sdelay $0x3  }
0x98: {  	_ =	strace s17  }
0x99: {  	s3 =	sld [smem:$0x3FFC];
	_ =	sdelay $0x3  }
0x9a: {  	_ =	strace s3  }
0x9b: {  	s3 =	sld [smem:$0x3FFD];
	_ =	sdelay $0x3  }
0x9c: {  	_ =	strace s3  }
0x9d: {  	_ =	strace $0x8FFFFFFF  }
0x9e: {  	s18 =	sld [smem:$0x3FDB];
	_ =	sdelay $0x1  }
0x9f: {  	s19 =	simm.s32 $_scs_section_size  }
0xa0: {  	s5 =	simm.s32 $_size__tile_overlayer_lowered;
	s6 =	simm.s32 $_tile_overlayer_lowered  }
0xa1: {  	s22 =	simm.s32 $0x1BFF;
	s21 =	sshll.u32 s6, $0x1;
	s3 =	sadd.s32 s19, s18  }
0xa2: {  	s7 =	simm.s32 $0x0;
	s20 =	sshll.u32 s5, $0x1;
	s5 =	sadd.s32 s21, s3  }
0xa3: {  	[timem:s7], [sflag:s22] =	dma.local [hbm:s5], s20  }
0xa4: {  	_ =	swait.ge [sflag:s22], s20  }
0xa5: {  	s4 =	ssub.s32 $0x0, s20;
	[sflag:s22] =	ssyncset.done $0x0  }
0xa6: {  	[sflag:s22] =	ssyncadd.s32 s4;
	_ =	sdelay $0x1  }
0xa7: {  	s23 =	simm.s32 $0x1B8B  }
0xa8: {  	_ =	swait.ge [sflag:s23], $0x1  }
0xa9: {  	[sflag:s23] =	ssyncset.done $0x0  }
0xaa: {  	s25 =	simm.s32 $0x1B8E;
	s24 =	sld [smem:$0x3FFE];
	[sflag:s23] =	ssyncadd.s32 $0xFFFFFFFF  }
0xab: {  	s26 =	simm.s32 $execute0_lowered;
	[smem:$0x3FD2] =	sst s25  }
0xac: {  	s5 =	sshll.u32 s26, $0x1;
	_ =	strace $0x80000049;
	[dreg:$0x1] =	wrdreg $0xFFFFFFFF  }
0xad: {  	s28 =	simm.s32 $_size_execute0_lowered;
	s3 =	sadd.s32 s3, s5;
	[dreg:$0x0] =	wrdreg $0x0  }
0xae: {  	s5 =	sshll.u32 s28, $0x1;
	[dreg:$0x2] =	wrdreg s3  }
0xaf: {  	[dreg:$0x3] =	wrdreg s5  }
0xb0: {  	[dreg:$0x4] =	wrdreg $0xC0  }
0xb1: {  	_ =	task [dreg:s7], $0x5FFFF  }
0xb2: {  	[dreg:$0x1] =	wrdreg $0xFFFFFFFF  }
0xb3: {  	[dreg:$0x0] =	wrdreg $0x60  }
0xb4: {  	[dreg:$0x2] =	wrdreg s24  }
0xb5: {  	[dreg:$0x3] =	wrdreg s16  }
0xb6: {  	[dreg:$0x4] =	wrdreg $0x9  }
0xb7: {  	_ =	task.clear_ibuf [dreg:s7], $0x5FFFF;
	_ =	strace $0x90000049  }
0xb8: {  	s29 =	simm.s32 $0x9;
	_ =	strace $0x8000004B  }
0xb9: {  	_ =	swait.ge [sflag:s29], $0x1  }
0xba: {  	[sflag:s29] =	ssyncadd.s32 $0xFFFFFFFF  }
0xbb: {  	_ =	strace $0x9000004B  }
0xbc: {  	_ =	sfence  }
0xbd: {  	s30 =	sld [smem:$0x0];
	_ =	sdelay $0x2  }
0xbe: {  	s31 =	sshll.u32 s1, $0xD;
	s1 =	sshrl.u32 s1, $0x2  }
0xbf: {  	s3 =	sand.u32 $0x4000, s31;
	s1 =	sadd.s32 s1, s30  }
0xc0: {  	s0 =	sor.u32 s3, s0;
	s1 =	sshll.u32 s1, $0x11  }
0xc1: {  	s0 =	sor.u32 s1, s0  }
0xc2: {  	s0 =	sadd.s32 $0x8F2B, s0  }
0xc3: {  	[sflag:s0] =	ssyncadd.remote.s32 $0x1  }
0xc4: {  	_ =	sfence.sel $0xFFFF  }
0xc5: {  	[dreg:$0x0] =	wrdreg $0xFFFFFFFF;
	(pc) =	sbr.abs _section_cstart, $3  }
0xc6: {  	[dreg:$0x1] =	wrdreg $0xFFFFFFFF  }
0xc7: {  	_ =	task.clear_ibuf [dreg:s7], $0x2FFFF;
	_ =	strace $0x9FFFFFFF  }
0xc8: {  	(tm) =	ssettm $0x7FFFFFFF  }
0xc9: {  	_ =	shalt  }
tec
execute0_lowered:
.L_overlay_start_1:
0x0: {  	(tag) =	ssettag $0x1  }
0x1: {  	s4 =	rddreg [dreg:$0x0]  }
0x2: {  	s5 =	rddreg [dreg:$0x1]  }
0x3: {  	s0 =	rddreg [dreg:$0x2];
	s2 =	simm.s32 $0x0;
	s3 =	srdreg.scid  }
0x4: {  	s1 =	stileid.u32;
	s9 =	simm.s32 $0x1;
	s10 =	simm.s32 $0x4080  }
0x5: {  	s11 =	simm.s32 $0x0;
	s6 =	sand.u32 $0x1, s3;
	s30 =	sshll.u32 s1, $0x1  }
0x6: {  	[smem:$0x7FF] =	sst s2;
	s3 =	sadd.s32 $0x82400, s4;
	s7 =	sor.u32 s6, s30  }
0x7: {  	_ =	strace $0x8000004A;
	s6 =	ssub.s32 $0x2, s6;
	s8 =	sshll.u32 s7, $0x9  }
0x8: {  	s31 =	sshrl.u32 s6, $0x1;
	s7 =	sshll.u32 s7, $0xC;
	s4 =	sadd.s32 s8, s4  }
0x9: {  	s6 =	ssub.s32 s6, s31;
	s5 =	sadd.s32 s5, s7;
	s7 =	simm.s32 $0x2  }
0xa: {  	s8 =	simm.s32 $0x80;
	s4 =	sadd.s32 $0x2400, s4;
	s6 =	smax.u32 s6, $0x1  }
.LBB2_1:
0xb: {  	s12 =	simm.s32 $0x0  }
.LBB2_2:
0xc: {  	s13 =	sshll.u32 s12, $0x4  }
0xd: {  	s14 =	simm.s32 $0x0;
	s13 =	sadd.s32 s13, s4  }
0xe: {  	[tilespmem:s14], [sflag:$0x2] =	stream.linear.gather [hbm4b:s13+s14], $0x80, $0x38;
	[tilespmem:$0x4480] =	vst v63  }
0xf: {  	_ =	swait.ge [sflag:s7], $0x80  }
0x10: {  	[sflag:s7] =	ssyncset.done $0x0  }
0x11: {  	[sflag:s7] =	ssyncadd.s32 $0xFFFFFF80  }
0x12: {  	[tilespmem:s8], [sflag:$0x1] =	stream.indirect.gather [hbm4b:s3+s8], $0x80, s14, s8, $0xb8;
	[tilespmem:$0x4480] =	vst v63  }
0x13: {  	_ =	swait.ge [sflag:s9], $0x4000  }
0x14: {  	[sflag:s9] =	ssyncset.done $0x0  }
0x15: {  	s13 =	simm.s32 $0x480;
	[sflag:s9] =	ssyncadd.s32 $0xFFFFC000  }
0x16: {  	v0 =	vld [tilespmem:s13+$0xFFFFFC80]  }
0x17: {  	v1 =	vld [tilespmem:s13+$0xFFFFFC00]  }
0x18: {  	v2 =	vld [tilespmem:s13+$0xFFFFFD00]  }
0x19: {  	v3 =	vld [tilespmem:s13+$0xFFFFFD80]  }
0x1a: {  	v4 =	vld [tilespmem:s13+$0xFFFFFE00]  }
0x1b: {  	v5 =	vld [tilespmem:s13+$0xFFFFFE80]  }
0x1c: {  	v0 =	vmax.f32 v1, v0;
	v1 =	vld [tilespmem:s13+$0xFFFFFF00]  }
0x1d: {  	v0 =	vmax.f32 v0, v2;
	v2 =	vld [tilespmem:s13+$0xFFFFFF80]  }
0x1e: {  	v0 =	vmax.f32 v0, v3;
	v3 =	vld [tilespmem:s13+$0x0]  }
0x1f: {  	v0 =	vmax.f32 v0, v4;
	v4 =	vld [tilespmem:s13+$0x80]  }
0x20: {  	v0 =	vmax.f32 v0, v5;
	v5 =	vld [tilespmem:s13+$0x100]  }
0x21: {  	v0 =	vmax.f32 v0, v1;
	v1 =	vld [tilespmem:s13+$0x180]  }
0x22: {  	v0 =	vmax.f32 v0, v2;
	v2 =	vld [tilespmem:s13+$0x200]  }
0x23: {  	v0 =	vmax.f32 v0, v3;
	v3 =	vld [tilespmem:s13+$0x280]  }
0x24: {  	v0 =	vmax.f32 v0, v4;
	v4 =	vld [tilespmem:s13+$0x300]  }
0x25: {  	v0 =	vmax.f32 v0, v5;
	v5 =	vld [tilespmem:s13+$0x380]  }
0x26: {  	v0 =	vmax.f32 v0, v1  }
0x27: {  	v0 =	vmax.f32 v0, v2  }
0x28: {  	v0 =	vmax.f32 v0, v3  }
0x29: {  	v0 =	vmax.f32 v0, v4  }
0x2a: {  	s14 =	simm.s32 $0x0;
	v0 =	vmax.f32 v0, v5  }
0x2b: {  	[tilespmem:s14+$0x4080] =	vst v0  }
0x2c: {  	v0 =	vld [tilespmem:s13+$0xFFFFFC10]  }
0x2d: {  	v1 =	vld [tilespmem:s13+$0xFFFFFC90]  }
0x2e: {  	v2 =	vld [tilespmem:s13+$0xFFFFFD10]  }
0x2f: {  	v3 =	vld [tilespmem:s13+$0xFFFFFD90]  }
0x30: {  	v4 =	vld [tilespmem:s13+$0xFFFFFE10]  }
0x31: {  	v5 =	vld [tilespmem:s13+$0xFFFFFE90]  }
0x32: {  	v0 =	vmax.f32 v0, v1;
	v1 =	vld [tilespmem:s13+$0xFFFFFF10]  }
0x33: {  	v0 =	vmax.f32 v0, v2;
	v2 =	vld [tilespmem:s13+$0xFFFFFF90]  }
0x34: {  	v0 =	vmax.f32 v0, v3;
	v3 =	vld [tilespmem:s13+$0x10]  }
0x35: {  	v0 =	vmax.f32 v0, v4;
	v4 =	vld [tilespmem:s13+$0x90]  }
0x36: {  	v0 =	vmax.f32 v0, v5;
	v5 =	vld [tilespmem:s13+$0x110]  }
0x37: {  	v0 =	vmax.f32 v0, v1;
	v1 =	vld [tilespmem:s13+$0x190]  }
0x38: {  	v0 =	vmax.f32 v0, v2;
	v2 =	vld [tilespmem:s13+$0x210]  }
0x39: {  	v0 =	vmax.f32 v0, v3;
	v3 =	vld [tilespmem:s13+$0x290]  }
0x3a: {  	v0 =	vmax.f32 v0, v4;
	v4 =	vld [tilespmem:s13+$0x310]  }
0x3b: {  	v0 =	vmax.f32 v0, v5;
	v5 =	vld [tilespmem:s13+$0x390]  }
0x3c: {  	v0 =	vmax.f32 v0, v1  }
0x3d: {  	v0 =	vmax.f32 v0, v2  }
0x3e: {  	v0 =	vmax.f32 v0, v3  }
0x3f: {  	v0 =	vmax.f32 v0, v4  }
0x40: {  	v0 =	vmax.f32 v0, v5  }
0x41: {  	[tilespmem:s14+$0x4090] =	vst v0  }
0x42: {  	v0 =	vld [tilespmem:s13+$0xFFFFFC20]  }
0x43: {  	v1 =	vld [tilespmem:s13+$0xFFFFFCA0]  }
0x44: {  	v2 =	vld [tilespmem:s13+$0xFFFFFD20]  }
0x45: {  	v3 =	vld [tilespmem:s13+$0xFFFFFDA0]  }
0x46: {  	v4 =	vld [tilespmem:s13+$0xFFFFFE20]  }
0x47: {  	v5 =	vld [tilespmem:s13+$0xFFFFFEA0]  }
0x48: {  	v0 =	vmax.f32 v0, v1;
	v1 =	vld [tilespmem:s13+$0xFFFFFF20]  }
0x49: {  	v0 =	vmax.f32 v0, v2;
	v2 =	vld [tilespmem:s13+$0xFFFFFFA0]  }
0x4a: {  	v0 =	vmax.f32 v0, v3;
	v3 =	vld [tilespmem:s13+$0x20]  }
0x4b: {  	v0 =	vmax.f32 v0, v4;
	v4 =	vld [tilespmem:s13+$0xA0]  }
0x4c: {  	v0 =	vmax.f32 v0, v5;
	v5 =	vld [tilespmem:s13+$0x120]  }
0x4d: {  	v0 =	vmax.f32 v0, v1;
	v1 =	vld [tilespmem:s13+$0x1A0]  }
0x4e: {  	v0 =	vmax.f32 v0, v2;
	v2 =	vld [tilespmem:s13+$0x220]  }
0x4f: {  	v0 =	vmax.f32 v0, v3;
	v3 =	vld [tilespmem:s13+$0x2A0]  }
0x50: {  	v0 =	vmax.f32 v0, v4;
	v4 =	vld [tilespmem:s13+$0x320]  }
0x51: {  	v0 =	vmax.f32 v0, v5;
	v5 =	vld [tilespmem:s13+$0x3A0]  }
0x52: {  	v0 =	vmax.f32 v0, v1  }
0x53: {  	v0 =	vmax.f32 v0, v2  }
0x54: {  	v0 =	vmax.f32 v0, v3  }
0x55: {  	v0 =	vmax.f32 v0, v4  }
0x56: {  	v0 =	vmax.f32 v0, v5  }
0x57: {  	[tilespmem:s14+$0x40A0] =	vst v0  }
0x58: {  	v0 =	vld [tilespmem:s13+$0xFFFFFC30]  }
0x59: {  	v1 =	vld [tilespmem:s13+$0xFFFFFCB0]  }
0x5a: {  	v2 =	vld [tilespmem:s13+$0xFFFFFD30]  }
0x5b: {  	v3 =	vld [tilespmem:s13+$0xFFFFFDB0]  }
0x5c: {  	v4 =	vld [tilespmem:s13+$0xFFFFFE30]  }
0x5d: {  	v5 =	vld [tilespmem:s13+$0xFFFFFEB0]  }
0x5e: {  	v0 =	vmax.f32 v0, v1;
	v1 =	vld [tilespmem:s13+$0xFFFFFF30]  }
0x5f: {  	v0 =	vmax.f32 v0, v2;
	v2 =	vld [tilespmem:s13+$0xFFFFFFB0]  }
0x60: {  	v0 =	vmax.f32 v0, v3;
	v3 =	vld [tilespmem:s13+$0x30]  }
0x61: {  	v0 =	vmax.f32 v0, v4;
	v4 =	vld [tilespmem:s13+$0xB0]  }
0x62: {  	v0 =	vmax.f32 v0, v5;
	v5 =	vld [tilespmem:s13+$0x130]  }
0x63: {  	v0 =	vmax.f32 v0, v1;
	v1 =	vld [tilespmem:s13+$0x1B0]  }
0x64: {  	v0 =	vmax.f32 v0, v2;
	v2 =	vld [tilespmem:s13+$0x230]  }
0x65: {  	v0 =	vmax.f32 v0, v3;
	v3 =	vld [tilespmem:s13+$0x2B0]  }
0x66: {  	v0 =	vmax.f32 v0, v4;
	v4 =	vld [tilespmem:s13+$0x330]  }
0x67: {  	v0 =	vmax.f32 v0, v5;
	v5 =	vld [tilespmem:s13+$0x3B0]  }
0x68: {  	v0 =	vmax.f32 v0, v1  }
0x69: {  	v0 =	vmax.f32 v0, v2  }
0x6a: {  	v0 =	vmax.f32 v0, v3  }
0x6b: {  	v0 =	vmax.f32 v0, v4  }
0x6c: {  	v0 =	vmax.f32 v0, v5  }
0x6d: {  	[tilespmem:s14+$0x40B0] =	vst v0  }
0x6e: {  	v0 =	vld [tilespmem:s13+$0xFFFFFC40]  }
0x6f: {  	v1 =	vld [tilespmem:s13+$0xFFFFFCC0]  }
0x70: {  	v2 =	vld [tilespmem:s13+$0xFFFFFD40]  }
0x71: {  	v3 =	vld [tilespmem:s13+$0xFFFFFDC0]  }
0x72: {  	v4 =	vld [tilespmem:s13+$0xFFFFFE40]  }
0x73: {  	v5 =	vld [tilespmem:s13+$0xFFFFFEC0]  }
0x74: {  	v0 =	vmax.f32 v0, v1;
	v1 =	vld [tilespmem:s13+$0xFFFFFF40]  }
0x75: {  	v0 =	vmax.f32 v0, v2;
	v2 =	vld [tilespmem:s13+$0xFFFFFFC0]  }
0x76: {  	v0 =	vmax.f32 v0, v3;
	v3 =	vld [tilespmem:s13+$0x40]  }
0x77: {  	v0 =	vmax.f32 v0, v4;
	v4 =	vld [tilespmem:s13+$0xC0]  }
0x78: {  	v0 =	vmax.f32 v0, v5;
	v5 =	vld [tilespmem:s13+$0x140]  }
0x79: {  	v0 =	vmax.f32 v0, v1;
	v1 =	vld [tilespmem:s13+$0x1C0]  }
0x7a: {  	v0 =	vmax.f32 v0, v2;
	v2 =	vld [tilespmem:s13+$0x240]  }
0x7b: {  	v0 =	vmax.f32 v0, v3;
	v3 =	vld [tilespmem:s13+$0x2C0]  }
0x7c: {  	v0 =	vmax.f32 v0, v4;
	v4 =	vld [tilespmem:s13+$0x340]  }
0x7d: {  	v0 =	vmax.f32 v0, v5;
	v5 =	vld [tilespmem:s13+$0x3C0]  }
0x7e: {  	v0 =	vmax.f32 v0, v1  }
0x7f: {  	v0 =	vmax.f32 v0, v2  }
0x80: {  	v0 =	vmax.f32 v0, v3  }
0x81: {  	v0 =	vmax.f32 v0, v4  }
0x82: {  	v0 =	vmax.f32 v0, v5  }
0x83: {  	[tilespmem:s14+$0x40C0] =	vst v0  }
0x84: {  	v0 =	vld [tilespmem:s13+$0xFFFFFC50]  }
0x85: {  	v1 =	vld [tilespmem:s13+$0xFFFFFCD0]  }
0x86: {  	v2 =	vld [tilespmem:s13+$0xFFFFFD50]  }
0x87: {  	v3 =	vld [tilespmem:s13+$0xFFFFFDD0]  }
0x88: {  	v4 =	vld [tilespmem:s13+$0xFFFFFE50]  }
0x89: {  	v5 =	vld [tilespmem:s13+$0xFFFFFED0]  }
0x8a: {  	v0 =	vmax.f32 v0, v1;
	v1 =	vld [tilespmem:s13+$0xFFFFFF50]  }
0x8b: {  	v0 =	vmax.f32 v0, v2;
	v2 =	vld [tilespmem:s13+$0xFFFFFFD0]  }
0x8c: {  	v0 =	vmax.f32 v0, v3;
	v3 =	vld [tilespmem:s13+$0x50]  }
0x8d: {  	v0 =	vmax.f32 v0, v4;
	v4 =	vld [tilespmem:s13+$0xD0]  }
0x8e: {  	v0 =	vmax.f32 v0, v5;
	v5 =	vld [tilespmem:s13+$0x150]  }
0x8f: {  	v0 =	vmax.f32 v0, v1;
	v1 =	vld [tilespmem:s13+$0x1D0]  }
0x90: {  	v0 =	vmax.f32 v0, v2;
	v2 =	vld [tilespmem:s13+$0x250]  }
0x91: {  	v0 =	vmax.f32 v0, v3;
	v3 =	vld [tilespmem:s13+$0x2D0]  }
0x92: {  	v0 =	vmax.f32 v0, v4;
	v4 =	vld [tilespmem:s13+$0x350]  }
0x93: {  	v0 =	vmax.f32 v0, v5;
	v5 =	vld [tilespmem:s13+$0x3D0]  }
0x94: {  	v0 =	vmax.f32 v0, v1  }
0x95: {  	v0 =	vmax.f32 v0, v2  }
0x96: {  	v0 =	vmax.f32 v0, v3  }
0x97: {  	v0 =	vmax.f32 v0, v4  }
0x98: {  	v0 =	vmax.f32 v0, v5  }
0x99: {  	[tilespmem:s14+$0x40D0] =	vst v0  }
0x9a: {  	v0 =	vld [tilespmem:s13+$0xFFFFFC60]  }
0x9b: {  	v1 =	vld [tilespmem:s13+$0xFFFFFCE0]  }
0x9c: {  	v2 =	vld [tilespmem:s13+$0xFFFFFD60]  }
0x9d: {  	v3 =	vld [tilespmem:s13+$0xFFFFFDE0]  }
0x9e: {  	v4 =	vld [tilespmem:s13+$0xFFFFFE60]  }
0x9f: {  	v5 =	vld [tilespmem:s13+$0xFFFFFEE0]  }
0xa0: {  	v0 =	vmax.f32 v0, v1;
	v1 =	vld [tilespmem:s13+$0xFFFFFF60]  }
0xa1: {  	v0 =	vmax.f32 v0, v2;
	v2 =	vld [tilespmem:s13+$0xFFFFFFE0]  }
0xa2: {  	v0 =	vmax.f32 v0, v3;
	v3 =	vld [tilespmem:s13+$0x60]  }
0xa3: {  	v0 =	vmax.f32 v0, v4;
	v4 =	vld [tilespmem:s13+$0xE0]  }
0xa4: {  	v0 =	vmax.f32 v0, v5;
	v5 =	vld [tilespmem:s13+$0x160]  }
0xa5: {  	v0 =	vmax.f32 v0, v1;
	v1 =	vld [tilespmem:s13+$0x1E0]  }
0xa6: {  	v0 =	vmax.f32 v0, v2;
	v2 =	vld [tilespmem:s13+$0x260]  }
0xa7: {  	v0 =	vmax.f32 v0, v3;
	v3 =	vld [tilespmem:s13+$0x2E0]  }
0xa8: {  	v0 =	vmax.f32 v0, v4;
	v4 =	vld [tilespmem:s13+$0x360]  }
0xa9: {  	v0 =	vmax.f32 v0, v5;
	v5 =	vld [tilespmem:s13+$0x3E0]  }
0xaa: {  	v0 =	vmax.f32 v0, v1  }
0xab: {  	v0 =	vmax.f32 v0, v2  }
0xac: {  	v0 =	vmax.f32 v0, v3  }
0xad: {  	v0 =	vmax.f32 v0, v4  }
0xae: {  	v0 =	vmax.f32 v0, v5  }
0xaf: {  	[tilespmem:s14+$0x40E0] =	vst v0  }
0xb0: {  	v0 =	vld [tilespmem:s13+$0xFFFFFC70]  }
0xb1: {  	v1 =	vld [tilespmem:s13+$0xFFFFFCF0]  }
0xb2: {  	v2 =	vld [tilespmem:s13+$0xFFFFFD70]  }
0xb3: {  	v3 =	vld [tilespmem:s13+$0xFFFFFDF0]  }
0xb4: {  	v5 =	vld [tilespmem:s13+$0xFFFFFE70]  }
0xb5: {  	v6 =	vld [tilespmem:s13+$0xFFFFFEF0]  }
0xb6: {  	v7 =	vld [tilespmem:s13+$0xFFFFFF70];
	v0 =	vmax.f32 v0, v1  }
0xb7: {  	v8 =	vld [tilespmem:s13+$0xFFFFFFF0];
	v0 =	vmax.f32 v0, v2  }
0xb8: {  	v4 =	vld [tilespmem:s13+$0x70];
	v0 =	vmax.f32 v0, v3  }
0xb9: {  	v1 =	vld [tilespmem:s13+$0xF0];
	v0 =	vmax.f32 v0, v5  }
0xba: {  	v2 =	vld [tilespmem:s13+$0x170];
	v0 =	vmax.f32 v0, v6  }
0xbb: {  	v3 =	vmax.f32 v0, v7;
	v0 =	vld [tilespmem:s13+$0x1F0]  }
0xbc: {  	s15 =	simm.s32 $0x200;
	s16 =	simm.s32 $0x480;
	v5 =	vmax.f32 v3, v8;
	v3 =	vld [tilespmem:s13+$0x270]  }
.LBB2_3:
0xbd: {  	p0 =	sne.s32 s15, $0xE00  }
0xbe: {  	v4 =	vmax.f32 v5, v4;
	v5 =	vld [tilespmem:s13+$0x2F0];
	s16 =	sadd.s32 $0x800, s16;
	s17 =	smov.u32 s15;
	s15 =	sadd.s32 $0x200, s15  }
0xbf: {  	v1 =	vmax.f32 v4, v1;
	v4 =	vld [tilespmem:s13+$0x370]  }
0xc0: {  	v1 =	vmax.f32 v1, v2;
	v2 =	vld [tilespmem:s13+$0x3F0];
	s13 =	smov.u32 s16  }
0xc1: {  	v0 =	vmax.f32 v1, v0  }
0xc2: {  	v0 =	vmax.f32 v0, v3  }
0xc3: {  	v0 =	vmax.f32 v0, v5  }
0xc4: {  	v0 =	vmax.f32 v0, v4  }
0xc5: {  	v0 =	vmax.f32 v0, v2  }
0xc6: {  	[tilespmem:s14+$0x40F0] =	vst v0  }
0xc7: {  	v0 =	vld [tilespmem:s16+$0xFFFFFD00]  }
0xc8: {  	v1 =	vld [tilespmem:s16+$0xFFFFFC80]  }
0xc9: {  	v2 =	vld [tilespmem:s16+$0xFFFFFC00]  }
0xca: {  	v3 =	vld [tilespmem:s16+$0xFFFFFD80]  }
0xcb: {  	v4 =	vld [tilespmem:s16+$0xFFFFFE00];
	_ =	sdelay $0x1  }
0xcc: {  	v5 =	vld [tilespmem:s16+$0xFFFFFE80]  }
0xcd: {  	v1 =	vmax.f32 v2, v1;
	v2 =	vld [tilespmem:s16+$0xFFFFFF00]  }
0xce: {  	v0 =	vmax.f32 v1, v0;
	v1 =	vld [tilespmem:s16+$0xFFFFFF80]  }
0xcf: {  	v0 =	vmax.f32 v0, v3;
	v3 =	vld [tilespmem:s16+$0x0]  }
0xd0: {  	v0 =	vmax.f32 v0, v4;
	v4 =	vld [tilespmem:s16+$0x80]  }
0xd1: {  	v0 =	vmax.f32 v0, v5;
	v5 =	vld [tilespmem:s16+$0x100]  }
0xd2: {  	v0 =	vmax.f32 v0, v2;
	v2 =	vld [tilespmem:s16+$0x180]  }
0xd3: {  	v0 =	vmax.f32 v0, v1;
	v1 =	vld [tilespmem:s16+$0x200]  }
0xd4: {  	v0 =	vmax.f32 v0, v3;
	v3 =	vld [tilespmem:s16+$0x280]  }
0xd5: {  	v0 =	vmax.f32 v0, v4;
	v4 =	vld [tilespmem:s16+$0x300]  }
0xd6: {  	v0 =	vmax.f32 v0, v5;
	v5 =	vld [tilespmem:s16+$0x380]  }
0xd7: {  	v0 =	vmax.f32 v0, v2  }
0xd8: {  	v0 =	vmax.f32 v0, v1  }
0xd9: {  	v0 =	vmax.f32 v0, v3  }
0xda: {  	v0 =	vmax.f32 v0, v4  }
0xdb: {  	s14 =	sshra.s32 s17, $0x2;
	v0 =	vmax.f32 v0, v5  }
0xdc: {  	[tilespmem:s14+$0x4080] =	vst v0  }
0xdd: {  	v0 =	vld [tilespmem:s16+$0xFFFFFC10]  }
0xde: {  	v1 =	vld [tilespmem:s16+$0xFFFFFC90]  }
0xdf: {  	v2 =	vld [tilespmem:s16+$0xFFFFFD10]  }
0xe0: {  	v3 =	vld [tilespmem:s16+$0xFFFFFD90]  }
0xe1: {  	v4 =	vld [tilespmem:s16+$0xFFFFFE10]  }
0xe2: {  	v5 =	vld [tilespmem:s16+$0xFFFFFE90]  }
0xe3: {  	v0 =	vmax.f32 v0, v1;
	v1 =	vld [tilespmem:s16+$0xFFFFFF10]  }
0xe4: {  	v0 =	vmax.f32 v0, v2;
	v2 =	vld [tilespmem:s16+$0xFFFFFF90]  }
0xe5: {  	v0 =	vmax.f32 v0, v3;
	v3 =	vld [tilespmem:s16+$0x10]  }
0xe6: {  	v0 =	vmax.f32 v0, v4;
	v4 =	vld [tilespmem:s16+$0x90]  }
0xe7: {  	v0 =	vmax.f32 v0, v5;
	v5 =	vld [tilespmem:s16+$0x110]  }
0xe8: {  	v0 =	vmax.f32 v0, v1;
	v1 =	vld [tilespmem:s16+$0x190]  }
0xe9: {  	v0 =	vmax.f32 v0, v2;
	v2 =	vld [tilespmem:s16+$0x210]  }
0xea: {  	v0 =	vmax.f32 v0, v3;
	v3 =	vld [tilespmem:s16+$0x290]  }
0xeb: {  	v0 =	vmax.f32 v0, v4;
	v4 =	vld [tilespmem:s16+$0x310]  }
0xec: {  	v0 =	vmax.f32 v0, v5;
	v5 =	vld [tilespmem:s16+$0x390]  }
0xed: {  	v0 =	vmax.f32 v0, v1  }
0xee: {  	v0 =	vmax.f32 v0, v2  }
0xef: {  	v0 =	vmax.f32 v0, v3  }
0xf0: {  	v0 =	vmax.f32 v0, v4  }
0xf1: {  	v0 =	vmax.f32 v0, v5  }
0xf2: {  	[tilespmem:s14+$0x4090] =	vst v0  }
0xf3: {  	v0 =	vld [tilespmem:s16+$0xFFFFFC20]  }
0xf4: {  	v1 =	vld [tilespmem:s16+$0xFFFFFCA0]  }
0xf5: {  	v2 =	vld [tilespmem:s16+$0xFFFFFD20]  }
0xf6: {  	v3 =	vld [tilespmem:s16+$0xFFFFFDA0]  }
0xf7: {  	v4 =	vld [tilespmem:s16+$0xFFFFFE20]  }
0xf8: {  	v5 =	vld [tilespmem:s16+$0xFFFFFEA0]  }
0xf9: {  	v0 =	vmax.f32 v0, v1;
	v1 =	vld [tilespmem:s16+$0xFFFFFF20]  }
0xfa: {  	v0 =	vmax.f32 v0, v2;
	v2 =	vld [tilespmem:s16+$0xFFFFFFA0]  }
0xfb: {  	v0 =	vmax.f32 v0, v3;
	v3 =	vld [tilespmem:s16+$0x20]  }
0xfc: {  	v0 =	vmax.f32 v0, v4;
	v4 =	vld [tilespmem:s16+$0xA0]  }
0xfd: {  	v0 =	vmax.f32 v0, v5;
	v5 =	vld [tilespmem:s16+$0x120]  }
0xfe: {  	v0 =	vmax.f32 v0, v1;
	v1 =	vld [tilespmem:s16+$0x1A0]  }
0xff: {  	v0 =	vmax.f32 v0, v2;
	v2 =	vld [tilespmem:s16+$0x220]  }
0x100: {  	v0 =	vmax.f32 v0, v3;
	v3 =	vld [tilespmem:s16+$0x2A0]  }
0x101: {  	v0 =	vmax.f32 v0, v4;
	v4 =	vld [tilespmem:s16+$0x320]  }
0x102: {  	v0 =	vmax.f32 v0, v5;
	v5 =	vld [tilespmem:s16+$0x3A0]  }
0x103: {  	v0 =	vmax.f32 v0, v1  }
0x104: {  	v0 =	vmax.f32 v0, v2  }
0x105: {  	v0 =	vmax.f32 v0, v3  }
0x106: {  	v0 =	vmax.f32 v0, v4  }
0x107: {  	v0 =	vmax.f32 v0, v5  }
0x108: {  	[tilespmem:s14+$0x40A0] =	vst v0  }
0x109: {  	v0 =	vld [tilespmem:s16+$0xFFFFFC30]  }
0x10a: {  	v1 =	vld [tilespmem:s16+$0xFFFFFCB0]  }
0x10b: {  	v2 =	vld [tilespmem:s16+$0xFFFFFD30]  }
0x10c: {  	v3 =	vld [tilespmem:s16+$0xFFFFFDB0]  }
0x10d: {  	v4 =	vld [tilespmem:s16+$0xFFFFFE30]  }
0x10e: {  	v5 =	vld [tilespmem:s16+$0xFFFFFEB0]  }
0x10f: {  	v0 =	vmax.f32 v0, v1;
	v1 =	vld [tilespmem:s16+$0xFFFFFF30]  }
0x110: {  	v0 =	vmax.f32 v0, v2;
	v2 =	vld [tilespmem:s16+$0xFFFFFFB0]  }
0x111: {  	v0 =	vmax.f32 v0, v3;
	v3 =	vld [tilespmem:s16+$0x30]  }
0x112: {  	v0 =	vmax.f32 v0, v4;
	v4 =	vld [tilespmem:s16+$0xB0]  }
0x113: {  	v0 =	vmax.f32 v0, v5;
	v5 =	vld [tilespmem:s16+$0x130]  }
0x114: {  	v0 =	vmax.f32 v0, v1;
	v1 =	vld [tilespmem:s16+$0x1B0]  }
0x115: {  	v0 =	vmax.f32 v0, v2;
	v2 =	vld [tilespmem:s16+$0x230]  }
0x116: {  	v0 =	vmax.f32 v0, v3;
	v3 =	vld [tilespmem:s16+$0x2B0]  }
0x117: {  	v0 =	vmax.f32 v0, v4;
	v4 =	vld [tilespmem:s16+$0x330]  }
0x118: {  	v0 =	vmax.f32 v0, v5;
	v5 =	vld [tilespmem:s16+$0x3B0]  }
0x119: {  	v0 =	vmax.f32 v0, v1  }
0x11a: {  	v0 =	vmax.f32 v0, v2  }
0x11b: {  	v0 =	vmax.f32 v0, v3  }
0x11c: {  	v0 =	vmax.f32 v0, v4  }
0x11d: {  	v0 =	vmax.f32 v0, v5  }
0x11e: {  	[tilespmem:s14+$0x40B0] =	vst v0  }
0x11f: {  	v0 =	vld [tilespmem:s16+$0xFFFFFC40]  }
0x120: {  	v1 =	vld [tilespmem:s16+$0xFFFFFCC0]  }
0x121: {  	v2 =	vld [tilespmem:s16+$0xFFFFFD40]  }
0x122: {  	v3 =	vld [tilespmem:s16+$0xFFFFFDC0]  }
0x123: {  	v4 =	vld [tilespmem:s16+$0xFFFFFE40]  }
0x124: {  	v5 =	vld [tilespmem:s16+$0xFFFFFEC0]  }
0x125: {  	v0 =	vmax.f32 v0, v1;
	v1 =	vld [tilespmem:s16+$0xFFFFFF40]  }
0x126: {  	v0 =	vmax.f32 v0, v2;
	v2 =	vld [tilespmem:s16+$0xFFFFFFC0]  }
0x127: {  	v0 =	vmax.f32 v0, v3;
	v3 =	vld [tilespmem:s16+$0x40]  }
0x128: {  	v0 =	vmax.f32 v0, v4;
	v4 =	vld [tilespmem:s16+$0xC0]  }
0x129: {  	v0 =	vmax.f32 v0, v5;
	v5 =	vld [tilespmem:s16+$0x140]  }
0x12a: {  	v0 =	vmax.f32 v0, v1;
	v1 =	vld [tilespmem:s16+$0x1C0]  }
0x12b: {  	v0 =	vmax.f32 v0, v2;
	v2 =	vld [tilespmem:s16+$0x240]  }
0x12c: {  	v0 =	vmax.f32 v0, v3;
	v3 =	vld [tilespmem:s16+$0x2C0]  }
0x12d: {  	v0 =	vmax.f32 v0, v4;
	v4 =	vld [tilespmem:s16+$0x340]  }
0x12e: {  	v0 =	vmax.f32 v0, v5;
	v5 =	vld [tilespmem:s16+$0x3C0]  }
0x12f: {  	v0 =	vmax.f32 v0, v1  }
0x130: {  	v0 =	vmax.f32 v0, v2  }
0x131: {  	v0 =	vmax.f32 v0, v3  }
0x132: {  	v0 =	vmax.f32 v0, v4  }
0x133: {  	v0 =	vmax.f32 v0, v5  }
0x134: {  	[tilespmem:s14+$0x40C0] =	vst v0  }
0x135: {  	v0 =	vld [tilespmem:s16+$0xFFFFFC50]  }
0x136: {  	v1 =	vld [tilespmem:s16+$0xFFFFFCD0]  }
0x137: {  	v2 =	vld [tilespmem:s16+$0xFFFFFD50]  }
0x138: {  	v3 =	vld [tilespmem:s16+$0xFFFFFDD0]  }
0x139: {  	v4 =	vld [tilespmem:s16+$0xFFFFFE50]  }
0x13a: {  	v5 =	vld [tilespmem:s16+$0xFFFFFED0]  }
0x13b: {  	v0 =	vmax.f32 v0, v1;
	v1 =	vld [tilespmem:s16+$0xFFFFFF50]  }
0x13c: {  	v0 =	vmax.f32 v0, v2;
	v2 =	vld [tilespmem:s16+$0xFFFFFFD0]  }
0x13d: {  	v0 =	vmax.f32 v0, v3;
	v3 =	vld [tilespmem:s16+$0x50]  }
0x13e: {  	v0 =	vmax.f32 v0, v4;
	v4 =	vld [tilespmem:s16+$0xD0]  }
0x13f: {  	v0 =	vmax.f32 v0, v5;
	v5 =	vld [tilespmem:s16+$0x150]  }
0x140: {  	v0 =	vmax.f32 v0, v1;
	v1 =	vld [tilespmem:s16+$0x1D0]  }
0x141: {  	v0 =	vmax.f32 v0, v2;
	v2 =	vld [tilespmem:s16+$0x250]  }
0x142: {  	v0 =	vmax.f32 v0, v3;
	v3 =	vld [tilespmem:s16+$0x2D0]  }
0x143: {  	v0 =	vmax.f32 v0, v4;
	v4 =	vld [tilespmem:s16+$0x350]  }
0x144: {  	v0 =	vmax.f32 v0, v5;
	v5 =	vld [tilespmem:s16+$0x3D0]  }
0x145: {  	v0 =	vmax.f32 v0, v1  }
0x146: {  	v0 =	vmax.f32 v0, v2  }
0x147: {  	v0 =	vmax.f32 v0, v3  }
0x148: {  	v0 =	vmax.f32 v0, v4  }
0x149: {  	v0 =	vmax.f32 v0, v5  }
0x14a: {  	[tilespmem:s14+$0x40D0] =	vst v0  }
0x14b: {  	v0 =	vld [tilespmem:s16+$0xFFFFFC60]  }
0x14c: {  	v1 =	vld [tilespmem:s16+$0xFFFFFCE0]  }
0x14d: {  	v2 =	vld [tilespmem:s16+$0xFFFFFD60]  }
0x14e: {  	v3 =	vld [tilespmem:s16+$0xFFFFFDE0]  }
0x14f: {  	v4 =	vld [tilespmem:s16+$0xFFFFFE60]  }
0x150: {  	v5 =	vld [tilespmem:s16+$0xFFFFFEE0]  }
0x151: {  	v0 =	vmax.f32 v0, v1;
	v1 =	vld [tilespmem:s16+$0xFFFFFF60]  }
0x152: {  	v0 =	vmax.f32 v0, v2;
	v2 =	vld [tilespmem:s16+$0xFFFFFFE0]  }
0x153: {  	v0 =	vmax.f32 v0, v3;
	v3 =	vld [tilespmem:s16+$0x60]  }
0x154: {  	v0 =	vmax.f32 v0, v4;
	v4 =	vld [tilespmem:s16+$0xE0]  }
0x155: {  	v0 =	vmax.f32 v0, v5;
	v5 =	vld [tilespmem:s16+$0x160]  }
0x156: {  	v0 =	vmax.f32 v0, v1;
	v1 =	vld [tilespmem:s16+$0x1E0]  }
0x157: {  	v0 =	vmax.f32 v0, v2;
	v2 =	vld [tilespmem:s16+$0x260]  }
0x158: {  	v0 =	vmax.f32 v0, v3;
	v3 =	vld [tilespmem:s16+$0x2E0]  }
0x159: {  	v0 =	vmax.f32 v0, v4;
	v4 =	vld [tilespmem:s16+$0x360]  }
0x15a: {  	v0 =	vmax.f32 v0, v5;
	v5 =	vld [tilespmem:s16+$0x3E0]  }
0x15b: {  	v0 =	vmax.f32 v0, v1  }
0x15c: {  	v0 =	vmax.f32 v0, v2  }
0x15d: {  	v0 =	vmax.f32 v0, v3  }
0x15e: {  	v0 =	vmax.f32 v0, v4  }
0x15f: {  	v0 =	vmax.f32 v0, v5  }
0x160: {  	[tilespmem:s14+$0x40E0] =	vst v0  }
0x161: {  	v0 =	vld [tilespmem:s16+$0xFFFFFC70]  }
0x162: {  	v1 =	vld [tilespmem:s16+$0xFFFFFCF0]  }
0x163: {  	v2 =	vld [tilespmem:s16+$0xFFFFFD70]  }
0x164: {  	v3 =	vld [tilespmem:s16+$0xFFFFFDF0]  }
0x165: {  	v5 =	vld [tilespmem:s16+$0xFFFFFE70]  }
0x166: {  	v6 =	vld [tilespmem:s16+$0xFFFFFEF0]  }
0x167: {  	v0 =	vmax.f32 v0, v1;
	v7 =	vld [tilespmem:s16+$0xFFFFFF70]  }
0x168: {  	v0 =	vmax.f32 v0, v2;
	v8 =	vld [tilespmem:s16+$0xFFFFFFF0]  }
.Ltmp0:
0x169: {  	v0 =	vmax.f32 v0, v3;
	v4 =	vld [tilespmem:s16+$0x70];
	(pc) =	sbr.rel @p0 .LBB2_3-.Ltmp0, $4  }
0x16a: {  	v0 =	vmax.f32 v0, v5;
	v1 =	vld [tilespmem:s16+$0xF0]  }
0x16b: {  	v0 =	vmax.f32 v0, v6;
	v2 =	vld [tilespmem:s16+$0x170]  }
0x16c: {  	v3 =	vmax.f32 v0, v7;
	v0 =	vld [tilespmem:s16+$0x1F0]  }
0x16d: {  	v5 =	vmax.f32 v3, v8;
	v3 =	vld [tilespmem:s16+$0x270]  }
0x16e: {  	v4 =	vmax.f32 v5, v4;
	v61 =	vld [tilespmem:s13+$0x2F0]  }
0x16f: {  	v62 =	vld [tilespmem:s13+$0x370];
	v1 =	vmax.f32 v4, v1  }
0x170: {  	v63 =	vld [tilespmem:s13+$0x3F0];
	v1 =	vmax.f32 v1, v2  }
0x171: {  	v0 =	vmax.f32 v1, v0  }
0x172: {  	v0 =	vmax.f32 v0, v3  }
0x173: {  	v0 =	vmax.f32 v0, v61  }
0x174: {  	s31 =	sshll.u32 s12, $0x7;
	s12 =	sadd.s32 $0x1, s12;
	v0 =	vmax.f32 v0, v62  }
0x175: {  	p0 =	sne.s32 s12, $0x20;
	v0 =	vmax.f32 v0, v63  }
.Ltmp1:
0x176: {  	s13 =	sadd.s32 s31, s5;
	[tilespmem:s14+$0x40F0] =	vst v0;
	(pc) =	sbr.rel @p0 .LBB2_2-.Ltmp1, $4  }
0x177: {  	[hbm4b:s13+s2] =	stream.linear.scatter [tilespmem:s10], [sflag:$0x2], $0x400, $0x38;
	[tilespmem:$0x4480] =	vst v63  }
0x178: {  	_ =	swait.ge [sflag:s7], $0x400  }
0x179: {  	[sflag:s7] =	ssyncset.done $0x0  }
0x17a: {  	[sflag:s7] =	ssyncadd.s32 $0xFFFFFC00  }
0x17b: {  	s11 =	sadd.s32 $0x1, s11  }
0x17c: {  	p0 =	sne.s32 s11, s6  }
.Ltmp2:
0x17d: {  	_ = 	snop;
	(pc) =	sbr.rel @p0 .LBB2_1-.Ltmp2, $1  }
0x17e: {  	_ =	sdelay $0x3  }
0x17f: {  	_ =	sfence.sel $0x180000  }
0x180: {  	[bflag:$0x0] =	sbarrier.arrive $0xFFFF  }
0x181: {  	p0 =	sne.s32 s1, $0x0;
	_ =	strace $0x9000004A  }
0x182: {  	s0 =	sadd.s32 @!p0 $0x100000, s0;
	[bflag:$0x2] =	sbarrier.arrive $0xFFFF  }
0x183: {  	[sflag:s0] =	ssyncadd.tile.s32 @!p0 $0x1;
	_ =	shalt  }
.Lfunc_end2:
_tile_overlayer_lowered:
.L_overlay_start_2:
0x184: {  	(tag) =	ssettag $0x2  }
0x185: {  	s0 =	rddreg [dreg:$0x0];
	s2 =	stileid.u32  }
0x186: {  	s1 =	rddreg [dreg:$0x1];
	p0 =	sne.s32 s2, $0x0  }
0x187: {  	s3 =	rddreg [dreg:$0x2];
	[bflag:$0x3] =	sbarrier.arrive $0xFFFF;
	s2 =	simm.s32 @!p0 $0x1C02  }
0x188: {  	[timem:s3], [sflag:s2] =	dma.local @!p0 [hbm:s0], s1  }
0x189: {  	s0 =	simm.s32 @!p0 $0x2  }
0x18a: {  	_ =	swait.ge @!p0 [sflag:s0], s1  }
0x18b: {  	s1 =	ssub.s32 @!p0 $0x0, s1;
	[sflag:s0] =	ssyncset.done @!p0 $0x0  }
0x18c: {  	[sflag:s0] =	ssyncadd.s32 @!p0 s1  }
0x18d: {  	[bflag:$0x3] =	sbarrier.arrive $0xFFFF  }
0x18e: {  	_ =	shalt  }

// kernel: kernel.7.cloned.1.call-start
scs
__scs_entry_jumppad:
0x0: {  	(pc) =	sbr.rel $0x88, $3  }
0x1: {  	(tag) =	ssettag $0x0;
	lr =	simm.s32 $0x1  }
0x2: {  	[smem:$0x3F99] =	sst lr;
	_ =	strace $0xD0000000  }
0x3: {  	_ = 	snop  }
0x4: {  	_ = 	snop  }
0x5: {  	_ = 	snop  }
0x6: {  	_ = 	snop  }
0x7: {  	_ = 	snop  }
__scs_overlays_trampoline_lowered:
0x8: {  	[smem:$0x3FA8] =	sst s0  }
0x9: {  	[smem:$0x3FA9] =	sst s1  }
0xa: {  	[smem:$0x3FAA] =	sst s2  }
0xb: {  	[smem:$0x3FAB] =	sst s3  }
0xc: {  	[smem:$0x3FAC] =	sst s4  }
0xd: {  	[smem:$0x3FAD] =	sst s5  }
0xe: {  	[smem:$0x3FAE] =	sst s6  }
0xf: {  	[smem:$0x3FAF] =	sst s7  }
0x10: {  	[smem:$0x3FB0] =	sst s8  }
0x11: {  	[smem:$0x3FB1] =	sst s9;
	s0 =	simm.s32 @!p0 $0x0  }
0x12: {  	s1 =	sld [smem:$0x3F97];
	s0 =	simm.s32 @p0 $0x1  }
0x13: {  	[smem:$0x3FB2] =	sst s0;
	s0 =	simm.s32 @!p1 $0x0  }
0x14: {  	s2 =	sld [smem:$0x3F96];
	s0 =	simm.s32 @p1 $0x1  }
0x15: {  	[smem:$0x3FB3] =	sst s0;
	s0 =	simm.s32 @!p2 $0x0  }
0x16: {  	s3 =	sld [smem:$0x3FDB];
	s0 =	simm.s32 @p2 $0x1  }
0x17: {  	s4 =	simm.s32 $0x1BF5;
	[smem:$0x3FB5] =	sst s0  }
0x18: {  	s0 =	sld [smem:$0x3F98];
	_ =	swait.ge [sflag:s4], $0x0  }
0x19: {  	s7 =	sld [smem:$0x3F99]  }
0x1a: {  	s8 =	sadd.s32 $0xFFFFE003, lr  }
0x1b: {  	s9 =	sadd.s32 $0xFFFFFEF7, lr;
	s5 =	simm.s32 $0xFFFFFFFF;
	p2 =	slt.u32 s8, $0xFFFFF086  }
0x1c: {  	p1 =	slt.u32 s9, $0xF7A;
	s5 =	simm.s32 @!p2 $0x0  }
0x1d: {  	s5 =	simm.s32 @p1 $0x1;
	p0 =	seq.s32 s7, s2  }
0x1e: {  	s7 =	smul.u32 @!p0 $0xF7A, s2;
	p2 =	seq.s32 @!p0 s5, $0x0  }
0x1f: {  	s9 =	smul.u32 $0xF7A, s1;
	s8 =	simm.s32 @!p0 $0x1BF5;
	p2 =	por !p2, p0  }
0x20: {  	[sflag:s8] =	ssyncset.s32 @!p0 $0xFFFFF086;
	s6 =	sadd.s32 @!p0 s3, s7;
	s7 =	simm.s32 @!p0 $0x108  }
0x21: {  	s3 =	sadd.s32 s3, s9;
	s6 =	sadd.s32 @!p0 $0x88, s6;
	s7 =	simm.s32 @p2 $0x1082  }
0x22: {  	[simem:s7], [sflag:s8] =	dma.local @!p0 [hbm:s6], $0xF7A  }
0x23: {  	s9 =	sor.u32 $0xD0000000, s2;
	s6 =	simm.s32 $0x108;
	_ =	swait.ge @!p0 [sflag:s8], $0x0  }
0x24: {  	s3 =	sadd.s32 $0x88, s3;
	s6 =	simm.s32 @!p1 $0x1082;
	[sflag:s4] =	ssyncset.s32 $0xFFFFF086  }
0x25: {  	[simem:s6], [sflag:s4] =	dma.local [hbm:s3], $0xF7A  }
0x26: {  	[smem:$0x3F99] =	sst s1;
	(tag) =	ssettag s2;
	_ =	strace s9  }
0x27: {  	s1 =	sld [smem:$0x3FA9]  }
0x28: {  	s2 =	sld [smem:$0x3FAA]  }
0x29: {  	s4 =	sld [smem:$0x3FAC]  }
0x2a: {  	p0 =	seq.s32 s5, $0x0;
	s5 =	sld [smem:$0x3FAD]  }
0x2b: {  	s6 =	sld [smem:$0x3FAE]  }
0x2c: {  	s7 =	sld [smem:$0x3FAF]  }
0x2d: {  	s3 =	simm.s32 $0x108;
	s8 =	sld [smem:$0x3FB0]  }
0x2e: {  	s3 =	simm.s32 @!p0 $0x1082;
	s9 =	sld [smem:$0x3FB1]  }
0x2f: {  	lr =	sadd.s32 s0, s3;
	s0 =	sld [smem:$0x3FA8]  }
0x30: {  	s3 =	sld [smem:$0x3FAB]  }
0x31: {  	[smem:$0x3FB4] =	sst s10  }
0x32: {  	s10 =	sld [smem:$0x3FB2];
	_ =	sdelay $0x3  }
0x33: {  	p0 =	seq.s32 s10, $0x1;
	s10 =	sld [smem:$0x3FB4];
	_ =	sdelay $0x3  }
0x34: {  	[smem:$0x3FB4] =	sst s10  }
0x35: {  	s10 =	sld [smem:$0x3FB3];
	_ =	sdelay $0x3  }
0x36: {  	p1 =	seq.s32 s10, $0x1;
	s10 =	sld [smem:$0x3FB4];
	_ =	sdelay $0x3  }
0x37: {  	[smem:$0x3FB4] =	sst s10  }
0x38: {  	s10 =	sld [smem:$0x3FB5]  }
0x39: {  	_ = 	snop;
	(pc) =	sbr.ind lr, $3  }
0x3a: {  	_ = 	snop  }
0x3b: {  	_ = 	snop  }
0x3c: {  	p2 =	seq.s32 s10, $0x1;
	s10 =	sld [smem:$0x3FB4]  }
0x3d: {  	_ =	shalt  }
0x3e: {  	_ =	shalt  }
0x3f: {  	_ =	shalt  }
0x40: {  	_ =	shalt  }
0x41: {  	_ =	shalt  }
0x42: {  	_ =	shalt  }
0x43: {  	_ =	shalt  }
0x44: {  	_ =	shalt  }
0x45: {  	_ =	shalt  }
0x46: {  	_ =	shalt  }
0x47: {  	_ =	shalt  }
0x48: {  	_ =	shalt  }
0x49: {  	_ =	shalt  }
0x4a: {  	_ =	shalt  }
0x4b: {  	_ =	shalt  }
0x4c: {  	_ =	shalt  }
0x4d: {  	_ =	shalt  }
0x4e: {  	_ =	shalt  }
0x4f: {  	_ =	shalt  }
0x50: {  	_ =	shalt  }
0x51: {  	_ =	shalt  }
0x52: {  	_ =	shalt  }
0x53: {  	_ =	shalt  }
0x54: {  	_ =	shalt  }
0x55: {  	_ =	shalt  }
0x56: {  	_ =	shalt  }
0x57: {  	_ =	shalt  }
0x58: {  	_ =	shalt  }
0x59: {  	_ =	shalt  }
0x5a: {  	_ =	shalt  }
0x5b: {  	_ =	shalt  }
0x5c: {  	_ =	shalt  }
0x5d: {  	_ =	shalt  }
0x5e: {  	_ =	shalt  }
0x5f: {  	_ =	shalt  }
0x60: {  	_ =	shalt  }
0x61: {  	_ =	shalt  }
0x62: {  	_ =	shalt  }
0x63: {  	_ =	shalt  }
0x64: {  	_ =	shalt  }
0x65: {  	_ =	shalt  }
0x66: {  	_ =	shalt  }
0x67: {  	_ =	shalt  }
0x68: {  	_ =	shalt  }
0x69: {  	_ =	shalt  }
0x6a: {  	_ =	shalt  }
0x6b: {  	_ =	shalt  }
0x6c: {  	_ =	shalt  }
0x6d: {  	_ =	shalt  }
0x6e: {  	_ =	shalt  }
0x6f: {  	_ =	shalt  }
0x70: {  	_ =	shalt  }
0x71: {  	_ =	shalt  }
0x72: {  	_ =	shalt  }
0x73: {  	_ =	shalt  }
0x74: {  	_ =	shalt  }
0x75: {  	_ =	shalt  }
0x76: {  	_ =	shalt  }
0x77: {  	_ =	shalt  }
0x78: {  	_ =	shalt  }
0x79: {  	_ =	shalt  }
0x7a: {  	_ =	shalt  }
0x7b: {  	_ =	shalt  }
0x7c: {  	_ =	shalt  }
0x7d: {  	_ =	shalt  }
0x7e: {  	_ =	shalt  }
0x7f: {  	_ =	shalt  }
0x80: {  	_ =	shalt  }
0x81: {  	_ =	shalt  }
0x82: {  	_ =	shalt  }
0x83: {  	_ =	shalt  }
0x84: {  	_ =	shalt  }
0x85: {  	_ =	shalt  }
0x86: {  	_ =	shalt  }
0x87: {  	_ =	shalt  }
.Lfunc_end0:
.L_simem_size_0:
called_computation_lowered:
.L_overlay_start_0:
0x88: {  	s2 =	sld [smem:$0x3FD9]  }
0x89: {  	s3 =	sld [smem:$0x3FFE];
	_ =	sdelay $0x1  }
0x8a: {  	s1 =	srdreg.scid  }
0x8b: {  	s0 =	sand.u32 $0x1, s1  }
0x8c: {  	s14 =	sshll.u32 s0, $0xA;
	s2 =	sadd.s32 s3, s2  }
0x8d: {  	s2 =	sadd.s32 s2, s14  }
0x8e: {  	[smem:$0x3FC0] =	sst s2  }
0x8f: {  	_ = 	snop  }
0x90: {  	s2 =	sld [smem:$0x3FD0];
	_ =	sdelay $0x2  }
0x91: {  	s15 =	simm.s32 $0xA;
	s4 =	simm.s32 $0x10  }
0x92: {  	[smem:s4], [sflag:s15] =	dma.local [hbm:s2], $0x1  }
0x93: {  	_ =	swait.eq [sflag:s15], $0x1  }
0x94: {  	[sflag:s15] =	ssyncset.done $0x0  }
0x95: {  	s16 =	sld [smem:$0x10];
	[sflag:s15] =	ssyncadd.s32 $0xFFFFFFFF  }
0x96: {  	s17 =	sld [smem:$0x11];
	(tm) =	ssettm $0x1  }
0x97: {  	s18 =	sld [smem:$0x3FFB];
	_ =	sdelay $0x3  }
0x98: {  	_ =	strace s18  }
0x99: {  	s4 =	sld [smem:$0x3FFC];
	_ =	sdelay $0x3  }
0x9a: {  	_ =	strace s4  }
0x9b: {  	s4 =	sld [smem:$0x3FFD];
	_ =	sdelay $0x3  }
0x9c: {  	_ =	strace s4  }
0x9d: {  	_ =	strace $0x8FFFFFFF  }
0x9e: {  	s19 =	sld [smem:$0x3FDB];
	_ =	sdelay $0x1  }
0x9f: {  	s5 =	simm.s32 $_scs_section_size  }
0xa0: {  	s6 =	simm.s32 $_size__tile_overlayer_lowered;
	s7 =	simm.s32 $_tile_overlayer_lowered  }
0xa1: {  	s22 =	simm.s32 $0x1BFF;
	s21 =	sshll.u32 s7, $0x1;
	s4 =	sadd.s32 s5, s19  }
0xa2: {  	s8 =	simm.s32 $0x0;
	s20 =	sshll.u32 s6, $0x1;
	s6 =	sadd.s32 s21, s4  }
0xa3: {  	[timem:s8], [sflag:s22] =	dma.local [hbm:s6], s20  }
0xa4: {  	_ =	swait.ge [sflag:s22], s20  }
0xa5: {  	s5 =	ssub.s32 $0x0, s20;
	[sflag:s22] =	ssyncset.done $0x0  }
0xa6: {  	[sflag:s22] =	ssyncadd.s32 s5;
	_ =	sdelay $0x1  }
0xa7: {  	s23 =	simm.s32 $0x1B8B  }
0xa8: {  	_ =	swait.ge [sflag:s23], $0x1  }
0xa9: {  	[sflag:s23] =	ssyncset.done $0x0  }
0xaa: {  	s25 =	simm.s32 $0x1B8E;
	s24 =	sld [smem:$0x3FFE];
	[sflag:s23] =	ssyncadd.s32 $0xFFFFFFFF  }
0xab: {  	s26 =	simm.s32 $execute0_lowered;
	[smem:$0x3FD2] =	sst s25  }
0xac: {  	s6 =	sshll.u32 s26, $0x1;
	_ =	strace $0x80000046;
	[dreg:$0x1] =	wrdreg $0xFFFFFFFF  }
0xad: {  	s28 =	simm.s32 $_size_execute0_lowered;
	s4 =	sadd.s32 s4, s6;
	[dreg:$0x0] =	wrdreg $0x0  }
0xae: {  	s6 =	sshll.u32 s28, $0x1;
	[dreg:$0x2] =	wrdreg s4  }
0xaf: {  	[dreg:$0x3] =	wrdreg s6  }
0xb0: {  	[dreg:$0x4] =	wrdreg $0xC0  }
0xb1: {  	_ =	task [dreg:s8], $0x5FFFF  }
0xb2: {  	[dreg:$0x1] =	wrdreg $0xFFFFFFFF  }
0xb3: {  	[dreg:$0x0] =	wrdreg $0x60  }
0xb4: {  	[dreg:$0x2] =	wrdreg s24  }
0xb5: {  	[dreg:$0x3] =	wrdreg s16  }
0xb6: {  	[dreg:$0x4] =	wrdreg s17  }
0xb7: {  	[dreg:$0x5] =	wrdreg $0x9  }
0xb8: {  	_ =	task.clear_ibuf [dreg:s8], $0x6FFFF;
	_ =	strace $0x90000046  }
0xb9: {  	s29 =	simm.s32 $0x9;
	_ =	strace $0x80000048  }
0xba: {  	_ =	swait.ge [sflag:s29], $0x1  }
0xbb: {  	[sflag:s29] =	ssyncadd.s32 $0xFFFFFFFF  }
0xbc: {  	_ =	strace $0x90000048  }
0xbd: {  	_ =	sfence  }
0xbe: {  	s30 =	sld [smem:$0x0];
	_ =	sdelay $0x2  }
0xbf: {  	s31 =	sshll.u32 s1, $0xD;
	s1 =	sshrl.u32 s1, $0x2  }
0xc0: {  	s3 =	sand.u32 $0x4000, s31;
	s1 =	sadd.s32 s1, s30  }
0xc1: {  	s0 =	sor.u32 s3, s0;
	s1 =	sshll.u32 s1, $0x11  }
0xc2: {  	s0 =	sor.u32 s1, s0  }
0xc3: {  	s0 =	sadd.s32 $0x8F2B, s0  }
0xc4: {  	[sflag:s0] =	ssyncadd.remote.s32 $0x1  }
0xc5: {  	_ =	sfence.sel $0xFFFF  }
0xc6: {  	[dreg:$0x0] =	wrdreg $0xFFFFFFFF;
	(pc) =	sbr.abs _section_cstart, $3  }
0xc7: {  	[dreg:$0x1] =	wrdreg $0xFFFFFFFF  }
0xc8: {  	_ =	task.clear_ibuf [dreg:s8], $0x2FFFF;
	_ =	strace $0x9FFFFFFF  }
0xc9: {  	(tm) =	ssettm $0x7FFFFFFF  }
tec
execute0_lowered:
.L_overlay_start_1:
0x0: {  	(tag) =	ssettag $0x1  }
0x1: {  	s5 =	rddreg [dreg:$0x0];
	s1 =	srdreg.scid  }
0x2: {  	s9 =	rddreg [dreg:$0x1];
	s0 =	stileid.u32;
	s10 =	sand.u32 $0x1, s1  }
0x3: {  	s11 =	rddreg [dreg:$0x2];
	s3 =	sshll.u32 s0, $0x9;
	s4 =	sshll.u32 s10, $0x8  }
0x4: {  	s2 =	simm.s32 $0x0;
	s1 =	rddreg [dreg:$0x3];
	s12 =	sor.u32 s4, s3  }
0x5: {  	[smem:$0x7FF] =	sst s2;
	s3 =	sshrl.u32 s12, $0x3  }
0x6: {  	_ =	strace $0x80000047;
	s4 =	sadd.s32 s9, s3;
	s3 =	simm.s32 $0x2  }
0x7: {  	[tilespmem:s2], [sflag:$0x2] =	stream.linear.gather [hbm4b:s4+s2], $0x80, $0x38;
	[tilespmem:$0x4080] =	vst v63  }
0x8: {  	_ =	swait.ge [sflag:s3], $0x80  }
0x9: {  	s6 =	simm.s32 $0x80;
	[sflag:s3] =	ssyncset.done $0x0  }
0xa: {  	s7 =	simm.s32 $0x1;
	s5 =	sadd.s32 $0x2400, s5;
	[sflag:s3] =	ssyncadd.s32 $0xFFFFFF80  }
0xb: {  	[tilespmem:s6], [sflag:$0x1] =	stream.indirect.gather [hbm4b:s5+s6], $0x80, s2, s6, $0xb8;
	[tilespmem:$0x4080] =	vst v63  }
0xc: {  	_ =	swait.ge [sflag:s7], $0x4000  }
0xd: {  	s8 =	sshll.u32 s12, $0x4;
	[sflag:s7] =	ssyncset.done $0x0  }
0xe: {  	s8 =	sadd.s32 s11, s8;
	[sflag:s7] =	ssyncadd.s32 $0xFFFFC000  }
0xf: {  	[hbm4b:s8+s2] =	stream.linear.scatter [tilespmem:s6], [sflag:$0x2], $0x4000, $0x38;
	[tilespmem:$0x4080] =	vst v63  }
0x10: {  	s12 =	sor.u32 $0x80, s12;
	_ =	swait.ge [sflag:s3], $0x4000  }
0x11: {  	s13 =	sshrl.u32 s12, $0x3;
	[sflag:s3] =	ssyncset.done $0x0  }
0x12: {  	s10 =	ssub.s32 $0x2, s10;
	s9 =	sadd.s32 s9, s13;
	[sflag:s3] =	ssyncadd.s32 $0xFFFFC000  }
0x13: {  	[tilespmem:s2], [sflag:$0x2] =	stream.linear.gather [hbm4b:s9+s2], $0x80, $0x38;
	[tilespmem:$0x4080] =	vst v63  }
0x14: {  	s29 =	sshrl.u32 s10, $0x1;
	_ =	swait.ge [sflag:s3], $0x80  }
0x15: {  	s13 =	ssub.s32 s10, s29;
	[sflag:s3] =	ssyncset.done $0x0  }
0x16: {  	s31 =	smax.u32 s13, $0x1;
	[sflag:s3] =	ssyncadd.s32 $0xFFFFFF80  }
0x17: {  	[tilespmem:s6], [sflag:$0x1] =	stream.indirect.gather [hbm4b:s5+s6], $0x80, s2, s6, $0xb8;
	[tilespmem:$0x4080] =	vst v63  }
0x18: {  	p0 =	sne.s32 s31, $0x1;
	_ =	swait.ge [sflag:s7], $0x4000  }
.Ltmp0:
0x19: {  	s30 =	sshll.u32 s12, $0x4;
	[sflag:s7] =	ssyncset.done $0x0;
	(pc) =	sbr.rel @!p0 .LBB2_2-.Ltmp0, $4  }
0x1a: {  	s10 =	sadd.s32 s11, s30;
	[sflag:s7] =	ssyncadd.s32 $0xFFFFC000  }
0x1b: {  	[hbm4b:s10+s2] =	stream.linear.scatter [tilespmem:s6], [sflag:$0x2], $0x4000, $0x38;
	[tilespmem:$0x4080] =	vst v63  }
0x1c: {  	_ =	swait.ge [sflag:s3], $0x4000  }
0x1d: {  	s11 =	sadd.s32 $0xFFFFFFFF, s31;
	[sflag:s3] =	ssyncset.done $0x0  }
.LBB2_1:
0x1e: {  	p0 =	sne.s32 s11, $0x1;
	s11 =	sadd.s32 $0xFFFFFFFF, s11;
	[sflag:s3] =	ssyncadd.s32 $0xFFFFC000  }
0x1f: {  	[tilespmem:s2], [sflag:$0x2] =	stream.linear.gather [hbm4b:s4+s2], $0x80, $0x38;
	[tilespmem:$0x4080] =	vst v63  }
0x20: {  	_ =	swait.ge [sflag:s3], $0x80  }
0x21: {  	[sflag:s3] =	ssyncset.done $0x0  }
0x22: {  	[sflag:s3] =	ssyncadd.s32 $0xFFFFFF80  }
0x23: {  	[tilespmem:s6], [sflag:$0x1] =	stream.indirect.gather [hbm4b:s5+s6], $0x80, s2, s6, $0xb8;
	[tilespmem:$0x4080] =	vst v63  }
0x24: {  	_ =	swait.ge [sflag:s7], $0x4000  }
0x25: {  	[sflag:s7] =	ssyncset.done $0x0  }
0x26: {  	[sflag:s7] =	ssyncadd.s32 $0xFFFFC000  }
0x27: {  	[hbm4b:s8+s2] =	stream.linear.scatter [tilespmem:s6], [sflag:$0x2], $0x4000, $0x38;
	[tilespmem:$0x4080] =	vst v63  }
0x28: {  	_ =	swait.ge [sflag:s3], $0x4000  }
0x29: {  	[sflag:s3] =	ssyncset.done $0x0  }
0x2a: {  	[sflag:s3] =	ssyncadd.s32 $0xFFFFC000  }
0x2b: {  	[tilespmem:s2], [sflag:$0x2] =	stream.linear.gather [hbm4b:s9+s2], $0x80, $0x38;
	[tilespmem:$0x4080] =	vst v63  }
0x2c: {  	_ =	swait.ge [sflag:s3], $0x80  }
0x2d: {  	[sflag:s3] =	ssyncset.done $0x0  }
0x2e: {  	[sflag:s3] =	ssyncadd.s32 $0xFFFFFF80  }
0x2f: {  	[tilespmem:s6], [sflag:$0x1] =	stream.indirect.gather [hbm4b:s5+s6], $0x80, s2, s6, $0xb8;
	[tilespmem:$0x4080] =	vst v63  }
0x30: {  	_ =	swait.ge [sflag:s7], $0x4000  }
.Ltmp1:
0x31: {  	[sflag:s7] =	ssyncset.done $0x0;
	(pc) =	sbr.rel @p0 .LBB2_1-.Ltmp1, $4  }
0x32: {  	[sflag:s7] =	ssyncadd.s32 $0xFFFFC000  }
0x33: {  	[hbm4b:s10+s2] =	stream.linear.scatter [tilespmem:s6], [sflag:$0x2], $0x4000, $0x38;
	[tilespmem:$0x4080] =	vst v63  }
0x34: {  	_ =	swait.ge [sflag:s3], $0x4000  }
0x35: {  	[sflag:s3] =	ssyncset.done $0x0  }
.LBB2_2:
0x36: {  	[sflag:s3] =	ssyncadd.s32 $0xFFFFC000  }
0x37: {  	_ =	sfence.sel $0x180000  }
0x38: {  	[bflag:$0x0] =	sbarrier.arrive $0xFFFF  }
0x39: {  	p0 =	sne.s32 s0, $0x0;
	_ =	strace $0x90000047  }
0x3a: {  	s0 =	sadd.s32 @!p0 $0x100000, s1;
	[bflag:$0x2] =	sbarrier.arrive $0xFFFF  }
0x3b: {  	[sflag:s0] =	ssyncadd.tile.s32 @!p0 $0x1;
	_ =	shalt  }
.Lfunc_end2:
_tile_overlayer_lowered:
.L_overlay_start_2:
0x3c: {  	(tag) =	ssettag $0x2  }
0x3d: {  	s0 =	rddreg [dreg:$0x0];
	s2 =	stileid.u32  }
0x3e: {  	s1 =	rddreg [dreg:$0x1];
	p0 =	sne.s32 s2, $0x0  }
0x3f: {  	s3 =	rddreg [dreg:$0x2];
	[bflag:$0x3] =	sbarrier.arrive $0xFFFF;
	s2 =	simm.s32 @!p0 $0x1C02  }
0x40: {  	[timem:s3], [sflag:s2] =	dma.local @!p0 [hbm:s0], s1  }
0x41: {  	s0 =	simm.s32 @!p0 $0x2  }
0x42: {  	_ =	swait.ge @!p0 [sflag:s0], s1  }
0x43: {  	s1 =	ssub.s32 @!p0 $0x0, s1;
	[sflag:s0] =	ssyncset.done @!p0 $0x0  }
0x44: {  	[sflag:s0] =	ssyncadd.s32 @!p0 s1  }
0x45: {  	[bflag:$0x3] =	sbarrier.arrive $0xFFFF  }
0x46: {  	_ =	shalt  }

</sc_bundles>
